<compile_context>
chip_gen: v7x
topology: tpu7x:2x2x1
jax: 0.10.2.dev20260603
libtpu: 0.0.44.dev20260713+nightly
codegen_flags: <defaults>
</compile_context>

<pallas_src>
import dataclasses
import functools

import jax
import jax.numpy as jnp
from jax import lax
from jax.experimental import pallas as pl
from jax.experimental.pallas import tpu as pltpu
from jax.experimental.pallas import tpu_sc as plsc

_N = 10000
_E = 320000
_D = 128
_H = 128

_NC = 2
_NS = 16
_LANE = 128

_NPAD = 10112
_NB = _NPAD // 128
_NROWS_TILE = _NPAD // _NS
_EROWS = 2560
_EPAD = _EROWS * _LANE
_RPT = _EROWS // (_NC * _NS)
_KB = 8
_RPT0 = _RPT
_RPT1 = 2 * _RPT - _RPT0
_FB = _KB * _LANE

_MESH = plsc.VectorSubcoreMesh(core_axis_name="c", subcore_axis_name="s",
                               num_cores=_NC, num_subcores=_NS)

_SC_CP = pltpu.CompilerParams()
if "needs_layout_passes" in pltpu.CompilerParams.__dataclass_fields__:
    _SC_CP = dataclasses.replace(_SC_CP, needs_layout_passes=False)


def _sc_pool_body(h_hbm, src_hbm, dst_hbm, pooled_out, src_v, dst_v,
                  rows_a, rows_b, acc_sh, gsa, gsb, ssa, ssb):
    cid = lax.axis_index("c")
    sid = lax.axis_index("s")
    zero16 = jnp.zeros((16,), jnp.float32)

    @pl.loop(0, _LANE)
    def _(r):
        @pl.loop(0, _D, step=16)
        def _(c):
            rows_a[r, pl.ds(c, 16)] = zero16

    row0 = sid * _NROWS_TILE
    _nfull = _NROWS_TILE // _LANE
    _tail = _NROWS_TILE % _LANE

    @pl.loop(0, _nfull)
    def _(k):
        pltpu.sync_copy(rows_a, acc_sh.at[pl.ds(row0 + k * _LANE, _LANE)])

    if _tail:
        pltpu.sync_copy(rows_a.at[pl.ds(0, _tail)],
                        acc_sh.at[pl.ds(row0 + _nfull * _LANE, _tail)])

    plsc.subcore_barrier()

    base = jnp.where(cid == 0, sid * _RPT0, _NS * _RPT0 + sid * _RPT1)
    nblk = jnp.where(cid == 0, _RPT0 // _KB, _RPT1 // _KB)
    bufs = (rows_a, rows_b)
    gsems = (gsa, gsb)
    ssems = (ssa, ssb)

    @pl.loop(0, max(_RPT0, _RPT1) // _KB)
    def _(b):
        @pl.when(b < nblk)
        def _():
            pltpu.sync_copy(src_hbm.at[pl.ds(base + b * _KB, _KB)], src_v)
            pltpu.sync_copy(dst_hbm.at[pl.ds(base + b * _KB, _KB)], dst_v)
            pltpu.async_copy(h_hbm.at[src_v.at[0]], bufs[0], gsems[0])
            for j in range(_KB):
                p = j & 1
                q = p ^ 1
                if j + 1 < _KB:
                    if j >= 1:
                        pltpu.make_async_copy(bufs[q], acc_sh.at[dst_v.at[j - 1]],
                                              ssems[q]).wait()
                    pltpu.async_copy(h_hbm.at[src_v.at[j + 1]], bufs[q], gsems[q])
                pltpu.make_async_copy(h_hbm.at[src_v.at[j]], bufs[p], gsems[p]).wait()
                pltpu.async_copy(bufs[p], acc_sh.at[dst_v.at[j]], ssems[p], add=True)
            for j in (_KB - 2, _KB - 1):
                p = j & 1
                pltpu.make_async_copy(bufs[p], acc_sh.at[dst_v.at[j]], ssems[p]).wait()

    plsc.subcore_barrier()

    @pl.loop(0, _nfull)
    def _(k):
        pltpu.sync_copy(acc_sh.at[pl.ds(row0 + k * _LANE, _LANE)],
                        pooled_out.at[cid].at[pl.ds(row0 + k * _LANE, _LANE)])

    if _tail:
        pltpu.sync_copy(acc_sh.at[pl.ds(row0 + _nfull * _LANE, _tail)],
                        pooled_out.at[cid].at[pl.ds(row0 + _nfull * _LANE, _tail)])


_sc_pool = pl.kernel(
    _sc_pool_body,
    out_type=jax.ShapeDtypeStruct((_NC, _NPAD, _D), jnp.float32),
    mesh=_MESH,
    scratch_types=[
        pltpu.VMEM((_KB, _LANE), jnp.int32),
        pltpu.VMEM((_KB, _LANE), jnp.int32),
        pltpu.VMEM((_LANE, _D), jnp.float32),
        pltpu.VMEM((_LANE, _D), jnp.float32),
        pltpu.VMEM_SHARED((_NPAD, _D), jnp.float32),
        pltpu.SemaphoreType.DMA,
        pltpu.SemaphoreType.DMA,
        pltpu.SemaphoreType.DMA,
        pltpu.SemaphoreType.DMA,
    ],
)


def _sc_deg_body(dstf_hbm, deg_out, dst_f, hist_v, red_a, red_b, stage_sh):
    cid = lax.axis_index("c")
    sid = lax.axis_index("s")
    zero16 = jnp.zeros((16,), jnp.float32)
    one16 = jnp.ones((16,), jnp.float32)

    @pl.loop(0, _NPAD, step=16)
    def _(c):
        hist_v[pl.ds(c, 16)] = zero16

    ebase = (cid * _NS + sid) * _RPT * _LANE

    @pl.loop(0, _RPT // _KB)
    def _(b):
        pltpu.sync_copy(dstf_hbm.at[pl.ds(ebase + b * _FB, _FB)], dst_f)

        @pl.loop(0, _FB, step=16)
        def _(c):
            plsc.addupdate_scatter(hist_v, [dst_f[pl.ds(c, 16)]], one16)

    pltpu.sync_copy(hist_v, stage_sh.at[pl.ds(sid * _NPAD, _NPAD)])
    plsc.subcore_barrier()

    @pl.loop(0, 5)
    def _(k):
        blk = sid * 5 + k

        @pl.when(blk < _NB)
        def _():
            off = blk * _LANE
            pltpu.sync_copy(stage_sh.at[pl.ds(off, _LANE)], red_a)

            @pl.loop(1, _NS)
            def _(t):
                pltpu.sync_copy(stage_sh.at[pl.ds(t * _NPAD + off, _LANE)], red_b)

                @pl.loop(0, _LANE, step=16)
                def _(c):
                    red_a[pl.ds(c, 16)] = red_a[pl.ds(c, 16)] + red_b[pl.ds(c, 16)]

            pltpu.sync_copy(red_a, deg_out.at[pl.ds(cid * _NPAD + off, _LANE)])


_sc_deg = pl.kernel(
    _sc_deg_body,
    out_type=jax.ShapeDtypeStruct((_NC * _NPAD,), jnp.float32),
    mesh=_MESH,
    compiler_params=_SC_CP,
    scratch_types=[
        pltpu.VMEM((_FB,), jnp.int32),
        pltpu.VMEM((_NPAD,), jnp.float32),
        pltpu.VMEM((_LANE,), jnp.float32),
        pltpu.VMEM((_LANE,), jnp.float32),
        pltpu.VMEM_SHARED((_NS * _NPAD,), jnp.float32),
    ],
)


def _mlp_bn_body(p_ref, deg_ref, w1_ref, b1_ref, w2_ref, b2_ref, g_ref, bt_ref, o_ref):
    p = p_ref[0] + p_ref[1]
    deg = jnp.maximum(deg_ref[0] + deg_ref[1], 1.0)
    pooled = (p.reshape(_NB, 128, _D) / deg[:, :, None]).reshape(_NPAD, _D)
    x = jnp.dot(pooled, w1_ref[...], preferred_element_type=jnp.float32) + b1_ref[...]
    x = jnp.maximum(x, 0.0)
    x = jnp.dot(x, w2_ref[...], preferred_element_type=jnp.float32) + b2_ref[...]
    mask = lax.broadcasted_iota(jnp.int32, (_NPAD, 1), 0) < _N
    xm = jnp.where(mask, x, 0.0)
    mean = jnp.sum(xm, axis=0, keepdims=True) * (1.0 / _N)
    d = jnp.where(mask, x - mean, 0.0)
    var = jnp.sum(d * d, axis=0, keepdims=True) * (1.0 / _N)
    y = (x - mean) * lax.rsqrt(var + 1e-5) * g_ref[...] + bt_ref[...]
    o_ref[...] = jnp.maximum(y, 0.0)


_mlp_bn = pl.pallas_call(
    _mlp_bn_body,
    out_shape=jax.ShapeDtypeStruct((_NPAD, _H), jnp.float32),
)


def kernel(feats, edge_index, W1_0, b1_0, W2_0, b2_0, gamma_0, beta_0,
           W1_1, b1_1, W2_1, b2_1, gamma_1, beta_1):
    dst = edge_index[0]
    src = edge_index[1]
    npad = _EPAD - _E
    ar = jnp.arange(npad, dtype=dst.dtype)
    pad_src = ar % _N
    pad_dst = _N + (ar % (_NPAD - _N))
    src_p = jnp.concatenate([src, pad_src]).reshape(_EROWS, _LANE)
    dst_p = jnp.concatenate([dst, pad_dst]).reshape(_EROWS, _LANE)

    deg2 = _sc_deg(dst_p.reshape(-1)).reshape(_NC, _NB, _LANE)
    pooled2 = _sc_pool(feats, src_p, dst_p)
    h1 = _mlp_bn(pooled2, deg2, W1_0, b1_0.reshape(1, -1), W2_0, b2_0.reshape(1, -1),
                 gamma_0.reshape(1, -1), beta_0.reshape(1, -1))
    pooled2b = _sc_pool(h1, src_p, dst_p)
    h2 = _mlp_bn(pooled2b, deg2, W1_1, b1_1.reshape(1, -1), W2_1, b2_1.reshape(1, -1),
                 gamma_1.reshape(1, -1), beta_1.reshape(1, -1))
    return h2[:_N]

# --- scband reference (transcript-rebuilt; emitter-appended) ---
"""Pipeline reference for scband-graph-cnn-9045201125817 (READ-ONLY COPY).

The authoritative reference and input builder live on the scoring server;
editing this copy changes nothing except your own understanding.
"""

import jax, jax.numpy as jnp
import numpy as np

N = 10000
E = 320000
D = 128
H = 128


def setup_inputs(seed: int = 0) -> dict:
    key = jax.random.key(seed)
    ks = jax.random.split(key, 16)
    feats = jax.random.normal(ks[0], (N, D), dtype=jnp.float32)
    edge_index = jax.random.randint(ks[1], (2, E), 0, N, dtype=jnp.int32)
    s = 0.05
    inp = {"feats": feats, "edge_index": edge_index}
    dims = [(D, H), (H, H)]
    for i, (din, dh) in enumerate(dims):
        k0, k1 = jax.random.split(ks[2 + i])
        inp[f"W1_{i}"] = jax.random.normal(k0, (din, dh), dtype=jnp.float32) * s
        inp[f"b1_{i}"] = jnp.zeros((dh,), dtype=jnp.float32)
        inp[f"W2_{i}"] = jax.random.normal(k1, (dh, dh), dtype=jnp.float32) * s
        inp[f"b2_{i}"] = jnp.zeros((dh,), dtype=jnp.float32)
        inp[f"gamma_{i}"] = jnp.ones((dh,), dtype=jnp.float32)
        inp[f"beta_{i}"] = jnp.zeros((dh,), dtype=jnp.float32)
    return inp


def _layer(h, src, dst, W1, b1, W2, b2, gamma, beta):
    # pooled = spmm(Adj, h): Adj[dst, src] = 1 -> scatter-add of gathered rows
    pooled = jax.ops.segment_sum(h[src], dst, num_segments=N)
    # average pooling: degree = spmm(Adj, ones)
    deg = jax.ops.segment_sum(jnp.ones((src.shape[0], 1), dtype=jnp.float32), dst, num_segments=N)
    pooled = pooled / jnp.maximum(deg, 1.0)
    # GIN-style 2-layer MLP
    x = jax.nn.relu(pooled @ W1 + b1)
    x = x @ W2 + b2
    # BatchNorm1d (training-mode batch stats, biased var, eps=1e-5)
    mean = jnp.mean(x, axis=0)
    var = jnp.var(x, axis=0)
    x = (x - mean) / jnp.sqrt(var + 1e-5) * gamma + beta
    return jax.nn.relu(x)


def reference(feats, edge_index, W1_0, b1_0, W2_0, b2_0, gamma_0, beta_0, W1_1, b1_1, W2_1, b2_1, gamma_1, beta_1):
    dst = edge_index[0]
    src = edge_index[1]
    h = _layer(feats, src, dst, W1_0, b1_0, W2_0, b2_0, gamma_0, beta_0)
    h = _layer(h, src, dst, W1_1, b1_1, W2_1, b2_1, gamma_1, beta_1)
    return h

if __name__ == "__main__":
    import jax
    _d = setup_inputs()
    print(jax.jit(kernel)(*tuple(_d.values())))

</pallas_src>

<mosaic_0001>
#map = affine_map<(d0, d1) -> (0)>
module attributes {stable_mosaic.version = 14 : i64} {
  func.func @_sc_deg_body(%arg0: i32, %arg1: i32, %arg2: memref<327680xi32, #tpu.memory_space<hbm>>, %arg3: memref<20224xf32, #tpu.memory_space<hbm>>, %arg4: memref<1024xi32, #tpu.memory_space<vmem>>, %arg5: memref<10112xf32, #tpu.memory_space<vmem>>, %arg6: memref<128xf32, #tpu.memory_space<vmem>>, %arg7: memref<128xf32, #tpu.memory_space<vmem>>, %arg8: memref<161792xf32, #tpu.memory_space<vmem_shared>>) attributes {dimension_semantics = [#tpu.dimension_semantics<core_parallel>, #tpu.dimension_semantics<subcore_parallel>], iteration_bounds = array<i64: 2, 16>, scalar_prefetch = 0 : i64, scratch_operands = 5 : i64, tpu.core_type = #tpu.core_type<sc_vector_subcore>, window_params = [{transform_indices = #map}, {transform_indices = #map}]} {
    %broadcast_in_dim3A = arith.constant 0.000000e+00 : f32
    %broadcast_in_dim3A_0 = vector.broadcast %broadcast_in_dim3A : f32 to vector<16xf32>
    %broadcast_in_dim3A_1 = arith.constant 1.000000e+00 : f32
    %broadcast_in_dim3A_2 = vector.broadcast %broadcast_in_dim3A_1 : f32 to vector<16xf32>
    %scan3A = arith.constant 0 : i32
    %scan3A_3 = arith.constant 632 : i32
    %scan3A_4 = arith.addi %scan3A, %scan3A_3 : i32
    %scan3A_5 = arith.constant 1 : i32
    scf.for %scan3A_24 = %scan3A to %scan3A_4 step %scan3A_5  : i32 {
      %mul3A_25 = arith.constant 16 : i32
      %mul3A_26 = arith.muli %scan3A_24, %mul3A_25 : i32
      %add3A_27 = arith.constant 0 : i32
      %add3A_28 = arith.addi %add3A_27, %mul3A_26 : i32
      %swap3A = arith.index_cast %add3A_28 : i32 to index
      %swap3A_29 = tpu.vector_load %arg5[%swap3A] {strides = array<i32>} : memref<10112xf32, #tpu.memory_space<vmem>>, vector<16xf32>,
      tpu.vector_store %arg5[%swap3A], %broadcast_in_dim3A_0 {strides = array<i32>} : memref<10112xf32, #tpu.memory_space<vmem>>, vector<16xf32>,
    }
    %scan3A_6 = arith.constant 632 : i32
    %mul3A = arith.constant 16 : i32
    %mul3A_7 = arith.muli %arg0, %mul3A : i32
    %add3A = arith.addi %mul3A_7, %arg1 : i32
    %mul3A_8 = arith.constant 80 : i32
    %mul3A_9 = arith.muli %add3A, %mul3A_8 : i32
    %mul3A_10 = arith.constant 128 : i32
    %mul3A_11 = arith.muli %mul3A_9, %mul3A_10 : i32
    %scan3A_12 = arith.constant 0 : i32
    %scan3A_13 = arith.constant 10 : i32
    %scan3A_14 = arith.addi %scan3A_12, %scan3A_13 : i32
    %scan3A_15 = arith.constant 1 : i32
    scf.for %scan3A_24 = %scan3A_12 to %scan3A_14 step %scan3A_15  : i32 {
      %mul3A_25 = arith.constant 1 : i32
      %mul3A_26 = arith.muli %scan3A_24, %mul3A_25 : i32
      %add3A_27 = arith.constant 0 : i32
      %add3A_28 = arith.addi %add3A_27, %mul3A_26 : i32
      %mul3A_29 = arith.constant 1024 : i32
      %mul3A_30 = arith.muli %add3A_28, %mul3A_29 : i32
      %add3A_31 = arith.addi %mul3A_11, %mul3A_30 : i32
      "tpu.region"() ({
        %run_scoped3A = tpu.sem_alloc : memref<!tpu.dma_semaphore, #tpu.memory_space<semaphore_mem>>
        %dma_start3A = tpu.memref_slice %arg2[%add3A_31] : memref<327680xi32, #tpu.memory_space<hbm>> -> memref<1024xi32, #tpu.memory_space<hbm>>
        %dma_start3A_37 = tpu.memref_slice %arg2[%add3A_31] : memref<327680xi32, #tpu.memory_space<hbm>> -> memref<1024xi32, #tpu.memory_space<hbm>>
        tpu.enqueue_dma source(%dma_start3A_37 : memref<1024xi32, #tpu.memory_space<hbm>>) target(%arg4 : memref<1024xi32, #tpu.memory_space<vmem>>) target_semaphore(%run_scoped3A : memref<!tpu.dma_semaphore, #tpu.memory_space<semaphore_mem>>)
        %dma_wait3A = tpu.memref_slice %arg2[%add3A_31] : memref<327680xi32, #tpu.memory_space<hbm>> -> memref<1024xi32, #tpu.memory_space<hbm>>
        %dma_wait3A_38 = tpu.memref_slice %arg2[%add3A_31] : memref<327680xi32, #tpu.memory_space<hbm>> -> memref<1024xi32, #tpu.memory_space<hbm>>
        tpu.wait_dma2 semaphore(%run_scoped3A : memref<!tpu.dma_semaphore, #tpu.memory_space<semaphore_mem>>) src(%dma_wait3A_38 : memref<1024xi32, #tpu.memory_space<hbm>>) dst(%arg4 : memref<1024xi32, #tpu.memory_space<vmem>>)
        tpu.yield
      }) : () -> ()
      %scan3A_32 = arith.constant 0 : i32
      %scan3A_33 = arith.constant 64 : i32
      %scan3A_34 = arith.addi %scan3A_32, %scan3A_33 : i32
      %scan3A_35 = arith.constant 1 : i32
      scf.for %scan3A_37 = %scan3A_32 to %scan3A_34 step %scan3A_35  : i32 {
        %mul3A_38 = arith.constant 16 : i32
        %mul3A_39 = arith.muli %scan3A_37, %mul3A_38 : i32
        %add3A_40 = arith.constant 0 : i32
        %add3A_41 = arith.addi %add3A_40, %mul3A_39 : i32
        %get3A = arith.index_cast %add3A_41 : i32 to index
        %get3A_42 = tpu.vector_load %arg4[%get3A] {strides = array<i32>} : memref<1024xi32, #tpu.memory_space<vmem>>, vector<16xi32>,
        tpu.vector_store_idx %arg5[%get3A_42], %broadcast_in_dim3A_2 {add = true} : memref<10112xf32, #tpu.memory_space<vmem>>[vector<16xi32>], vector<16xf32>,
      }
      %scan3A_36 = arith.constant 64 : i32
    }
    %scan3A_16 = arith.constant 10 : i32
    %mul3A_17 = arith.constant 10112 : i32
    %mul3A_18 = arith.muli %arg1, %mul3A_17 : i32
    "tpu.region"() ({
      %run_scoped3A = tpu.sem_alloc : memref<!tpu.dma_semaphore, #tpu.memory_space<semaphore_mem>>
      %dma_start3A = tpu.memref_slice %arg8[%mul3A_18] : memref<161792xf32, #tpu.memory_space<vmem_shared>> -> memref<10112xf32, #tpu.memory_space<vmem_shared>>
      %dma_start3A_24 = tpu.memref_slice %arg8[%mul3A_18] : memref<161792xf32, #tpu.memory_space<vmem_shared>> -> memref<10112xf32, #tpu.memory_space<vmem_shared>>
      tpu.enqueue_dma source(%arg5 : memref<10112xf32, #tpu.memory_space<vmem>>) target(%dma_start3A_24 : memref<10112xf32, #tpu.memory_space<vmem_shared>>) target_semaphore(%run_scoped3A : memref<!tpu.dma_semaphore, #tpu.memory_space<semaphore_mem>>)
      %dma_wait3A = tpu.memref_slice %arg8[%mul3A_18] : memref<161792xf32, #tpu.memory_space<vmem_shared>> -> memref<10112xf32, #tpu.memory_space<vmem_shared>>
      %dma_wait3A_25 = tpu.memref_slice %arg8[%mul3A_18] : memref<161792xf32, #tpu.memory_space<vmem_shared>> -> memref<10112xf32, #tpu.memory_space<vmem_shared>>
      tpu.wait_dma2 semaphore(%run_scoped3A : memref<!tpu.dma_semaphore, #tpu.memory_space<semaphore_mem>>) src(%arg5 : memref<10112xf32, #tpu.memory_space<vmem>>) dst(%dma_wait3A_25 : memref<10112xf32, #tpu.memory_space<vmem_shared>>)
      tpu.yield
    }) : () -> ()
    %barrier3A = arith.constant 0 : index
    tpu.barrier barrier_id(%barrier3A)
    %scan3A_19 = arith.constant 0 : i32
    %scan3A_20 = arith.constant 5 : i32
    %scan3A_21 = arith.addi %scan3A_19, %scan3A_20 : i32
    %scan3A_22 = arith.constant 1 : i32
    scf.for %scan3A_24 = %scan3A_19 to %scan3A_21 step %scan3A_22  : i32 {
      %mul3A_25 = arith.constant 1 : i32
      %mul3A_26 = arith.muli %scan3A_24, %mul3A_25 : i32
      %add3A_27 = arith.constant 0 : i32
      %add3A_28 = arith.addi %add3A_27, %mul3A_26 : i32
      %mul3A_29 = arith.constant 5 : i32
      %mul3A_30 = arith.muli %arg1, %mul3A_29 : i32
      %add3A_31 = arith.addi %mul3A_30, %add3A_28 : i32
      %lt3A = arith.constant 79 : i32
      %lt3A_32 = arith.cmpi slt, %add3A_31, %lt3A : i32
      %convert_element_type3A = arith.extui %lt3A_32 : i1 to i32
      %cond3A = arith.constant 0 : i32
      %cond3A_33 = arith.cmpi ne, %convert_element_type3A, %cond3A : i32
      scf.if %cond3A_33 {
        %mul3A_34 = arith.constant 128 : i32
        %mul3A_35 = arith.muli %add3A_31, %mul3A_34 : i32
        "tpu.region"() ({
          %run_scoped3A = tpu.sem_alloc : memref<!tpu.dma_semaphore, #tpu.memory_space<semaphore_mem>>
          %dma_start3A = tpu.memref_slice %arg8[%mul3A_35] : memref<161792xf32, #tpu.memory_space<vmem_shared>> -> memref<128xf32, #tpu.memory_space<vmem_shared>>
          %dma_start3A_44 = tpu.memref_slice %arg8[%mul3A_35] : memref<161792xf32, #tpu.memory_space<vmem_shared>> -> memref<128xf32, #tpu.memory_space<vmem_shared>>
          tpu.enqueue_dma source(%dma_start3A_44 : memref<128xf32, #tpu.memory_space<vmem_shared>>) target(%arg6 : memref<128xf32, #tpu.memory_space<vmem>>) target_semaphore(%run_scoped3A : memref<!tpu.dma_semaphore, #tpu.memory_space<semaphore_mem>>)
          %dma_wait3A = tpu.memref_slice %arg8[%mul3A_35] : memref<161792xf32, #tpu.memory_space<vmem_shared>> -> memref<128xf32, #tpu.memory_space<vmem_shared>>
          %dma_wait3A_45 = tpu.memref_slice %arg8[%mul3A_35] : memref<161792xf32, #tpu.memory_space<vmem_shared>> -> memref<128xf32, #tpu.memory_space<vmem_shared>>
          tpu.wait_dma2 semaphore(%run_scoped3A : memref<!tpu.dma_semaphore, #tpu.memory_space<semaphore_mem>>) src(%dma_wait3A_45 : memref<128xf32, #tpu.memory_space<vmem_shared>>) dst(%arg6 : memref<128xf32, #tpu.memory_space<vmem>>)
          tpu.yield
        }) : () -> ()
        %scan3A_36 = arith.constant 0 : i32
        %scan3A_37 = arith.constant 15 : i32
        %scan3A_38 = arith.addi %scan3A_36, %scan3A_37 : i32
        %scan3A_39 = arith.constant 1 : i32
        scf.for %scan3A_44 = %scan3A_36 to %scan3A_38 step %scan3A_39  : i32 {
          %mul3A_45 = arith.constant 1 : i32
          %mul3A_46 = arith.muli %scan3A_44, %mul3A_45 : i32
          %add3A_47 = arith.constant 1 : i32
          %add3A_48 = arith.addi %add3A_47, %mul3A_46 : i32
          %mul3A_49 = arith.constant 10112 : i32
          %mul3A_50 = arith.muli %add3A_48, %mul3A_49 : i32
          %add3A_51 = arith.addi %mul3A_50, %mul3A_35 : i32
          "tpu.region"() ({
            %run_scoped3A = tpu.sem_alloc : memref<!tpu.dma_semaphore, #tpu.memory_space<semaphore_mem>>
            %dma_start3A = tpu.memref_slice %arg8[%add3A_51] : memref<161792xf32, #tpu.memory_space<vmem_shared>> -> memref<128xf32, #tpu.memory_space<vmem_shared>>
            %dma_start3A_57 = tpu.memref_slice %arg8[%add3A_51] : memref<161792xf32, #tpu.memory_space<vmem_shared>> -> memref<128xf32, #tpu.memory_space<vmem_shared>>
            tpu.enqueue_dma source(%dma_start3A_57 : memref<128xf32, #tpu.memory_space<vmem_shared>>) target(%arg7 : memref<128xf32, #tpu.memory_space<vmem>>) target_semaphore(%run_scoped3A : memref<!tpu.dma_semaphore, #tpu.memory_space<semaphore_mem>>)
            %dma_wait3A = tpu.memref_slice %arg8[%add3A_51] : memref<161792xf32, #tpu.memory_space<vmem_shared>> -> memref<128xf32, #tpu.memory_space<vmem_shared>>
            %dma_wait3A_58 = tpu.memref_slice %arg8[%add3A_51] : memref<161792xf32, #tpu.memory_space<vmem_shared>> -> memref<128xf32, #tpu.memory_space<vmem_shared>>
            tpu.wait_dma2 semaphore(%run_scoped3A : memref<!tpu.dma_semaphore, #tpu.memory_space<semaphore_mem>>) src(%dma_wait3A_58 : memref<128xf32, #tpu.memory_space<vmem_shared>>) dst(%arg7 : memref<128xf32, #tpu.memory_space<vmem>>)
            tpu.yield
          }) : () -> ()
          %scan3A_52 = arith.constant 0 : i32
          %scan3A_53 = arith.constant 8 : i32
          %scan3A_54 = arith.addi %scan3A_52, %scan3A_53 : i32
          %scan3A_55 = arith.constant 1 : i32
          scf.for %scan3A_57 = %scan3A_52 to %scan3A_54 step %scan3A_55  : i32 {
            %mul3A_58 = arith.constant 16 : i32
            %mul3A_59 = arith.muli %scan3A_57, %mul3A_58 : i32
            %add3A_60 = arith.constant 0 : i32
            %add3A_61 = arith.addi %add3A_60, %mul3A_59 : i32
            %get3A = arith.index_cast %add3A_61 : i32 to index
            %get3A_62 = tpu.vector_load %arg6[%get3A] {strides = array<i32>} : memref<128xf32, #tpu.memory_space<vmem>>, vector<16xf32>,
            %get3A_63 = arith.index_cast %add3A_61 : i32 to index
            %get3A_64 = tpu.vector_load %arg7[%get3A_63] {strides = array<i32>} : memref<128xf32, #tpu.memory_space<vmem>>, vector<16xf32>,
            %add3A_65 = arith.addf %get3A_62, %get3A_64 : vector<16xf32>
            %swap3A = arith.index_cast %add3A_61 : i32 to index
            %swap3A_66 = tpu.vector_load %arg6[%swap3A] {strides = array<i32>} : memref<128xf32, #tpu.memory_space<vmem>>, vector<16xf32>,
            tpu.vector_store %arg6[%swap3A], %add3A_65 {strides = array<i32>} : memref<128xf32, #tpu.memory_space<vmem>>, vector<16xf32>,
          }
          %scan3A_56 = arith.constant 8 : i32
        }
        %scan3A_40 = arith.constant 15 : i32
        %mul3A_41 = arith.constant 10112 : i32
        %mul3A_42 = arith.muli %arg0, %mul3A_41 : i32
        %add3A_43 = arith.addi %mul3A_42, %mul3A_35 : i32
        "tpu.region"() ({
          %run_scoped3A = tpu.sem_alloc : memref<!tpu.dma_semaphore, #tpu.memory_space<semaphore_mem>>
          %dma_start3A = tpu.memref_slice %arg3[%add3A_43] : memref<20224xf32, #tpu.memory_space<hbm>> -> memref<128xf32, #tpu.memory_space<hbm>>
          %dma_start3A_44 = tpu.memref_slice %arg3[%add3A_43] : memref<20224xf32, #tpu.memory_space<hbm>> -> memref<128xf32, #tpu.memory_space<hbm>>
          tpu.enqueue_dma source(%arg6 : memref<128xf32, #tpu.memory_space<vmem>>) target(%dma_start3A_44 : memref<128xf32, #tpu.memory_space<hbm>>) target_semaphore(%run_scoped3A : memref<!tpu.dma_semaphore, #tpu.memory_space<semaphore_mem>>)
          %dma_wait3A = tpu.memref_slice %arg3[%add3A_43] : memref<20224xf32, #tpu.memory_space<hbm>> -> memref<128xf32, #tpu.memory_space<hbm>>
          %dma_wait3A_45 = tpu.memref_slice %arg3[%add3A_43] : memref<20224xf32, #tpu.memory_space<hbm>> -> memref<128xf32, #tpu.memory_space<hbm>>
          tpu.wait_dma2 semaphore(%run_scoped3A : memref<!tpu.dma_semaphore, #tpu.memory_space<semaphore_mem>>) src(%arg6 : memref<128xf32, #tpu.memory_space<vmem>>) dst(%dma_wait3A_45 : memref<128xf32, #tpu.memory_space<hbm>>)
          tpu.yield
        }) : () -> ()
      } else {
      }
    }
    %scan3A_23 = arith.constant 5 : i32
    return
  }
}

#map = affine_map<(d0, d1) -> (0, 0)>
#map1 = affine_map<(d0, d1) -> (0, 0, 0)>
module attributes {stable_mosaic.version = 14 : i64} {
  func.func @_sc_pool_body(%arg0: i32, %arg1: i32, %arg2: memref<10000x128xf32, #tpu.memory_space<hbm>>, %arg3: memref<2560x128xi32, #tpu.memory_space<hbm>>, %arg4: memref<2560x128xi32, #tpu.memory_space<hbm>>, %arg5: memref<2x10112x128xf32, #tpu.memory_space<hbm>>, %arg6: memref<8x128xi32, #tpu.memory_space<vmem>>, %arg7: memref<8x128xi32, #tpu.memory_space<vmem>>, %arg8: memref<128x128xf32, #tpu.memory_space<vmem>>, %arg9: memref<128x128xf32, #tpu.memory_space<vmem>>, %arg10: memref<10112x128xf32, #tpu.memory_space<vmem_shared>>, %arg11: memref<!tpu.dma_semaphore, #tpu.memory_space<semaphore_mem>>, %arg12: memref<!tpu.dma_semaphore, #tpu.memory_space<semaphore_mem>>, %arg13: memref<!tpu.dma_semaphore, #tpu.memory_space<semaphore_mem>>, %arg14: memref<!tpu.dma_semaphore, #tpu.memory_space<semaphore_mem>>) attributes {dimension_semantics = [#tpu.dimension_semantics<core_parallel>, #tpu.dimension_semantics<subcore_parallel>], iteration_bounds = array<i64: 2, 16>, scalar_prefetch = 0 : i64, scratch_operands = 9 : i64, tpu.core_type = #tpu.core_type<sc_vector_subcore>, window_params = [{transform_indices = #map}, {transform_indices = #map}, {transform_indices = #map}, {transform_indices = #map1}]} {
    %broadcast_in_dim3A = arith.constant 0.000000e+00 : f32
    %broadcast_in_dim3A_0 = vector.broadcast %broadcast_in_dim3A : f32 to vector<16xf32>
    %scan3A = arith.constant 0 : i32
    %scan3A_1 = arith.constant 128 : i32
    %scan3A_2 = arith.addi %scan3A, %scan3A_1 : i32
    %scan3A_3 = arith.constant 1 : i32
    scf.for %scan3A_38 = %scan3A to %scan3A_2 step %scan3A_3  : i32 {
      %mul3A_39 = arith.constant 1 : i32
      %mul3A_40 = arith.muli %scan3A_38, %mul3A_39 : i32
      %add3A_41 = arith.constant 0 : i32
      %add3A_42 = arith.addi %add3A_41, %mul3A_40 : i32
      %scan3A_43 = arith.constant 0 : i32
      %scan3A_44 = arith.constant 8 : i32
      %scan3A_45 = arith.addi %scan3A_43, %scan3A_44 : i32
      %scan3A_46 = arith.constant 1 : i32
      scf.for %scan3A_48 = %scan3A_43 to %scan3A_45 step %scan3A_46  : i32 {
        %mul3A_49 = arith.constant 16 : i32
        %mul3A_50 = arith.muli %scan3A_48, %mul3A_49 : i32
        %add3A_51 = arith.constant 0 : i32
        %add3A_52 = arith.addi %add3A_51, %mul3A_50 : i32
        %swap3A = arith.index_cast %add3A_42 : i32 to index
        %swap3A_53 = arith.index_cast %add3A_52 : i32 to index
        %swap3A_54 = tpu.vector_load %arg8[%swap3A, %swap3A_53] {strides = array<i32>} : memref<128x128xf32, #tpu.memory_space<vmem>>, vector<1x16xf32>,
        %swap3A_55 = vector.shape_cast %swap3A_54 : vector<1x16xf32> to vector<16xf32>
        %swap3A_56 = vector.shape_cast %broadcast_in_dim3A_0 : vector<16xf32> to vector<1x16xf32>
        tpu.vector_store %arg8[%swap3A, %swap3A_53], %swap3A_56 {strides = array<i32>} : memref<128x128xf32, #tpu.memory_space<vmem>>, vector<1x16xf32>,
      }
      %scan3A_47 = arith.constant 8 : i32
    }
    %scan3A_4 = arith.constant 128 : i32
    %mul3A = arith.constant 632 : i32
    %mul3A_5 = arith.muli %arg1, %mul3A : i32
    %scan3A_6 = arith.constant 0 : i32
    %scan3A_7 = arith.constant 4 : i32
    %scan3A_8 = arith.addi %scan3A_6, %scan3A_7 : i32
    %scan3A_9 = arith.constant 1 : i32
    scf.for %scan3A_38 = %scan3A_6 to %scan3A_8 step %scan3A_9  : i32 {
      %mul3A_39 = arith.constant 1 : i32
      %mul3A_40 = arith.muli %scan3A_38, %mul3A_39 : i32
      %add3A_41 = arith.constant 0 : i32
      %add3A_42 = arith.addi %add3A_41, %mul3A_40 : i32
      %mul3A_43 = arith.constant 128 : i32
      %mul3A_44 = arith.muli %add3A_42, %mul3A_43 : i32
      %add3A_45 = arith.addi %mul3A_5, %mul3A_44 : i32
      "tpu.region"() ({
        %run_scoped3A = tpu.sem_alloc : memref<!tpu.dma_semaphore, #tpu.memory_space<semaphore_mem>>
        %dma_start3A = arith.constant 0 : i32
        %dma_start3A_46 = tpu.memref_slice %arg10[%add3A_45, %dma_start3A] : memref<10112x128xf32, #tpu.memory_space<vmem_shared>> -> memref<128x128xf32, #tpu.memory_space<vmem_shared>>
        %dma_start3A_47 = arith.constant 0 : i32
        %dma_start3A_48 = tpu.memref_slice %arg10[%add3A_45, %dma_start3A_47] : memref<10112x128xf32, #tpu.memory_space<vmem_shared>> -> memref<128x128xf32, #tpu.memory_space<vmem_shared>>
        tpu.enqueue_dma source(%arg8 : memref<128x128xf32, #tpu.memory_space<vmem>>) target(%dma_start3A_48 : memref<128x128xf32, #tpu.memory_space<vmem_shared>>) target_semaphore(%run_scoped3A : memref<!tpu.dma_semaphore, #tpu.memory_space<semaphore_mem>>)
        %dma_wait3A = arith.constant 0 : i32
        %dma_wait3A_49 = tpu.memref_slice %arg10[%add3A_45, %dma_wait3A] : memref<10112x128xf32, #tpu.memory_space<vmem_shared>> -> memref<128x128xf32, #tpu.memory_space<vmem_shared>>
        %dma_wait3A_50 = arith.constant 0 : i32
        %dma_wait3A_51 = tpu.memref_slice %arg10[%add3A_45, %dma_wait3A_50] : memref<10112x128xf32, #tpu.memory_space<vmem_shared>> -> memref<128x128xf32, #tpu.memory_space<vmem_shared>>
        tpu.wait_dma2 semaphore(%run_scoped3A : memref<!tpu.dma_semaphore, #tpu.memory_space<semaphore_mem>>) src(%arg8 : memref<128x128xf32, #tpu.memory_space<vmem>>) dst(%dma_wait3A_51 : memref<128x128xf32, #tpu.memory_space<vmem_shared>>)
        tpu.yield
      }) : () -> ()
    }
    %scan3A_10 = arith.constant 4 : i32
    %add3A = arith.constant 512 : i32
    %add3A_11 = arith.addi %mul3A_5, %add3A : i32
    "tpu.region"() ({
      %run_scoped3A = tpu.sem_alloc : memref<!tpu.dma_semaphore, #tpu.memory_space<semaphore_mem>>
      %dma_start3A = arith.constant 0 : i32
      %dma_start3A_38 = arith.constant 0 : i32
      %dma_start3A_39 = tpu.memref_slice %arg8[%dma_start3A, %dma_start3A_38] : memref<128x128xf32, #tpu.memory_space<vmem>> -> memref<120x128xf32, #tpu.memory_space<vmem>>
      %dma_start3A_40 = arith.constant 0 : i32
      %dma_start3A_41 = tpu.memref_slice %arg10[%add3A_11, %dma_start3A_40] : memref<10112x128xf32, #tpu.memory_space<vmem_shared>> -> memref<120x128xf32, #tpu.memory_space<vmem_shared>>
      %dma_start3A_42 = arith.constant 0 : i32
      %dma_start3A_43 = tpu.memref_slice %arg10[%add3A_11, %dma_start3A_42] : memref<10112x128xf32, #tpu.memory_space<vmem_shared>> -> memref<120x128xf32, #tpu.memory_space<vmem_shared>>
      %dma_start3A_44 = arith.constant 0 : i32
      %dma_start3A_45 = arith.constant 0 : i32
      %dma_start3A_46 = tpu.memref_slice %arg8[%dma_start3A_44, %dma_start3A_45] : memref<128x128xf32, #tpu.memory_space<vmem>> -> memref<120x128xf32, #tpu.memory_space<vmem>>
      tpu.enqueue_dma source(%dma_start3A_46 : memref<120x128xf32, #tpu.memory_space<vmem>>) target(%dma_start3A_43 : memref<120x128xf32, #tpu.memory_space<vmem_shared>>) target_semaphore(%run_scoped3A : memref<!tpu.dma_semaphore, #tpu.memory_space<semaphore_mem>>)
      %dma_wait3A = arith.constant 0 : i32
      %dma_wait3A_47 = arith.constant 0 : i32
      %dma_wait3A_48 = tpu.memref_slice %arg8[%dma_wait3A, %dma_wait3A_47] : memref<128x128xf32, #tpu.memory_space<vmem>> -> memref<120x128xf32, #tpu.memory_space<vmem>>
      %dma_wait3A_49 = arith.constant 0 : i32
      %dma_wait3A_50 = tpu.memref_slice %arg10[%add3A_11, %dma_wait3A_49] : memref<10112x128xf32, #tpu.memory_space<vmem_shared>> -> memref<120x128xf32, #tpu.memory_space<vmem_shared>>
      %dma_wait3A_51 = arith.constant 0 : i32
      %dma_wait3A_52 = tpu.memref_slice %arg10[%add3A_11, %dma_wait3A_51] : memref<10112x128xf32, #tpu.memory_space<vmem_shared>> -> memref<120x128xf32, #tpu.memory_space<vmem_shared>>
      %dma_wait3A_53 = arith.constant 0 : i32
      %dma_wait3A_54 = arith.constant 0 : i32
      %dma_wait3A_55 = tpu.memref_slice %arg8[%dma_wait3A_53, %dma_wait3A_54] : memref<128x128xf32, #tpu.memory_space<vmem>> -> memref<120x128xf32, #tpu.memory_space<vmem>>
      tpu.wait_dma2 semaphore(%run_scoped3A : memref<!tpu.dma_semaphore, #tpu.memory_space<semaphore_mem>>) src(%dma_wait3A_55 : memref<120x128xf32, #tpu.memory_space<vmem>>) dst(%dma_wait3A_52 : memref<120x128xf32, #tpu.memory_space<vmem_shared>>)
      tpu.yield
    }) : () -> ()
    %barrier3A = arith.constant 0 : index
    tpu.barrier barrier_id(%barrier3A)
    %eq3A = arith.constant 0 : i32
    %eq3A_12 = arith.cmpi eq, %arg0, %eq3A : i32
    %mul3A_13 = arith.constant 80 : i32
    %mul3A_14 = arith.muli %arg1, %mul3A_13 : i32
    %mul3A_15 = arith.constant 80 : i32
    %mul3A_16 = arith.muli %arg1, %mul3A_15 : i32
    %add3A_17 = arith.constant 1280 : i32
    %add3A_18 = arith.addi %add3A_17, %mul3A_16 : i32
    %select_n3A = arith.select %eq3A_12, %mul3A_14, %add3A_18 : i32
    %eq3A_19 = arith.constant 0 : i32
    %eq3A_20 = arith.cmpi eq, %arg0, %eq3A_19 : i32
    %jit3A = arith.constant 10 : i32
    %jit3A_21 = arith.constant 10 : i32
    %select_n3A_22 = arith.select %eq3A_20, %jit3A, %jit3A_21 : i32
    %scan3A_23 = arith.constant 0 : i32
    %scan3A_24 = arith.constant 10 : i32
    %scan3A_25 = arith.addi %scan3A_23, %scan3A_24 : i32
    %scan3A_26 = arith.constant 1 : i32
    scf.for %scan3A_38 = %scan3A_23 to %scan3A_25 step %scan3A_26  : i32 {
      %mul3A_39 = arith.constant 1 : i32
      %mul3A_40 = arith.muli %scan3A_38, %mul3A_39 : i32
      %add3A_41 = arith.constant 0 : i32
      %add3A_42 = arith.addi %add3A_41, %mul3A_40 : i32
      %lt3A = arith.cmpi slt, %add3A_42, %select_n3A_22 : i32
      %convert_element_type3A = arith.extui %lt3A : i1 to i32
      %cond3A = arith.constant 0 : i32
      %cond3A_43 = arith.cmpi ne, %convert_element_type3A, %cond3A : i32
      scf.if %cond3A_43 {
        %mul3A_44 = arith.constant 8 : i32
        %mul3A_45 = arith.muli %add3A_42, %mul3A_44 : i32
        %add3A_46 = arith.addi %select_n3A, %mul3A_45 : i32
        "tpu.region"() ({
          %run_scoped3A = tpu.sem_alloc : memref<!tpu.dma_semaphore, #tpu.memory_space<semaphore_mem>>
          %dma_start3A_272 = arith.constant 0 : i32
          %dma_start3A_273 = tpu.memref_slice %arg3[%add3A_46, %dma_start3A_272] : memref<2560x128xi32, #tpu.memory_space<hbm>> -> memref<8x128xi32, #tpu.memory_space<hbm>>
          %dma_start3A_274 = arith.constant 0 : i32
          %dma_start3A_275 = tpu.memref_slice %arg3[%add3A_46, %dma_start3A_274] : memref<2560x128xi32, #tpu.memory_space<hbm>> -> memref<8x128xi32, #tpu.memory_space<hbm>>
          tpu.enqueue_dma source(%dma_start3A_275 : memref<8x128xi32, #tpu.memory_space<hbm>>) target(%arg6 : memref<8x128xi32, #tpu.memory_space<vmem>>) target_semaphore(%run_scoped3A : memref<!tpu.dma_semaphore, #tpu.memory_space<semaphore_mem>>)
          %dma_wait3A_276 = arith.constant 0 : i32
          %dma_wait3A_277 = tpu.memref_slice %arg3[%add3A_46, %dma_wait3A_276] : memref<2560x128xi32, #tpu.memory_space<hbm>> -> memref<8x128xi32, #tpu.memory_space<hbm>>
          %dma_wait3A_278 = arith.constant 0 : i32
          %dma_wait3A_279 = tpu.memref_slice %arg3[%add3A_46, %dma_wait3A_278] : memref<2560x128xi32, #tpu.memory_space<hbm>> -> memref<8x128xi32, #tpu.memory_space<hbm>>
          tpu.wait_dma2 semaphore(%run_scoped3A : memref<!tpu.dma_semaphore, #tpu.memory_space<semaphore_mem>>) src(%dma_wait3A_279 : memref<8x128xi32, #tpu.memory_space<hbm>>) dst(%arg6 : memref<8x128xi32, #tpu.memory_space<vmem>>)
          tpu.yield
        }) : () -> ()
        %mul3A_47 = arith.constant 8 : i32
        %mul3A_48 = arith.muli %add3A_42, %mul3A_47 : i32
        %add3A_49 = arith.addi %select_n3A, %mul3A_48 : i32
        "tpu.region"() ({
          %run_scoped3A = tpu.sem_alloc : memref<!tpu.dma_semaphore, #tpu.memory_space<semaphore_mem>>
          %dma_start3A_272 = arith.constant 0 : i32
          %dma_start3A_273 = tpu.memref_slice %arg4[%add3A_49, %dma_start3A_272] : memref<2560x128xi32, #tpu.memory_space<hbm>> -> memref<8x128xi32, #tpu.memory_space<hbm>>
          %dma_start3A_274 = arith.constant 0 : i32
          %dma_start3A_275 = tpu.memref_slice %arg4[%add3A_49, %dma_start3A_274] : memref<2560x128xi32, #tpu.memory_space<hbm>> -> memref<8x128xi32, #tpu.memory_space<hbm>>
          tpu.enqueue_dma source(%dma_start3A_275 : memref<8x128xi32, #tpu.memory_space<hbm>>) target(%arg7 : memref<8x128xi32, #tpu.memory_space<vmem>>) target_semaphore(%run_scoped3A : memref<!tpu.dma_semaphore, #tpu.memory_space<semaphore_mem>>)
          %dma_wait3A_276 = arith.constant 0 : i32
          %dma_wait3A_277 = tpu.memref_slice %arg4[%add3A_49, %dma_wait3A_276] : memref<2560x128xi32, #tpu.memory_space<hbm>> -> memref<8x128xi32, #tpu.memory_space<hbm>>
          %dma_wait3A_278 = arith.constant 0 : i32
          %dma_wait3A_279 = tpu.memref_slice %arg4[%add3A_49, %dma_wait3A_278] : memref<2560x128xi32, #tpu.memory_space<hbm>> -> memref<8x128xi32, #tpu.memory_space<hbm>>
          tpu.wait_dma2 semaphore(%run_scoped3A : memref<!tpu.dma_semaphore, #tpu.memory_space<semaphore_mem>>) src(%dma_wait3A_279 : memref<8x128xi32, #tpu.memory_space<hbm>>) dst(%arg7 : memref<8x128xi32, #tpu.memory_space<vmem>>)
          tpu.yield
        }) : () -> ()
        %dma_start3A = arith.constant 0 : i32
        %dma_start3A_50 = arith.constant 0 : i32
        %dma_start3A_51 = tpu.memref_slice %arg6[%dma_start3A, %dma_start3A_50] : memref<8x128xi32, #tpu.memory_space<vmem>> -> memref<1x128xi32, #tpu.memory_space<vmem>>
        %dma_start3A_52 = tpu.memref_squeeze %dma_start3A_51 : memref<1x128xi32, #tpu.memory_space<vmem>> -> memref<128xi32, #tpu.memory_space<vmem>>
        %dma_start3A_53 = arith.constant 0 : i32
        %dma_start3A_54 = arith.constant 0 : i32
        %dma_start3A_55 = tpu.memref_slice %arg2[%dma_start3A_53, %dma_start3A_54] : memref<10000x128xf32, #tpu.memory_space<hbm>> -> memref<10000x128xf32, #tpu.memory_space<hbm>>
        tpu.enqueue_indirect_dma source(%dma_start3A_55 : memref<10000x128xf32, #tpu.memory_space<hbm>>) target(%arg8 : memref<128x128xf32, #tpu.memory_space<vmem>>) offsets(%dma_start3A_52 : memref<128xi32, #tpu.memory_space<vmem>>) semaphore(%arg11 : memref<!tpu.dma_semaphore, #tpu.memory_space<semaphore_mem>>)
        %dma_start3A_56 = arith.constant 1 : i32
        %dma_start3A_57 = arith.constant 0 : i32
        %dma_start3A_58 = tpu.memref_slice %arg6[%dma_start3A_56, %dma_start3A_57] : memref<8x128xi32, #tpu.memory_space<vmem>> -> memref<1x128xi32, #tpu.memory_space<vmem>>
        %dma_start3A_59 = tpu.memref_squeeze %dma_start3A_58 : memref<1x128xi32, #tpu.memory_space<vmem>> -> memref<128xi32, #tpu.memory_space<vmem>>
        %dma_start3A_60 = arith.constant 0 : i32
        %dma_start3A_61 = arith.constant 0 : i32
        %dma_start3A_62 = tpu.memref_slice %arg2[%dma_start3A_60, %dma_start3A_61] : memref<10000x128xf32, #tpu.memory_space<hbm>> -> memref<10000x128xf32, #tpu.memory_space<hbm>>
        tpu.enqueue_indirect_dma source(%dma_start3A_62 : memref<10000x128xf32, #tpu.memory_space<hbm>>) target(%arg9 : memref<128x128xf32, #tpu.memory_space<vmem>>) offsets(%dma_start3A_59 : memref<128xi32, #tpu.memory_space<vmem>>) semaphore(%arg12 : memref<!tpu.dma_semaphore, #tpu.memory_space<semaphore_mem>>)
        %dma_wait3A = arith.constant 0 : i32
        %dma_wait3A_63 = arith.constant 0 : i32
        %dma_wait3A_64 = tpu.memref_slice %arg6[%dma_wait3A, %dma_wait3A_63] : memref<8x128xi32, #tpu.memory_space<vmem>> -> memref<1x128xi32, #tpu.memory_space<vmem>>
        %dma_wait3A_65 = tpu.memref_squeeze %dma_wait3A_64 : memref<1x128xi32, #tpu.memory_space<vmem>> -> memref<128xi32, #tpu.memory_space<vmem>>
        %dma_wait3A_66 = arith.constant 0 : i32
        %dma_wait3A_67 = arith.constant 0 : i32
        %dma_wait3A_68 = tpu.memref_slice %arg2[%dma_wait3A_66, %dma_wait3A_67] : memref<10000x128xf32, #tpu.memory_space<hbm>> -> memref<10000x128xf32, #tpu.memory_space<hbm>>
        tpu.wait_indirect_dma semaphore(%arg11 : memref<!tpu.dma_semaphore, #tpu.memory_space<semaphore_mem>>) src(%dma_wait3A_68 : memref<10000x128xf32, #tpu.memory_space<hbm>>) dst(%arg8 : memref<128x128xf32, #tpu.memory_space<vmem>>)
        %dma_start3A_69 = arith.constant 0 : i32
        %dma_start3A_70 = arith.constant 0 : i32
        %dma_start3A_71 = tpu.memref_slice %arg7[%dma_start3A_69, %dma_start3A_70] : memref<8x128xi32, #tpu.memory_space<vmem>> -> memref<1x128xi32, #tpu.memory_space<vmem>>
        %dma_start3A_72 = tpu.memref_squeeze %dma_start3A_71 : memref<1x128xi32, #tpu.memory_space<vmem>> -> memref<128xi32, #tpu.memory_space<vmem>>
        %dma_start3A_73 = arith.constant 0 : i32
        %dma_start3A_74 = arith.constant 0 : i32
        %dma_start3A_75 = tpu.memref_slice %arg10[%dma_start3A_73, %dma_start3A_74] : memref<10112x128xf32, #tpu.memory_space<vmem_shared>> -> memref<10112x128xf32, #tpu.memory_space<vmem_shared>>
        tpu.enqueue_indirect_dma source(%arg8 : memref<128x128xf32, #tpu.memory_space<vmem>>) target(%dma_start3A_75 : memref<10112x128xf32, #tpu.memory_space<vmem_shared>>) offsets(%dma_start3A_72 : memref<128xi32, #tpu.memory_space<vmem>>) semaphore(%arg13 : memref<!tpu.dma_semaphore, #tpu.memory_space<semaphore_mem>>) {add = true}
        %dma_wait3A_76 = arith.constant 0 : i32
        %dma_wait3A_77 = arith.constant 0 : i32
        %dma_wait3A_78 = tpu.memref_slice %arg7[%dma_wait3A_76, %dma_wait3A_77] : memref<8x128xi32, #tpu.memory_space<vmem>> -> memref<1x128xi32, #tpu.memory_space<vmem>>
        %dma_wait3A_79 = tpu.memref_squeeze %dma_wait3A_78 : memref<1x128xi32, #tpu.memory_space<vmem>> -> memref<128xi32, #tpu.memory_space<vmem>>
        %dma_wait3A_80 = arith.constant 0 : i32
        %dma_wait3A_81 = arith.constant 0 : i32
        %dma_wait3A_82 = tpu.memref_slice %arg10[%dma_wait3A_80, %dma_wait3A_81] : memref<10112x128xf32, #tpu.memory_space<vmem_shared>> -> memref<10112x128xf32, #tpu.memory_space<vmem_shared>>
        tpu.wait_indirect_dma semaphore(%arg13 : memref<!tpu.dma_semaphore, #tpu.memory_space<semaphore_mem>>) src(%arg8 : memref<128x128xf32, #tpu.memory_space<vmem>>) dst(%dma_wait3A_82 : memref<10112x128xf32, #tpu.memory_space<vmem_shared>>)
        %dma_start3A_83 = arith.constant 2 : i32
        %dma_start3A_84 = arith.constant 0 : i32
        %dma_start3A_85 = tpu.memref_slice %arg6[%dma_start3A_83, %dma_start3A_84] : memref<8x128xi32, #tpu.memory_space<vmem>> -> memref<1x128xi32, #tpu.memory_space<vmem>>
        %dma_start3A_86 = tpu.memref_squeeze %dma_start3A_85 : memref<1x128xi32, #tpu.memory_space<vmem>> -> memref<128xi32, #tpu.memory_space<vmem>>
        %dma_start3A_87 = arith.constant 0 : i32
        %dma_start3A_88 = arith.constant 0 : i32
        %dma_start3A_89 = tpu.memref_slice %arg2[%dma_start3A_87, %dma_start3A_88] : memref<10000x128xf32, #tpu.memory_space<hbm>> -> memref<10000x128xf32, #tpu.memory_space<hbm>>
        tpu.enqueue_indirect_dma source(%dma_start3A_89 : memref<10000x128xf32, #tpu.memory_space<hbm>>) target(%arg8 : memref<128x128xf32, #tpu.memory_space<vmem>>) offsets(%dma_start3A_86 : memref<128xi32, #tpu.memory_space<vmem>>) semaphore(%arg11 : memref<!tpu.dma_semaphore, #tpu.memory_space<semaphore_mem>>)
        %dma_wait3A_90 = arith.constant 1 : i32
        %dma_wait3A_91 = arith.constant 0 : i32
        %dma_wait3A_92 = tpu.memref_slice %arg6[%dma_wait3A_90, %dma_wait3A_91] : memref<8x128xi32, #tpu.memory_space<vmem>> -> memref<1x128xi32, #tpu.memory_space<vmem>>
        %dma_wait3A_93 = tpu.memref_squeeze %dma_wait3A_92 : memref<1x128xi32, #tpu.memory_space<vmem>> -> memref<128xi32, #tpu.memory_space<vmem>>
        %dma_wait3A_94 = arith.constant 0 : i32
        %dma_wait3A_95 = arith.constant 0 : i32
        %dma_wait3A_96 = tpu.memref_slice %arg2[%dma_wait3A_94, %dma_wait3A_95] : memref<10000x128xf32, #tpu.memory_space<hbm>> -> memref<10000x128xf32, #tpu.memory_space<hbm>>
        tpu.wait_indirect_dma semaphore(%arg12 : memref<!tpu.dma_semaphore, #tpu.memory_space<semaphore_mem>>) src(%dma_wait3A_96 : memref<10000x128xf32, #tpu.memory_space<hbm>>) dst(%arg9 : memref<128x128xf32, #tpu.memory_space<vmem>>)
        %dma_start3A_97 = arith.constant 1 : i32
        %dma_start3A_98 = arith.constant 0 : i32
        %dma_start3A_99 = tpu.memref_slice %arg7[%dma_start3A_97, %dma_start3A_98] : memref<8x128xi32, #tpu.memory_space<vmem>> -> memref<1x128xi32, #tpu.memory_space<vmem>>
        %dma_start3A_100 = tpu.memref_squeeze %dma_start3A_99 : memref<1x128xi32, #tpu.memory_space<vmem>> -> memref<128xi32, #tpu.memory_space<vmem>>
        %dma_start3A_101 = arith.constant 0 : i32
        %dma_start3A_102 = arith.constant 0 : i32
        %dma_start3A_103 = tpu.memref_slice %arg10[%dma_start3A_101, %dma_start3A_102] : memref<10112x128xf32, #tpu.memory_space<vmem_shared>> -> memref<10112x128xf32, #tpu.memory_space<vmem_shared>>
        tpu.enqueue_indirect_dma source(%arg9 : memref<128x128xf32, #tpu.memory_space<vmem>>) target(%dma_start3A_103 : memref<10112x128xf32, #tpu.memory_space<vmem_shared>>) offsets(%dma_start3A_100 : memref<128xi32, #tpu.memory_space<vmem>>) semaphore(%arg14 : memref<!tpu.dma_semaphore, #tpu.memory_space<semaphore_mem>>) {add = true}
        %dma_wait3A_104 = arith.constant 1 : i32
        %dma_wait3A_105 = arith.constant 0 : i32
        %dma_wait3A_106 = tpu.memref_slice %arg7[%dma_wait3A_104, %dma_wait3A_105] : memref<8x128xi32, #tpu.memory_space<vmem>> -> memref<1x128xi32, #tpu.memory_space<vmem>>
        %dma_wait3A_107 = tpu.memref_squeeze %dma_wait3A_106 : memref<1x128xi32, #tpu.memory_space<vmem>> -> memref<128xi32, #tpu.memory_space<vmem>>
        %dma_wait3A_108 = arith.constant 0 : i32
        %dma_wait3A_109 = arith.constant 0 : i32
        %dma_wait3A_110 = tpu.memref_slice %arg10[%dma_wait3A_108, %dma_wait3A_109] : memref<10112x128xf32, #tpu.memory_space<vmem_shared>> -> memref<10112x128xf32, #tpu.memory_space<vmem_shared>>
        tpu.wait_indirect_dma semaphore(%arg14 : memref<!tpu.dma_semaphore, #tpu.memory_space<semaphore_mem>>) src(%arg9 : memref<128x128xf32, #tpu.memory_space<vmem>>) dst(%dma_wait3A_110 : memref<10112x128xf32, #tpu.memory_space<vmem_shared>>)
        %dma_start3A_111 = arith.constant 3 : i32
        %dma_start3A_112 = arith.constant 0 : i32
        %dma_start3A_113 = tpu.memref_slice %arg6[%dma_start3A_111, %dma_start3A_112] : memref<8x128xi32, #tpu.memory_space<vmem>> -> memref<1x128xi32, #tpu.memory_space<vmem>>
        %dma_start3A_114 = tpu.memref_squeeze %dma_start3A_113 : memref<1x128xi32, #tpu.memory_space<vmem>> -> memref<128xi32, #tpu.memory_space<vmem>>
        %dma_start3A_115 = arith.constant 0 : i32
        %dma_start3A_116 = arith.constant 0 : i32
        %dma_start3A_117 = tpu.memref_slice %arg2[%dma_start3A_115, %dma_start3A_116] : memref<10000x128xf32, #tpu.memory_space<hbm>> -> memref<10000x128xf32, #tpu.memory_space<hbm>>
        tpu.enqueue_indirect_dma source(%dma_start3A_117 : memref<10000x128xf32, #tpu.memory_space<hbm>>) target(%arg9 : memref<128x128xf32, #tpu.memory_space<vmem>>) offsets(%dma_start3A_114 : memref<128xi32, #tpu.memory_space<vmem>>) semaphore(%arg12 : memref<!tpu.dma_semaphore, #tpu.memory_space<semaphore_mem>>)
        %dma_wait3A_118 = arith.constant 2 : i32
        %dma_wait3A_119 = arith.constant 0 : i32
        %dma_wait3A_120 = tpu.memref_slice %arg6[%dma_wait3A_118, %dma_wait3A_119] : memref<8x128xi32, #tpu.memory_space<vmem>> -> memref<1x128xi32, #tpu.memory_space<vmem>>
        %dma_wait3A_121 = tpu.memref_squeeze %dma_wait3A_120 : memref<1x128xi32, #tpu.memory_space<vmem>> -> memref<128xi32, #tpu.memory_space<vmem>>
        %dma_wait3A_122 = arith.constant 0 : i32
        %dma_wait3A_123 = arith.constant 0 : i32
        %dma_wait3A_124 = tpu.memref_slice %arg2[%dma_wait3A_122, %dma_wait3A_123] : memref<10000x128xf32, #tpu.memory_space<hbm>> -> memref<10000x128xf32, #tpu.memory_space<hbm>>
        tpu.wait_indirect_dma semaphore(%arg11 : memref<!tpu.dma_semaphore, #tpu.memory_space<semaphore_mem>>) src(%dma_wait3A_124 : memref<10000x128xf32, #tpu.memory_space<hbm>>) dst(%arg8 : memref<128x128xf32, #tpu.memory_space<vmem>>)
        %dma_start3A_125 = arith.constant 2 : i32
        %dma_start3A_126 = arith.constant 0 : i32
        %dma_start3A_127 = tpu.memref_slice %arg7[%dma_start3A_125, %dma_start3A_126] : memref<8x128xi32, #tpu.memory_space<vmem>> -> memref<1x128xi32, #tpu.memory_space<vmem>>
        %dma_start3A_128 = tpu.memref_squeeze %dma_start3A_127 : memref<1x128xi32, #tpu.memory_space<vmem>> -> memref<128xi32, #tpu.memory_space<vmem>>
        %dma_start3A_129 = arith.constant 0 : i32
        %dma_start3A_130 = arith.constant 0 : i32
        %dma_start3A_131 = tpu.memref_slice %arg10[%dma_start3A_129, %dma_start3A_130] : memref<10112x128xf32, #tpu.memory_space<vmem_shared>> -> memref<10112x128xf32, #tpu.memory_space<vmem_shared>>
        tpu.enqueue_indirect_dma source(%arg8 : memref<128x128xf32, #tpu.memory_space<vmem>>) target(%dma_start3A_131 : memref<10112x128xf32, #tpu.memory_space<vmem_shared>>) offsets(%dma_start3A_128 : memref<128xi32, #tpu.memory_space<vmem>>) semaphore(%arg13 : memref<!tpu.dma_semaphore, #tpu.memory_space<semaphore_mem>>) {add = true}
        %dma_wait3A_132 = arith.constant 2 : i32
        %dma_wait3A_133 = arith.constant 0 : i32
        %dma_wait3A_134 = tpu.memref_slice %arg7[%dma_wait3A_132, %dma_wait3A_133] : memref<8x128xi32, #tpu.memory_space<vmem>> -> memref<1x128xi32, #tpu.memory_space<vmem>>
        %dma_wait3A_135 = tpu.memref_squeeze %dma_wait3A_134 : memref<1x128xi32, #tpu.memory_space<vmem>> -> memref<128xi32, #tpu.memory_space<vmem>>
        %dma_wait3A_136 = arith.constant 0 : i32
        %dma_wait3A_137 = arith.constant 0 : i32
        %dma_wait3A_138 = tpu.memref_slice %arg10[%dma_wait3A_136, %dma_wait3A_137] : memref<10112x128xf32, #tpu.memory_space<vmem_shared>> -> memref<10112x128xf32, #tpu.memory_space<vmem_shared>>
        tpu.wait_indirect_dma semaphore(%arg13 : memref<!tpu.dma_semaphore, #tpu.memory_space<semaphore_mem>>) src(%arg8 : memref<128x128xf32, #tpu.memory_space<vmem>>) dst(%dma_wait3A_138 : memref<10112x128xf32, #tpu.memory_space<vmem_shared>>)
        %dma_start3A_139 = arith.constant 4 : i32
        %dma_start3A_140 = arith.constant 0 : i32
        %dma_start3A_141 = tpu.memref_slice %arg6[%dma_start3A_139, %dma_start3A_140] : memref<8x128xi32, #tpu.memory_space<vmem>> -> memref<1x128xi32, #tpu.memory_space<vmem>>
        %dma_start3A_142 = tpu.memref_squeeze %dma_start3A_141 : memref<1x128xi32, #tpu.memory_space<vmem>> -> memref<128xi32, #tpu.memory_space<vmem>>
        %dma_start3A_143 = arith.constant 0 : i32
        %dma_start3A_144 = arith.constant 0 : i32
        %dma_start3A_145 = tpu.memref_slice %arg2[%dma_start3A_143, %dma_start3A_144] : memref<10000x128xf32, #tpu.memory_space<hbm>> -> memref<10000x128xf32, #tpu.memory_space<hbm>>
        tpu.enqueue_indirect_dma source(%dma_start3A_145 : memref<10000x128xf32, #tpu.memory_space<hbm>>) target(%arg8 : memref<128x128xf32, #tpu.memory_space<vmem>>) offsets(%dma_start3A_142 : memref<128xi32, #tpu.memory_space<vmem>>) semaphore(%arg11 : memref<!tpu.dma_semaphore, #tpu.memory_space<semaphore_mem>>)
        %dma_wait3A_146 = arith.constant 3 : i32
        %dma_wait3A_147 = arith.constant 0 : i32
        %dma_wait3A_148 = tpu.memref_slice %arg6[%dma_wait3A_146, %dma_wait3A_147] : memref<8x128xi32, #tpu.memory_space<vmem>> -> memref<1x128xi32, #tpu.memory_space<vmem>>
        %dma_wait3A_149 = tpu.memref_squeeze %dma_wait3A_148 : memref<1x128xi32, #tpu.memory_space<vmem>> -> memref<128xi32, #tpu.memory_space<vmem>>
        %dma_wait3A_150 = arith.constant 0 : i32
        %dma_wait3A_151 = arith.constant 0 : i32
        %dma_wait3A_152 = tpu.memref_slice %arg2[%dma_wait3A_150, %dma_wait3A_151] : memref<10000x128xf32, #tpu.memory_space<hbm>> -> memref<10000x128xf32, #tpu.memory_space<hbm>>
        tpu.wait_indirect_dma semaphore(%arg12 : memref<!tpu.dma_semaphore, #tpu.memory_space<semaphore_mem>>) src(%dma_wait3A_152 : memref<10000x128xf32, #tpu.memory_space<hbm>>) dst(%arg9 : memref<128x128xf32, #tpu.memory_space<vmem>>)
        %dma_start3A_153 = arith.constant 3 : i32
        %dma_start3A_154 = arith.constant 0 : i32
        %dma_start3A_155 = tpu.memref_slice %arg7[%dma_start3A_153, %dma_start3A_154] : memref<8x128xi32, #tpu.memory_space<vmem>> -> memref<1x128xi32, #tpu.memory_space<vmem>>
        %dma_start3A_156 = tpu.memref_squeeze %dma_start3A_155 : memref<1x128xi32, #tpu.memory_space<vmem>> -> memref<128xi32, #tpu.memory_space<vmem>>
        %dma_start3A_157 = arith.constant 0 : i32
        %dma_start3A_158 = arith.constant 0 : i32
        %dma_start3A_159 = tpu.memref_slice %arg10[%dma_start3A_157, %dma_start3A_158] : memref<10112x128xf32, #tpu.memory_space<vmem_shared>> -> memref<10112x128xf32, #tpu.memory_space<vmem_shared>>
        tpu.enqueue_indirect_dma source(%arg9 : memref<128x128xf32, #tpu.memory_space<vmem>>) target(%dma_start3A_159 : memref<10112x128xf32, #tpu.memory_space<vmem_shared>>) offsets(%dma_start3A_156 : memref<128xi32, #tpu.memory_space<vmem>>) semaphore(%arg14 : memref<!tpu.dma_semaphore, #tpu.memory_space<semaphore_mem>>) {add = true}
        %dma_wait3A_160 = arith.constant 3 : i32
        %dma_wait3A_161 = arith.constant 0 : i32
        %dma_wait3A_162 = tpu.memref_slice %arg7[%dma_wait3A_160, %dma_wait3A_161] : memref<8x128xi32, #tpu.memory_space<vmem>> -> memref<1x128xi32, #tpu.memory_space<vmem>>
        %dma_wait3A_163 = tpu.memref_squeeze %dma_wait3A_162 : memref<1x128xi32, #tpu.memory_space<vmem>> -> memref<128xi32, #tpu.memory_space<vmem>>
        %dma_wait3A_164 = arith.constant 0 : i32
        %dma_wait3A_165 = arith.constant 0 : i32
        %dma_wait3A_166 = tpu.memref_slice %arg10[%dma_wait3A_164, %dma_wait3A_165] : memref<10112x128xf32, #tpu.memory_space<vmem_shared>> -> memref<10112x128xf32, #tpu.memory_space<vmem_shared>>
        tpu.wait_indirect_dma semaphore(%arg14 : memref<!tpu.dma_semaphore, #tpu.memory_space<semaphore_mem>>) src(%arg9 : memref<128x128xf32, #tpu.memory_space<vmem>>) dst(%dma_wait3A_166 : memref<10112x128xf32, #tpu.memory_space<vmem_shared>>)
        %dma_start3A_167 = arith.constant 5 : i32
        %dma_start3A_168 = arith.constant 0 : i32
        %dma_start3A_169 = tpu.memref_slice %arg6[%dma_start3A_167, %dma_start3A_168] : memref<8x128xi32, #tpu.memory_space<vmem>> -> memref<1x128xi32, #tpu.memory_space<vmem>>
        %dma_start3A_170 = tpu.memref_squeeze %dma_start3A_169 : memref<1x128xi32, #tpu.memory_space<vmem>> -> memref<128xi32, #tpu.memory_space<vmem>>
        %dma_start3A_171 = arith.constant 0 : i32
        %dma_start3A_172 = arith.constant 0 : i32
        %dma_start3A_173 = tpu.memref_slice %arg2[%dma_start3A_171, %dma_start3A_172] : memref<10000x128xf32, #tpu.memory_space<hbm>> -> memref<10000x128xf32, #tpu.memory_space<hbm>>
        tpu.enqueue_indirect_dma source(%dma_start3A_173 : memref<10000x128xf32, #tpu.memory_space<hbm>>) target(%arg9 : memref<128x128xf32, #tpu.memory_space<vmem>>) offsets(%dma_start3A_170 : memref<128xi32, #tpu.memory_space<vmem>>) semaphore(%arg12 : memref<!tpu.dma_semaphore, #tpu.memory_space<semaphore_mem>>)
        %dma_wait3A_174 = arith.constant 4 : i32
        %dma_wait3A_175 = arith.constant 0 : i32
        %dma_wait3A_176 = tpu.memref_slice %arg6[%dma_wait3A_174, %dma_wait3A_175] : memref<8x128xi32, #tpu.memory_space<vmem>> -> memref<1x128xi32, #tpu.memory_space<vmem>>
        %dma_wait3A_177 = tpu.memref_squeeze %dma_wait3A_176 : memref<1x128xi32, #tpu.memory_space<vmem>> -> memref<128xi32, #tpu.memory_space<vmem>>
        %dma_wait3A_178 = arith.constant 0 : i32
        %dma_wait3A_179 = arith.constant 0 : i32
        %dma_wait3A_180 = tpu.memref_slice %arg2[%dma_wait3A_178, %dma_wait3A_179] : memref<10000x128xf32, #tpu.memory_space<hbm>> -> memref<10000x128xf32, #tpu.memory_space<hbm>>
        tpu.wait_indirect_dma semaphore(%arg11 : memref<!tpu.dma_semaphore, #tpu.memory_space<semaphore_mem>>) src(%dma_wait3A_180 : memref<10000x128xf32, #tpu.memory_space<hbm>>) dst(%arg8 : memref<128x128xf32, #tpu.memory_space<vmem>>)
        %dma_start3A_181 = arith.constant 4 : i32
        %dma_start3A_182 = arith.constant 0 : i32
        %dma_start3A_183 = tpu.memref_slice %arg7[%dma_start3A_181, %dma_start3A_182] : memref<8x128xi32, #tpu.memory_space<vmem>> -> memref<1x128xi32, #tpu.memory_space<vmem>>
        %dma_start3A_184 = tpu.memref_squeeze %dma_start3A_183 : memref<1x128xi32, #tpu.memory_space<vmem>> -> memref<128xi32, #tpu.memory_space<vmem>>
        %dma_start3A_185 = arith.constant 0 : i32
        %dma_start3A_186 = arith.constant 0 : i32
        %dma_start3A_187 = tpu.memref_slice %arg10[%dma_start3A_185, %dma_start3A_186] : memref<10112x128xf32, #tpu.memory_space<vmem_shared>> -> memref<10112x128xf32, #tpu.memory_space<vmem_shared>>
        tpu.enqueue_indirect_dma source(%arg8 : memref<128x128xf32, #tpu.memory_space<vmem>>) target(%dma_start3A_187 : memref<10112x128xf32, #tpu.memory_space<vmem_shared>>) offsets(%dma_start3A_184 : memref<128xi32, #tpu.memory_space<vmem>>) semaphore(%arg13 : memref<!tpu.dma_semaphore, #tpu.memory_space<semaphore_mem>>) {add = true}
        %dma_wait3A_188 = arith.constant 4 : i32
        %dma_wait3A_189 = arith.constant 0 : i32
        %dma_wait3A_190 = tpu.memref_slice %arg7[%dma_wait3A_188, %dma_wait3A_189] : memref<8x128xi32, #tpu.memory_space<vmem>> -> memref<1x128xi32, #tpu.memory_space<vmem>>
        %dma_wait3A_191 = tpu.memref_squeeze %dma_wait3A_190 : memref<1x128xi32, #tpu.memory_space<vmem>> -> memref<128xi32, #tpu.memory_space<vmem>>
        %dma_wait3A_192 = arith.constant 0 : i32
        %dma_wait3A_193 = arith.constant 0 : i32
        %dma_wait3A_194 = tpu.memref_slice %arg10[%dma_wait3A_192, %dma_wait3A_193] : memref<10112x128xf32, #tpu.memory_space<vmem_shared>> -> memref<10112x128xf32, #tpu.memory_space<vmem_shared>>
        tpu.wait_indirect_dma semaphore(%arg13 : memref<!tpu.dma_semaphore, #tpu.memory_space<semaphore_mem>>) src(%arg8 : memref<128x128xf32, #tpu.memory_space<vmem>>) dst(%dma_wait3A_194 : memref<10112x128xf32, #tpu.memory_space<vmem_shared>>)
        %dma_start3A_195 = arith.constant 6 : i32
        %dma_start3A_196 = arith.constant 0 : i32
        %dma_start3A_197 = tpu.memref_slice %arg6[%dma_start3A_195, %dma_start3A_196] : memref<8x128xi32, #tpu.memory_space<vmem>> -> memref<1x128xi32, #tpu.memory_space<vmem>>
        %dma_start3A_198 = tpu.memref_squeeze %dma_start3A_197 : memref<1x128xi32, #tpu.memory_space<vmem>> -> memref<128xi32, #tpu.memory_space<vmem>>
        %dma_start3A_199 = arith.constant 0 : i32
        %dma_start3A_200 = arith.constant 0 : i32
        %dma_start3A_201 = tpu.memref_slice %arg2[%dma_start3A_199, %dma_start3A_200] : memref<10000x128xf32, #tpu.memory_space<hbm>> -> memref<10000x128xf32, #tpu.memory_space<hbm>>
        tpu.enqueue_indirect_dma source(%dma_start3A_201 : memref<10000x128xf32, #tpu.memory_space<hbm>>) target(%arg8 : memref<128x128xf32, #tpu.memory_space<vmem>>) offsets(%dma_start3A_198 : memref<128xi32, #tpu.memory_space<vmem>>) semaphore(%arg11 : memref<!tpu.dma_semaphore, #tpu.memory_space<semaphore_mem>>)
        %dma_wait3A_202 = arith.constant 5 : i32
        %dma_wait3A_203 = arith.constant 0 : i32
        %dma_wait3A_204 = tpu.memref_slice %arg6[%dma_wait3A_202, %dma_wait3A_203] : memref<8x128xi32, #tpu.memory_space<vmem>> -> memref<1x128xi32, #tpu.memory_space<vmem>>
        %dma_wait3A_205 = tpu.memref_squeeze %dma_wait3A_204 : memref<1x128xi32, #tpu.memory_space<vmem>> -> memref<128xi32, #tpu.memory_space<vmem>>
        %dma_wait3A_206 = arith.constant 0 : i32
        %dma_wait3A_207 = arith.constant 0 : i32
        %dma_wait3A_208 = tpu.memref_slice %arg2[%dma_wait3A_206, %dma_wait3A_207] : memref<10000x128xf32, #tpu.memory_space<hbm>> -> memref<10000x128xf32, #tpu.memory_space<hbm>>
        tpu.wait_indirect_dma semaphore(%arg12 : memref<!tpu.dma_semaphore, #tpu.memory_space<semaphore_mem>>) src(%dma_wait3A_208 : memref<10000x128xf32, #tpu.memory_space<hbm>>) dst(%arg9 : memref<128x128xf32, #tpu.memory_space<vmem>>)
        %dma_start3A_209 = arith.constant 5 : i32
        %dma_start3A_210 = arith.constant 0 : i32
        %dma_start3A_211 = tpu.memref_slice %arg7[%dma_start3A_209, %dma_start3A_210] : memref<8x128xi32, #tpu.memory_space<vmem>> -> memref<1x128xi32, #tpu.memory_space<vmem>>
        %dma_start3A_212 = tpu.memref_squeeze %dma_start3A_211 : memref<1x128xi32, #tpu.memory_space<vmem>> -> memref<128xi32, #tpu.memory_space<vmem>>
        %dma_start3A_213 = arith.constant 0 : i32
        %dma_start3A_214 = arith.constant 0 : i32
        %dma_start3A_215 = tpu.memref_slice %arg10[%dma_start3A_213, %dma_start3A_214] : memref<10112x128xf32, #tpu.memory_space<vmem_shared>> -> memref<10112x128xf32, #tpu.memory_space<vmem_shared>>
        tpu.enqueue_indirect_dma source(%arg9 : memref<128x128xf32, #tpu.memory_space<vmem>>) target(%dma_start3A_215 : memref<10112x128xf32, #tpu.memory_space<vmem_shared>>) offsets(%dma_start3A_212 : memref<128xi32, #tpu.memory_space<vmem>>) semaphore(%arg14 : memref<!tpu.dma_semaphore, #tpu.memory_space<semaphore_mem>>) {add = true}
        %dma_wait3A_216 = arith.constant 5 : i32
        %dma_wait3A_217 = arith.constant 0 : i32
        %dma_wait3A_218 = tpu.memref_slice %arg7[%dma_wait3A_216, %dma_wait3A_217] : memref<8x128xi32, #tpu.memory_space<vmem>> -> memref<1x128xi32, #tpu.memory_space<vmem>>
        %dma_wait3A_219 = tpu.memref_squeeze %dma_wait3A_218 : memref<1x128xi32, #tpu.memory_space<vmem>> -> memref<128xi32, #tpu.memory_space<vmem>>
        %dma_wait3A_220 = arith.constant 0 : i32
        %dma_wait3A_221 = arith.constant 0 : i32
        %dma_wait3A_222 = tpu.memref_slice %arg10[%dma_wait3A_220, %dma_wait3A_221] : memref<10112x128xf32, #tpu.memory_space<vmem_shared>> -> memref<10112x128xf32, #tpu.memory_space<vmem_shared>>
        tpu.wait_indirect_dma semaphore(%arg14 : memref<!tpu.dma_semaphore, #tpu.memory_space<semaphore_mem>>) src(%arg9 : memref<128x128xf32, #tpu.memory_space<vmem>>) dst(%dma_wait3A_222 : memref<10112x128xf32, #tpu.memory_space<vmem_shared>>)
        %dma_start3A_223 = arith.constant 7 : i32
        %dma_start3A_224 = arith.constant 0 : i32
        %dma_start3A_225 = tpu.memref_slice %arg6[%dma_start3A_223, %dma_start3A_224] : memref<8x128xi32, #tpu.memory_space<vmem>> -> memref<1x128xi32, #tpu.memory_space<vmem>>
        %dma_start3A_226 = tpu.memref_squeeze %dma_start3A_225 : memref<1x128xi32, #tpu.memory_space<vmem>> -> memref<128xi32, #tpu.memory_space<vmem>>
        %dma_start3A_227 = arith.constant 0 : i32
        %dma_start3A_228 = arith.constant 0 : i32
        %dma_start3A_229 = tpu.memref_slice %arg2[%dma_start3A_227, %dma_start3A_228] : memref<10000x128xf32, #tpu.memory_space<hbm>> -> memref<10000x128xf32, #tpu.memory_space<hbm>>
        tpu.enqueue_indirect_dma source(%dma_start3A_229 : memref<10000x128xf32, #tpu.memory_space<hbm>>) target(%arg9 : memref<128x128xf32, #tpu.memory_space<vmem>>) offsets(%dma_start3A_226 : memref<128xi32, #tpu.memory_space<vmem>>) semaphore(%arg12 : memref<!tpu.dma_semaphore, #tpu.memory_space<semaphore_mem>>)
        %dma_wait3A_230 = arith.constant 6 : i32
        %dma_wait3A_231 = arith.constant 0 : i32
        %dma_wait3A_232 = tpu.memref_slice %arg6[%dma_wait3A_230, %dma_wait3A_231] : memref<8x128xi32, #tpu.memory_space<vmem>> -> memref<1x128xi32, #tpu.memory_space<vmem>>
        %dma_wait3A_233 = tpu.memref_squeeze %dma_wait3A_232 : memref<1x128xi32, #tpu.memory_space<vmem>> -> memref<128xi32, #tpu.memory_space<vmem>>
        %dma_wait3A_234 = arith.constant 0 : i32
        %dma_wait3A_235 = arith.constant 0 : i32
        %dma_wait3A_236 = tpu.memref_slice %arg2[%dma_wait3A_234, %dma_wait3A_235] : memref<10000x128xf32, #tpu.memory_space<hbm>> -> memref<10000x128xf32, #tpu.memory_space<hbm>>
        tpu.wait_indirect_dma semaphore(%arg11 : memref<!tpu.dma_semaphore, #tpu.memory_space<semaphore_mem>>) src(%dma_wait3A_236 : memref<10000x128xf32, #tpu.memory_space<hbm>>) dst(%arg8 : memref<128x128xf32, #tpu.memory_space<vmem>>)
        %dma_start3A_237 = arith.constant 6 : i32
        %dma_start3A_238 = arith.constant 0 : i32
        %dma_start3A_239 = tpu.memref_slice %arg7[%dma_start3A_237, %dma_start3A_238] : memref<8x128xi32, #tpu.memory_space<vmem>> -> memref<1x128xi32, #tpu.memory_space<vmem>>
        %dma_start3A_240 = tpu.memref_squeeze %dma_start3A_239 : memref<1x128xi32, #tpu.memory_space<vmem>> -> memref<128xi32, #tpu.memory_space<vmem>>
        %dma_start3A_241 = arith.constant 0 : i32
        %dma_start3A_242 = arith.constant 0 : i32
        %dma_start3A_243 = tpu.memref_slice %arg10[%dma_start3A_241, %dma_start3A_242] : memref<10112x128xf32, #tpu.memory_space<vmem_shared>> -> memref<10112x128xf32, #tpu.memory_space<vmem_shared>>
        tpu.enqueue_indirect_dma source(%arg8 : memref<128x128xf32, #tpu.memory_space<vmem>>) target(%dma_start3A_243 : memref<10112x128xf32, #tpu.memory_space<vmem_shared>>) offsets(%dma_start3A_240 : memref<128xi32, #tpu.memory_space<vmem>>) semaphore(%arg13 : memref<!tpu.dma_semaphore, #tpu.memory_space<semaphore_mem>>) {add = true}
        %dma_wait3A_244 = arith.constant 7 : i32
        %dma_wait3A_245 = arith.constant 0 : i32
        %dma_wait3A_246 = tpu.memref_slice %arg6[%dma_wait3A_244, %dma_wait3A_245] : memref<8x128xi32, #tpu.memory_space<vmem>> -> memref<1x128xi32, #tpu.memory_space<vmem>>
        %dma_wait3A_247 = tpu.memref_squeeze %dma_wait3A_246 : memref<1x128xi32, #tpu.memory_space<vmem>> -> memref<128xi32, #tpu.memory_space<vmem>>
        %dma_wait3A_248 = arith.constant 0 : i32
        %dma_wait3A_249 = arith.constant 0 : i32
        %dma_wait3A_250 = tpu.memref_slice %arg2[%dma_wait3A_248, %dma_wait3A_249] : memref<10000x128xf32, #tpu.memory_space<hbm>> -> memref<10000x128xf32, #tpu.memory_space<hbm>>
        tpu.wait_indirect_dma semaphore(%arg12 : memref<!tpu.dma_semaphore, #tpu.memory_space<semaphore_mem>>) src(%dma_wait3A_250 : memref<10000x128xf32, #tpu.memory_space<hbm>>) dst(%arg9 : memref<128x128xf32, #tpu.memory_space<vmem>>)
        %dma_start3A_251 = arith.constant 7 : i32
        %dma_start3A_252 = arith.constant 0 : i32
        %dma_start3A_253 = tpu.memref_slice %arg7[%dma_start3A_251, %dma_start3A_252] : memref<8x128xi32, #tpu.memory_space<vmem>> -> memref<1x128xi32, #tpu.memory_space<vmem>>
        %dma_start3A_254 = tpu.memref_squeeze %dma_start3A_253 : memref<1x128xi32, #tpu.memory_space<vmem>> -> memref<128xi32, #tpu.memory_space<vmem>>
        %dma_start3A_255 = arith.constant 0 : i32
        %dma_start3A_256 = arith.constant 0 : i32
        %dma_start3A_257 = tpu.memref_slice %arg10[%dma_start3A_255, %dma_start3A_256] : memref<10112x128xf32, #tpu.memory_space<vmem_shared>> -> memref<10112x128xf32, #tpu.memory_space<vmem_shared>>
        tpu.enqueue_indirect_dma source(%arg9 : memref<128x128xf32, #tpu.memory_space<vmem>>) target(%dma_start3A_257 : memref<10112x128xf32, #tpu.memory_space<vmem_shared>>) offsets(%dma_start3A_254 : memref<128xi32, #tpu.memory_space<vmem>>) semaphore(%arg14 : memref<!tpu.dma_semaphore, #tpu.memory_space<semaphore_mem>>) {add = true}
        %dma_wait3A_258 = arith.constant 6 : i32
        %dma_wait3A_259 = arith.constant 0 : i32
        %dma_wait3A_260 = tpu.memref_slice %arg7[%dma_wait3A_258, %dma_wait3A_259] : memref<8x128xi32, #tpu.memory_space<vmem>> -> memref<1x128xi32, #tpu.memory_space<vmem>>
        %dma_wait3A_261 = tpu.memref_squeeze %dma_wait3A_260 : memref<1x128xi32, #tpu.memory_space<vmem>> -> memref<128xi32, #tpu.memory_space<vmem>>
        %dma_wait3A_262 = arith.constant 0 : i32
        %dma_wait3A_263 = arith.constant 0 : i32
        %dma_wait3A_264 = tpu.memref_slice %arg10[%dma_wait3A_262, %dma_wait3A_263] : memref<10112x128xf32, #tpu.memory_space<vmem_shared>> -> memref<10112x128xf32, #tpu.memory_space<vmem_shared>>
        tpu.wait_indirect_dma semaphore(%arg13 : memref<!tpu.dma_semaphore, #tpu.memory_space<semaphore_mem>>) src(%arg8 : memref<128x128xf32, #tpu.memory_space<vmem>>) dst(%dma_wait3A_264 : memref<10112x128xf32, #tpu.memory_space<vmem_shared>>)
        %dma_wait3A_265 = arith.constant 7 : i32
        %dma_wait3A_266 = arith.constant 0 : i32
        %dma_wait3A_267 = tpu.memref_slice %arg7[%dma_wait3A_265, %dma_wait3A_266] : memref<8x128xi32, #tpu.memory_space<vmem>> -> memref<1x128xi32, #tpu.memory_space<vmem>>
        %dma_wait3A_268 = tpu.memref_squeeze %dma_wait3A_267 : memref<1x128xi32, #tpu.memory_space<vmem>> -> memref<128xi32, #tpu.memory_space<vmem>>
        %dma_wait3A_269 = arith.constant 0 : i32
        %dma_wait3A_270 = arith.constant 0 : i32
        %dma_wait3A_271 = tpu.memref_slice %arg10[%dma_wait3A_269, %dma_wait3A_270] : memref<10112x128xf32, #tpu.memory_space<vmem_shared>> -> memref<10112x128xf32, #tpu.memory_space<vmem_shared>>
        tpu.wait_indirect_dma semaphore(%arg14 : memref<!tpu.dma_semaphore, #tpu.memory_space<semaphore_mem>>) src(%arg9 : memref<128x128xf32, #tpu.memory_space<vmem>>) dst(%dma_wait3A_271 : memref<10112x128xf32, #tpu.memory_space<vmem_shared>>)
      } else {
      }
    }
    %scan3A_27 = arith.constant 10 : i32
    %barrier3A_28 = arith.constant 0 : index
    tpu.barrier barrier_id(%barrier3A_28)
    %scan3A_29 = arith.constant 0 : i32
    %scan3A_30 = arith.constant 4 : i32
    %scan3A_31 = arith.addi %scan3A_29, %scan3A_30 : i32
    %scan3A_32 = arith.constant 1 : i32
    scf.for %scan3A_38 = %scan3A_29 to %scan3A_31 step %scan3A_32  : i32 {
      %mul3A_39 = arith.constant 1 : i32
      %mul3A_40 = arith.muli %scan3A_38, %mul3A_39 : i32
      %add3A_41 = arith.constant 0 : i32
      %add3A_42 = arith.addi %add3A_41, %mul3A_40 : i32
      %mul3A_43 = arith.constant 128 : i32
      %mul3A_44 = arith.muli %add3A_42, %mul3A_43 : i32
      %add3A_45 = arith.addi %mul3A_5, %mul3A_44 : i32
      %mul3A_46 = arith.constant 128 : i32
      %mul3A_47 = arith.muli %add3A_42, %mul3A_46 : i32
      %add3A_48 = arith.addi %mul3A_5, %mul3A_47 : i32
      "tpu.region"() ({
        %run_scoped3A = tpu.sem_alloc : memref<!tpu.dma_semaphore, #tpu.memory_space<semaphore_mem>>
        %dma_start3A = arith.constant 0 : i32
        %dma_start3A_49 = arith.constant 0 : i32
        %dma_start3A_50 = tpu.memref_slice %arg5[%arg0, %dma_start3A, %dma_start3A_49] : memref<2x10112x128xf32, #tpu.memory_space<hbm>> -> memref<1x10112x128xf32, #tpu.memory_space<hbm>>
        %dma_start3A_51 = tpu.memref_squeeze %dma_start3A_50 : memref<1x10112x128xf32, #tpu.memory_space<hbm>> -> memref<10112x128xf32, #tpu.memory_space<hbm>>
        %dma_start3A_52 = arith.constant 0 : i32
        %dma_start3A_53 = tpu.memref_slice %dma_start3A_51[%add3A_48, %dma_start3A_52] : memref<10112x128xf32, #tpu.memory_space<hbm>> -> memref<128x128xf32, #tpu.memory_space<hbm>>
        %dma_start3A_54 = arith.constant 0 : i32
        %dma_start3A_55 = tpu.memref_slice %arg10[%add3A_45, %dma_start3A_54] : memref<10112x128xf32, #tpu.memory_space<vmem_shared>> -> memref<128x128xf32, #tpu.memory_space<vmem_shared>>
        tpu.enqueue_dma source(%dma_start3A_55 : memref<128x128xf32, #tpu.memory_space<vmem_shared>>) target(%dma_start3A_53 : memref<128x128xf32, #tpu.memory_space<hbm>>) target_semaphore(%run_scoped3A : memref<!tpu.dma_semaphore, #tpu.memory_space<semaphore_mem>>)
        %dma_wait3A = arith.constant 0 : i32
        %dma_wait3A_56 = arith.constant 0 : i32
        %dma_wait3A_57 = tpu.memref_slice %arg5[%arg0, %dma_wait3A, %dma_wait3A_56] : memref<2x10112x128xf32, #tpu.memory_space<hbm>> -> memref<1x10112x128xf32, #tpu.memory_space<hbm>>
        %dma_wait3A_58 = tpu.memref_squeeze %dma_wait3A_57 : memref<1x10112x128xf32, #tpu.memory_space<hbm>> -> memref<10112x128xf32, #tpu.memory_space<hbm>>
        %dma_wait3A_59 = arith.constant 0 : i32
        %dma_wait3A_60 = tpu.memref_slice %dma_wait3A_58[%add3A_48, %dma_wait3A_59] : memref<10112x128xf32, #tpu.memory_space<hbm>> -> memref<128x128xf32, #tpu.memory_space<hbm>>
        %dma_wait3A_61 = arith.constant 0 : i32
        %dma_wait3A_62 = tpu.memref_slice %arg10[%add3A_45, %dma_wait3A_61] : memref<10112x128xf32, #tpu.memory_space<vmem_shared>> -> memref<128x128xf32, #tpu.memory_space<vmem_shared>>
        tpu.wait_dma2 semaphore(%run_scoped3A : memref<!tpu.dma_semaphore, #tpu.memory_space<semaphore_mem>>) src(%dma_wait3A_62 : memref<128x128xf32, #tpu.memory_space<vmem_shared>>) dst(%dma_wait3A_60 : memref<128x128xf32, #tpu.memory_space<hbm>>)
        tpu.yield
      }) : () -> ()
    }
    %scan3A_33 = arith.constant 4 : i32
    %add3A_34 = arith.constant 512 : i32
    %add3A_35 = arith.addi %mul3A_5, %add3A_34 : i32
    %add3A_36 = arith.constant 512 : i32
    %add3A_37 = arith.addi %mul3A_5, %add3A_36 : i32
    "tpu.region"() ({
      %run_scoped3A = tpu.sem_alloc : memref<!tpu.dma_semaphore, #tpu.memory_space<semaphore_mem>>
      %dma_start3A = arith.constant 0 : i32
      %dma_start3A_38 = arith.constant 0 : i32
      %dma_start3A_39 = tpu.memref_slice %arg5[%arg0, %dma_start3A, %dma_start3A_38] : memref<2x10112x128xf32, #tpu.memory_space<hbm>> -> memref<1x10112x128xf32, #tpu.memory_space<hbm>>
      %dma_start3A_40 = tpu.memref_squeeze %dma_start3A_39 : memref<1x10112x128xf32, #tpu.memory_space<hbm>> -> memref<10112x128xf32, #tpu.memory_space<hbm>>
      %dma_start3A_41 = arith.constant 0 : i32
      %dma_start3A_42 = tpu.memref_slice %dma_start3A_40[%add3A_37, %dma_start3A_41] : memref<10112x128xf32, #tpu.memory_space<hbm>> -> memref<120x128xf32, #tpu.memory_space<hbm>>
      %dma_start3A_43 = arith.constant 0 : i32
      %dma_start3A_44 = tpu.memref_slice %arg10[%add3A_35, %dma_start3A_43] : memref<10112x128xf32, #tpu.memory_space<vmem_shared>> -> memref<120x128xf32, #tpu.memory_space<vmem_shared>>
      tpu.enqueue_dma source(%dma_start3A_44 : memref<120x128xf32, #tpu.memory_space<vmem_shared>>) target(%dma_start3A_42 : memref<120x128xf32, #tpu.memory_space<hbm>>) target_semaphore(%run_scoped3A : memref<!tpu.dma_semaphore, #tpu.memory_space<semaphore_mem>>)
      %dma_wait3A = arith.constant 0 : i32
      %dma_wait3A_45 = arith.constant 0 : i32
      %dma_wait3A_46 = tpu.memref_slice %arg5[%arg0, %dma_wait3A, %dma_wait3A_45] : memref<2x10112x128xf32, #tpu.memory_space<hbm>> -> memref<1x10112x128xf32, #tpu.memory_space<hbm>>
      %dma_wait3A_47 = tpu.memref_squeeze %dma_wait3A_46 : memref<1x10112x128xf32, #tpu.memory_space<hbm>> -> memref<10112x128xf32, #tpu.memory_space<hbm>>
      %dma_wait3A_48 = arith.constant 0 : i32
      %dma_wait3A_49 = tpu.memref_slice %dma_wait3A_47[%add3A_37, %dma_wait3A_48] : memref<10112x128xf32, #tpu.memory_space<hbm>> -> memref<120x128xf32, #tpu.memory_space<hbm>>
      %dma_wait3A_50 = arith.constant 0 : i32
      %dma_wait3A_51 = tpu.memref_slice %arg10[%add3A_35, %dma_wait3A_50] : memref<10112x128xf32, #tpu.memory_space<vmem_shared>> -> memref<120x128xf32, #tpu.memory_space<vmem_shared>>
      tpu.wait_dma2 semaphore(%run_scoped3A : memref<!tpu.dma_semaphore, #tpu.memory_space<semaphore_mem>>) src(%dma_wait3A_51 : memref<120x128xf32, #tpu.memory_space<vmem_shared>>) dst(%dma_wait3A_49 : memref<120x128xf32, #tpu.memory_space<hbm>>)
      tpu.yield
    }) : () -> ()
    return
  }
}

#map = affine_map<(d0, d1) -> (0, 0)>
#map1 = affine_map<(d0, d1) -> (0, 0, 0)>
module attributes {stable_mosaic.version = 14 : i64} {
  func.func @_sc_pool_body(%arg0: i32, %arg1: i32, %arg2: memref<10112x128xf32, #tpu.memory_space<hbm>>, %arg3: memref<2560x128xi32, #tpu.memory_space<hbm>>, %arg4: memref<2560x128xi32, #tpu.memory_space<hbm>>, %arg5: memref<2x10112x128xf32, #tpu.memory_space<hbm>>, %arg6: memref<8x128xi32, #tpu.memory_space<vmem>>, %arg7: memref<8x128xi32, #tpu.memory_space<vmem>>, %arg8: memref<128x128xf32, #tpu.memory_space<vmem>>, %arg9: memref<128x128xf32, #tpu.memory_space<vmem>>, %arg10: memref<10112x128xf32, #tpu.memory_space<vmem_shared>>, %arg11: memref<!tpu.dma_semaphore, #tpu.memory_space<semaphore_mem>>, %arg12: memref<!tpu.dma_semaphore, #tpu.memory_space<semaphore_mem>>, %arg13: memref<!tpu.dma_semaphore, #tpu.memory_space<semaphore_mem>>, %arg14: memref<!tpu.dma_semaphore, #tpu.memory_space<semaphore_mem>>) attributes {dimension_semantics = [#tpu.dimension_semantics<core_parallel>, #tpu.dimension_semantics<subcore_parallel>], iteration_bounds = array<i64: 2, 16>, scalar_prefetch = 0 : i64, scratch_operands = 9 : i64, tpu.core_type = #tpu.core_type<sc_vector_subcore>, window_params = [{transform_indices = #map}, {transform_indices = #map}, {transform_indices = #map}, {transform_indices = #map1}]} {
    %broadcast_in_dim3A = arith.constant 0.000000e+00 : f32
    %broadcast_in_dim3A_0 = vector.broadcast %broadcast_in_dim3A : f32 to vector<16xf32>
    %scan3A = arith.constant 0 : i32
    %scan3A_1 = arith.constant 128 : i32
    %scan3A_2 = arith.addi %scan3A, %scan3A_1 : i32
    %scan3A_3 = arith.constant 1 : i32
    scf.for %scan3A_38 = %scan3A to %scan3A_2 step %scan3A_3  : i32 {
      %mul3A_39 = arith.constant 1 : i32
      %mul3A_40 = arith.muli %scan3A_38, %mul3A_39 : i32
      %add3A_41 = arith.constant 0 : i32
      %add3A_42 = arith.addi %add3A_41, %mul3A_40 : i32
      %scan3A_43 = arith.constant 0 : i32
      %scan3A_44 = arith.constant 8 : i32
      %scan3A_45 = arith.addi %scan3A_43, %scan3A_44 : i32
      %scan3A_46 = arith.constant 1 : i32
      scf.for %scan3A_48 = %scan3A_43 to %scan3A_45 step %scan3A_46  : i32 {
        %mul3A_49 = arith.constant 16 : i32
        %mul3A_50 = arith.muli %scan3A_48, %mul3A_49 : i32
        %add3A_51 = arith.constant 0 : i32
        %add3A_52 = arith.addi %add3A_51, %mul3A_50 : i32
        %swap3A = arith.index_cast %add3A_42 : i32 to index
        %swap3A_53 = arith.index_cast %add3A_52 : i32 to index
        %swap3A_54 = tpu.vector_load %arg8[%swap3A, %swap3A_53] {strides = array<i32>} : memref<128x128xf32, #tpu.memory_space<vmem>>, vector<1x16xf32>,
        %swap3A_55 = vector.shape_cast %swap3A_54 : vector<1x16xf32> to vector<16xf32>
        %swap3A_56 = vector.shape_cast %broadcast_in_dim3A_0 : vector<16xf32> to vector<1x16xf32>
        tpu.vector_store %arg8[%swap3A, %swap3A_53], %swap3A_56 {strides = array<i32>} : memref<128x128xf32, #tpu.memory_space<vmem>>, vector<1x16xf32>,
      }
      %scan3A_47 = arith.constant 8 : i32
    }
    %scan3A_4 = arith.constant 128 : i32
    %mul3A = arith.constant 632 : i32
    %mul3A_5 = arith.muli %arg1, %mul3A : i32
    %scan3A_6 = arith.constant 0 : i32
    %scan3A_7 = arith.constant 4 : i32
    %scan3A_8 = arith.addi %scan3A_6, %scan3A_7 : i32
    %scan3A_9 = arith.constant 1 : i32
    scf.for %scan3A_38 = %scan3A_6 to %scan3A_8 step %scan3A_9  : i32 {
      %mul3A_39 = arith.constant 1 : i32
      %mul3A_40 = arith.muli %scan3A_38, %mul3A_39 : i32
      %add3A_41 = arith.constant 0 : i32
      %add3A_42 = arith.addi %add3A_41, %mul3A_40 : i32
      %mul3A_43 = arith.constant 128 : i32
      %mul3A_44 = arith.muli %add3A_42, %mul3A_43 : i32
      %add3A_45 = arith.addi %mul3A_5, %mul3A_44 : i32
      "tpu.region"() ({
        %run_scoped3A = tpu.sem_alloc : memref<!tpu.dma_semaphore, #tpu.memory_space<semaphore_mem>>
        %dma_start3A = arith.constant 0 : i32
        %dma_start3A_46 = tpu.memref_slice %arg10[%add3A_45, %dma_start3A] : memref<10112x128xf32, #tpu.memory_space<vmem_shared>> -> memref<128x128xf32, #tpu.memory_space<vmem_shared>>
        %dma_start3A_47 = arith.constant 0 : i32
        %dma_start3A_48 = tpu.memref_slice %arg10[%add3A_45, %dma_start3A_47] : memref<10112x128xf32, #tpu.memory_space<vmem_shared>> -> memref<128x128xf32, #tpu.memory_space<vmem_shared>>
        tpu.enqueue_dma source(%arg8 : memref<128x128xf32, #tpu.memory_space<vmem>>) target(%dma_start3A_48 : memref<128x128xf32, #tpu.memory_space<vmem_shared>>) target_semaphore(%run_scoped3A : memref<!tpu.dma_semaphore, #tpu.memory_space<semaphore_mem>>)
        %dma_wait3A = arith.constant 0 : i32
        %dma_wait3A_49 = tpu.memref_slice %arg10[%add3A_45, %dma_wait3A] : memref<10112x128xf32, #tpu.memory_space<vmem_shared>> -> memref<128x128xf32, #tpu.memory_space<vmem_shared>>
        %dma_wait3A_50 = arith.constant 0 : i32
        %dma_wait3A_51 = tpu.memref_slice %arg10[%add3A_45, %dma_wait3A_50] : memref<10112x128xf32, #tpu.memory_space<vmem_shared>> -> memref<128x128xf32, #tpu.memory_space<vmem_shared>>
        tpu.wait_dma2 semaphore(%run_scoped3A : memref<!tpu.dma_semaphore, #tpu.memory_space<semaphore_mem>>) src(%arg8 : memref<128x128xf32, #tpu.memory_space<vmem>>) dst(%dma_wait3A_51 : memref<128x128xf32, #tpu.memory_space<vmem_shared>>)
        tpu.yield
      }) : () -> ()
    }
    %scan3A_10 = arith.constant 4 : i32
    %add3A = arith.constant 512 : i32
    %add3A_11 = arith.addi %mul3A_5, %add3A : i32
    "tpu.region"() ({
      %run_scoped3A = tpu.sem_alloc : memref<!tpu.dma_semaphore, #tpu.memory_space<semaphore_mem>>
      %dma_start3A = arith.constant 0 : i32
      %dma_start3A_38 = arith.constant 0 : i32
      %dma_start3A_39 = tpu.memref_slice %arg8[%dma_start3A, %dma_start3A_38] : memref<128x128xf32, #tpu.memory_space<vmem>> -> memref<120x128xf32, #tpu.memory_space<vmem>>
      %dma_start3A_40 = arith.constant 0 : i32
      %dma_start3A_41 = tpu.memref_slice %arg10[%add3A_11, %dma_start3A_40] : memref<10112x128xf32, #tpu.memory_space<vmem_shared>> -> memref<120x128xf32, #tpu.memory_space<vmem_shared>>
      %dma_start3A_42 = arith.constant 0 : i32
      %dma_start3A_43 = tpu.memref_slice %arg10[%add3A_11, %dma_start3A_42] : memref<10112x128xf32, #tpu.memory_space<vmem_shared>> -> memref<120x128xf32, #tpu.memory_space<vmem_shared>>
      %dma_start3A_44 = arith.constant 0 : i32
      %dma_start3A_45 = arith.constant 0 : i32
      %dma_start3A_46 = tpu.memref_slice %arg8[%dma_start3A_44, %dma_start3A_45] : memref<128x128xf32, #tpu.memory_space<vmem>> -> memref<120x128xf32, #tpu.memory_space<vmem>>
      tpu.enqueue_dma source(%dma_start3A_46 : memref<120x128xf32, #tpu.memory_space<vmem>>) target(%dma_start3A_43 : memref<120x128xf32, #tpu.memory_space<vmem_shared>>) target_semaphore(%run_scoped3A : memref<!tpu.dma_semaphore, #tpu.memory_space<semaphore_mem>>)
      %dma_wait3A = arith.constant 0 : i32
      %dma_wait3A_47 = arith.constant 0 : i32
      %dma_wait3A_48 = tpu.memref_slice %arg8[%dma_wait3A, %dma_wait3A_47] : memref<128x128xf32, #tpu.memory_space<vmem>> -> memref<120x128xf32, #tpu.memory_space<vmem>>
      %dma_wait3A_49 = arith.constant 0 : i32
      %dma_wait3A_50 = tpu.memref_slice %arg10[%add3A_11, %dma_wait3A_49] : memref<10112x128xf32, #tpu.memory_space<vmem_shared>> -> memref<120x128xf32, #tpu.memory_space<vmem_shared>>
      %dma_wait3A_51 = arith.constant 0 : i32
      %dma_wait3A_52 = tpu.memref_slice %arg10[%add3A_11, %dma_wait3A_51] : memref<10112x128xf32, #tpu.memory_space<vmem_shared>> -> memref<120x128xf32, #tpu.memory_space<vmem_shared>>
      %dma_wait3A_53 = arith.constant 0 : i32
      %dma_wait3A_54 = arith.constant 0 : i32
      %dma_wait3A_55 = tpu.memref_slice %arg8[%dma_wait3A_53, %dma_wait3A_54] : memref<128x128xf32, #tpu.memory_space<vmem>> -> memref<120x128xf32, #tpu.memory_space<vmem>>
      tpu.wait_dma2 semaphore(%run_scoped3A : memref<!tpu.dma_semaphore, #tpu.memory_space<semaphore_mem>>) src(%dma_wait3A_55 : memref<120x128xf32, #tpu.memory_space<vmem>>) dst(%dma_wait3A_52 : memref<120x128xf32, #tpu.memory_space<vmem_shared>>)
      tpu.yield
    }) : () -> ()
    %barrier3A = arith.constant 0 : index
    tpu.barrier barrier_id(%barrier3A)
    %eq3A = arith.constant 0 : i32
    %eq3A_12 = arith.cmpi eq, %arg0, %eq3A : i32
    %mul3A_13 = arith.constant 80 : i32
    %mul3A_14 = arith.muli %arg1, %mul3A_13 : i32
    %mul3A_15 = arith.constant 80 : i32
    %mul3A_16 = arith.muli %arg1, %mul3A_15 : i32
    %add3A_17 = arith.constant 1280 : i32
    %add3A_18 = arith.addi %add3A_17, %mul3A_16 : i32
    %select_n3A = arith.select %eq3A_12, %mul3A_14, %add3A_18 : i32
    %eq3A_19 = arith.constant 0 : i32
    %eq3A_20 = arith.cmpi eq, %arg0, %eq3A_19 : i32
    %jit3A = arith.constant 10 : i32
    %jit3A_21 = arith.constant 10 : i32
    %select_n3A_22 = arith.select %eq3A_20, %jit3A, %jit3A_21 : i32
    %scan3A_23 = arith.constant 0 : i32
    %scan3A_24 = arith.constant 10 : i32
    %scan3A_25 = arith.addi %scan3A_23, %scan3A_24 : i32
    %scan3A_26 = arith.constant 1 : i32
    scf.for %scan3A_38 = %scan3A_23 to %scan3A_25 step %scan3A_26  : i32 {
      %mul3A_39 = arith.constant 1 : i32
      %mul3A_40 = arith.muli %scan3A_38, %mul3A_39 : i32
      %add3A_41 = arith.constant 0 : i32
      %add3A_42 = arith.addi %add3A_41, %mul3A_40 : i32
      %lt3A = arith.cmpi slt, %add3A_42, %select_n3A_22 : i32
      %convert_element_type3A = arith.extui %lt3A : i1 to i32
      %cond3A = arith.constant 0 : i32
      %cond3A_43 = arith.cmpi ne, %convert_element_type3A, %cond3A : i32
      scf.if %cond3A_43 {
        %mul3A_44 = arith.constant 8 : i32
        %mul3A_45 = arith.muli %add3A_42, %mul3A_44 : i32
        %add3A_46 = arith.addi %select_n3A, %mul3A_45 : i32
        "tpu.region"() ({
          %run_scoped3A = tpu.sem_alloc : memref<!tpu.dma_semaphore, #tpu.memory_space<semaphore_mem>>
          %dma_start3A_272 = arith.constant 0 : i32
          %dma_start3A_273 = tpu.memref_slice %arg3[%add3A_46, %dma_start3A_272] : memref<2560x128xi32, #tpu.memory_space<hbm>> -> memref<8x128xi32, #tpu.memory_space<hbm>>
          %dma_start3A_274 = arith.constant 0 : i32
          %dma_start3A_275 = tpu.memref_slice %arg3[%add3A_46, %dma_start3A_274] : memref<2560x128xi32, #tpu.memory_space<hbm>> -> memref<8x128xi32, #tpu.memory_space<hbm>>
          tpu.enqueue_dma source(%dma_start3A_275 : memref<8x128xi32, #tpu.memory_space<hbm>>) target(%arg6 : memref<8x128xi32, #tpu.memory_space<vmem>>) target_semaphore(%run_scoped3A : memref<!tpu.dma_semaphore, #tpu.memory_space<semaphore_mem>>)
          %dma_wait3A_276 = arith.constant 0 : i32
          %dma_wait3A_277 = tpu.memref_slice %arg3[%add3A_46, %dma_wait3A_276] : memref<2560x128xi32, #tpu.memory_space<hbm>> -> memref<8x128xi32, #tpu.memory_space<hbm>>
          %dma_wait3A_278 = arith.constant 0 : i32
          %dma_wait3A_279 = tpu.memref_slice %arg3[%add3A_46, %dma_wait3A_278] : memref<2560x128xi32, #tpu.memory_space<hbm>> -> memref<8x128xi32, #tpu.memory_space<hbm>>
          tpu.wait_dma2 semaphore(%run_scoped3A : memref<!tpu.dma_semaphore, #tpu.memory_space<semaphore_mem>>) src(%dma_wait3A_279 : memref<8x128xi32, #tpu.memory_space<hbm>>) dst(%arg6 : memref<8x128xi32, #tpu.memory_space<vmem>>)
          tpu.yield
        }) : () -> ()
        %mul3A_47 = arith.constant 8 : i32
        %mul3A_48 = arith.muli %add3A_42, %mul3A_47 : i32
        %add3A_49 = arith.addi %select_n3A, %mul3A_48 : i32
        "tpu.region"() ({
          %run_scoped3A = tpu.sem_alloc : memref<!tpu.dma_semaphore, #tpu.memory_space<semaphore_mem>>
          %dma_start3A_272 = arith.constant 0 : i32
          %dma_start3A_273 = tpu.memref_slice %arg4[%add3A_49, %dma_start3A_272] : memref<2560x128xi32, #tpu.memory_space<hbm>> -> memref<8x128xi32, #tpu.memory_space<hbm>>
          %dma_start3A_274 = arith.constant 0 : i32
          %dma_start3A_275 = tpu.memref_slice %arg4[%add3A_49, %dma_start3A_274] : memref<2560x128xi32, #tpu.memory_space<hbm>> -> memref<8x128xi32, #tpu.memory_space<hbm>>
          tpu.enqueue_dma source(%dma_start3A_275 : memref<8x128xi32, #tpu.memory_space<hbm>>) target(%arg7 : memref<8x128xi32, #tpu.memory_space<vmem>>) target_semaphore(%run_scoped3A : memref<!tpu.dma_semaphore, #tpu.memory_space<semaphore_mem>>)
          %dma_wait3A_276 = arith.constant 0 : i32
          %dma_wait3A_277 = tpu.memref_slice %arg4[%add3A_49, %dma_wait3A_276] : memref<2560x128xi32, #tpu.memory_space<hbm>> -> memref<8x128xi32, #tpu.memory_space<hbm>>
          %dma_wait3A_278 = arith.constant 0 : i32
          %dma_wait3A_279 = tpu.memref_slice %arg4[%add3A_49, %dma_wait3A_278] : memref<2560x128xi32, #tpu.memory_space<hbm>> -> memref<8x128xi32, #tpu.memory_space<hbm>>
          tpu.wait_dma2 semaphore(%run_scoped3A : memref<!tpu.dma_semaphore, #tpu.memory_space<semaphore_mem>>) src(%dma_wait3A_279 : memref<8x128xi32, #tpu.memory_space<hbm>>) dst(%arg7 : memref<8x128xi32, #tpu.memory_space<vmem>>)
          tpu.yield
        }) : () -> ()
        %dma_start3A = arith.constant 0 : i32
        %dma_start3A_50 = arith.constant 0 : i32
        %dma_start3A_51 = tpu.memref_slice %arg6[%dma_start3A, %dma_start3A_50] : memref<8x128xi32, #tpu.memory_space<vmem>> -> memref<1x128xi32, #tpu.memory_space<vmem>>
        %dma_start3A_52 = tpu.memref_squeeze %dma_start3A_51 : memref<1x128xi32, #tpu.memory_space<vmem>> -> memref<128xi32, #tpu.memory_space<vmem>>
        %dma_start3A_53 = arith.constant 0 : i32
        %dma_start3A_54 = arith.constant 0 : i32
        %dma_start3A_55 = tpu.memref_slice %arg2[%dma_start3A_53, %dma_start3A_54] : memref<10112x128xf32, #tpu.memory_space<hbm>> -> memref<10112x128xf32, #tpu.memory_space<hbm>>
        tpu.enqueue_indirect_dma source(%dma_start3A_55 : memref<10112x128xf32, #tpu.memory_space<hbm>>) target(%arg8 : memref<128x128xf32, #tpu.memory_space<vmem>>) offsets(%dma_start3A_52 : memref<128xi32, #tpu.memory_space<vmem>>) semaphore(%arg11 : memref<!tpu.dma_semaphore, #tpu.memory_space<semaphore_mem>>)
        %dma_start3A_56 = arith.constant 1 : i32
        %dma_start3A_57 = arith.constant 0 : i32
        %dma_start3A_58 = tpu.memref_slice %arg6[%dma_start3A_56, %dma_start3A_57] : memref<8x128xi32, #tpu.memory_space<vmem>> -> memref<1x128xi32, #tpu.memory_space<vmem>>
        %dma_start3A_59 = tpu.memref_squeeze %dma_start3A_58 : memref<1x128xi32, #tpu.memory_space<vmem>> -> memref<128xi32, #tpu.memory_space<vmem>>
        %dma_start3A_60 = arith.constant 0 : i32
        %dma_start3A_61 = arith.constant 0 : i32
        %dma_start3A_62 = tpu.memref_slice %arg2[%dma_start3A_60, %dma_start3A_61] : memref<10112x128xf32, #tpu.memory_space<hbm>> -> memref<10112x128xf32, #tpu.memory_space<hbm>>
        tpu.enqueue_indirect_dma source(%dma_start3A_62 : memref<10112x128xf32, #tpu.memory_space<hbm>>) target(%arg9 : memref<128x128xf32, #tpu.memory_space<vmem>>) offsets(%dma_start3A_59 : memref<128xi32, #tpu.memory_space<vmem>>) semaphore(%arg12 : memref<!tpu.dma_semaphore, #tpu.memory_space<semaphore_mem>>)
        %dma_wait3A = arith.constant 0 : i32
        %dma_wait3A_63 = arith.constant 0 : i32
        %dma_wait3A_64 = tpu.memref_slice %arg6[%dma_wait3A, %dma_wait3A_63] : memref<8x128xi32, #tpu.memory_space<vmem>> -> memref<1x128xi32, #tpu.memory_space<vmem>>
        %dma_wait3A_65 = tpu.memref_squeeze %dma_wait3A_64 : memref<1x128xi32, #tpu.memory_space<vmem>> -> memref<128xi32, #tpu.memory_space<vmem>>
        %dma_wait3A_66 = arith.constant 0 : i32
        %dma_wait3A_67 = arith.constant 0 : i32
        %dma_wait3A_68 = tpu.memref_slice %arg2[%dma_wait3A_66, %dma_wait3A_67] : memref<10112x128xf32, #tpu.memory_space<hbm>> -> memref<10112x128xf32, #tpu.memory_space<hbm>>
        tpu.wait_indirect_dma semaphore(%arg11 : memref<!tpu.dma_semaphore, #tpu.memory_space<semaphore_mem>>) src(%dma_wait3A_68 : memref<10112x128xf32, #tpu.memory_space<hbm>>) dst(%arg8 : memref<128x128xf32, #tpu.memory_space<vmem>>)
        %dma_start3A_69 = arith.constant 0 : i32
        %dma_start3A_70 = arith.constant 0 : i32
        %dma_start3A_71 = tpu.memref_slice %arg7[%dma_start3A_69, %dma_start3A_70] : memref<8x128xi32, #tpu.memory_space<vmem>> -> memref<1x128xi32, #tpu.memory_space<vmem>>
        %dma_start3A_72 = tpu.memref_squeeze %dma_start3A_71 : memref<1x128xi32, #tpu.memory_space<vmem>> -> memref<128xi32, #tpu.memory_space<vmem>>
        %dma_start3A_73 = arith.constant 0 : i32
        %dma_start3A_74 = arith.constant 0 : i32
        %dma_start3A_75 = tpu.memref_slice %arg10[%dma_start3A_73, %dma_start3A_74] : memref<10112x128xf32, #tpu.memory_space<vmem_shared>> -> memref<10112x128xf32, #tpu.memory_space<vmem_shared>>
        tpu.enqueue_indirect_dma source(%arg8 : memref<128x128xf32, #tpu.memory_space<vmem>>) target(%dma_start3A_75 : memref<10112x128xf32, #tpu.memory_space<vmem_shared>>) offsets(%dma_start3A_72 : memref<128xi32, #tpu.memory_space<vmem>>) semaphore(%arg13 : memref<!tpu.dma_semaphore, #tpu.memory_space<semaphore_mem>>) {add = true}
        %dma_wait3A_76 = arith.constant 0 : i32
        %dma_wait3A_77 = arith.constant 0 : i32
        %dma_wait3A_78 = tpu.memref_slice %arg7[%dma_wait3A_76, %dma_wait3A_77] : memref<8x128xi32, #tpu.memory_space<vmem>> -> memref<1x128xi32, #tpu.memory_space<vmem>>
        %dma_wait3A_79 = tpu.memref_squeeze %dma_wait3A_78 : memref<1x128xi32, #tpu.memory_space<vmem>> -> memref<128xi32, #tpu.memory_space<vmem>>
        %dma_wait3A_80 = arith.constant 0 : i32
        %dma_wait3A_81 = arith.constant 0 : i32
        %dma_wait3A_82 = tpu.memref_slice %arg10[%dma_wait3A_80, %dma_wait3A_81] : memref<10112x128xf32, #tpu.memory_space<vmem_shared>> -> memref<10112x128xf32, #tpu.memory_space<vmem_shared>>
        tpu.wait_indirect_dma semaphore(%arg13 : memref<!tpu.dma_semaphore, #tpu.memory_space<semaphore_mem>>) src(%arg8 : memref<128x128xf32, #tpu.memory_space<vmem>>) dst(%dma_wait3A_82 : memref<10112x128xf32, #tpu.memory_space<vmem_shared>>)
        %dma_start3A_83 = arith.constant 2 : i32
        %dma_start3A_84 = arith.constant 0 : i32
        %dma_start3A_85 = tpu.memref_slice %arg6[%dma_start3A_83, %dma_start3A_84] : memref<8x128xi32, #tpu.memory_space<vmem>> -> memref<1x128xi32, #tpu.memory_space<vmem>>
        %dma_start3A_86 = tpu.memref_squeeze %dma_start3A_85 : memref<1x128xi32, #tpu.memory_space<vmem>> -> memref<128xi32, #tpu.memory_space<vmem>>
        %dma_start3A_87 = arith.constant 0 : i32
        %dma_start3A_88 = arith.constant 0 : i32
        %dma_start3A_89 = tpu.memref_slice %arg2[%dma_start3A_87, %dma_start3A_88] : memref<10112x128xf32, #tpu.memory_space<hbm>> -> memref<10112x128xf32, #tpu.memory_space<hbm>>
        tpu.enqueue_indirect_dma source(%dma_start3A_89 : memref<10112x128xf32, #tpu.memory_space<hbm>>) target(%arg8 : memref<128x128xf32, #tpu.memory_space<vmem>>) offsets(%dma_start3A_86 : memref<128xi32, #tpu.memory_space<vmem>>) semaphore(%arg11 : memref<!tpu.dma_semaphore, #tpu.memory_space<semaphore_mem>>)
        %dma_wait3A_90 = arith.constant 1 : i32
        %dma_wait3A_91 = arith.constant 0 : i32
        %dma_wait3A_92 = tpu.memref_slice %arg6[%dma_wait3A_90, %dma_wait3A_91] : memref<8x128xi32, #tpu.memory_space<vmem>> -> memref<1x128xi32, #tpu.memory_space<vmem>>
        %dma_wait3A_93 = tpu.memref_squeeze %dma_wait3A_92 : memref<1x128xi32, #tpu.memory_space<vmem>> -> memref<128xi32, #tpu.memory_space<vmem>>
        %dma_wait3A_94 = arith.constant 0 : i32
        %dma_wait3A_95 = arith.constant 0 : i32
        %dma_wait3A_96 = tpu.memref_slice %arg2[%dma_wait3A_94, %dma_wait3A_95] : memref<10112x128xf32, #tpu.memory_space<hbm>> -> memref<10112x128xf32, #tpu.memory_space<hbm>>
        tpu.wait_indirect_dma semaphore(%arg12 : memref<!tpu.dma_semaphore, #tpu.memory_space<semaphore_mem>>) src(%dma_wait3A_96 : memref<10112x128xf32, #tpu.memory_space<hbm>>) dst(%arg9 : memref<128x128xf32, #tpu.memory_space<vmem>>)
        %dma_start3A_97 = arith.constant 1 : i32
        %dma_start3A_98 = arith.constant 0 : i32
        %dma_start3A_99 = tpu.memref_slice %arg7[%dma_start3A_97, %dma_start3A_98] : memref<8x128xi32, #tpu.memory_space<vmem>> -> memref<1x128xi32, #tpu.memory_space<vmem>>
        %dma_start3A_100 = tpu.memref_squeeze %dma_start3A_99 : memref<1x128xi32, #tpu.memory_space<vmem>> -> memref<128xi32, #tpu.memory_space<vmem>>
        %dma_start3A_101 = arith.constant 0 : i32
        %dma_start3A_102 = arith.constant 0 : i32
        %dma_start3A_103 = tpu.memref_slice %arg10[%dma_start3A_101, %dma_start3A_102] : memref<10112x128xf32, #tpu.memory_space<vmem_shared>> -> memref<10112x128xf32, #tpu.memory_space<vmem_shared>>
        tpu.enqueue_indirect_dma source(%arg9 : memref<128x128xf32, #tpu.memory_space<vmem>>) target(%dma_start3A_103 : memref<10112x128xf32, #tpu.memory_space<vmem_shared>>) offsets(%dma_start3A_100 : memref<128xi32, #tpu.memory_space<vmem>>) semaphore(%arg14 : memref<!tpu.dma_semaphore, #tpu.memory_space<semaphore_mem>>) {add = true}
        %dma_wait3A_104 = arith.constant 1 : i32
        %dma_wait3A_105 = arith.constant 0 : i32
        %dma_wait3A_106 = tpu.memref_slice %arg7[%dma_wait3A_104, %dma_wait3A_105] : memref<8x128xi32, #tpu.memory_space<vmem>> -> memref<1x128xi32, #tpu.memory_space<vmem>>
        %dma_wait3A_107 = tpu.memref_squeeze %dma_wait3A_106 : memref<1x128xi32, #tpu.memory_space<vmem>> -> memref<128xi32, #tpu.memory_space<vmem>>
        %dma_wait3A_108 = arith.constant 0 : i32
        %dma_wait3A_109 = arith.constant 0 : i32
        %dma_wait3A_110 = tpu.memref_slice %arg10[%dma_wait3A_108, %dma_wait3A_109] : memref<10112x128xf32, #tpu.memory_space<vmem_shared>> -> memref<10112x128xf32, #tpu.memory_space<vmem_shared>>
        tpu.wait_indirect_dma semaphore(%arg14 : memref<!tpu.dma_semaphore, #tpu.memory_space<semaphore_mem>>) src(%arg9 : memref<128x128xf32, #tpu.memory_space<vmem>>) dst(%dma_wait3A_110 : memref<10112x128xf32, #tpu.memory_space<vmem_shared>>)
        %dma_start3A_111 = arith.constant 3 : i32
        %dma_start3A_112 = arith.constant 0 : i32
        %dma_start3A_113 = tpu.memref_slice %arg6[%dma_start3A_111, %dma_start3A_112] : memref<8x128xi32, #tpu.memory_space<vmem>> -> memref<1x128xi32, #tpu.memory_space<vmem>>
        %dma_start3A_114 = tpu.memref_squeeze %dma_start3A_113 : memref<1x128xi32, #tpu.memory_space<vmem>> -> memref<128xi32, #tpu.memory_space<vmem>>
        %dma_start3A_115 = arith.constant 0 : i32
        %dma_start3A_116 = arith.constant 0 : i32
        %dma_start3A_117 = tpu.memref_slice %arg2[%dma_start3A_115, %dma_start3A_116] : memref<10112x128xf32, #tpu.memory_space<hbm>> -> memref<10112x128xf32, #tpu.memory_space<hbm>>
        tpu.enqueue_indirect_dma source(%dma_start3A_117 : memref<10112x128xf32, #tpu.memory_space<hbm>>) target(%arg9 : memref<128x128xf32, #tpu.memory_space<vmem>>) offsets(%dma_start3A_114 : memref<128xi32, #tpu.memory_space<vmem>>) semaphore(%arg12 : memref<!tpu.dma_semaphore, #tpu.memory_space<semaphore_mem>>)
        %dma_wait3A_118 = arith.constant 2 : i32
        %dma_wait3A_119 = arith.constant 0 : i32
        %dma_wait3A_120 = tpu.memref_slice %arg6[%dma_wait3A_118, %dma_wait3A_119] : memref<8x128xi32, #tpu.memory_space<vmem>> -> memref<1x128xi32, #tpu.memory_space<vmem>>
        %dma_wait3A_121 = tpu.memref_squeeze %dma_wait3A_120 : memref<1x128xi32, #tpu.memory_space<vmem>> -> memref<128xi32, #tpu.memory_space<vmem>>
        %dma_wait3A_122 = arith.constant 0 : i32
        %dma_wait3A_123 = arith.constant 0 : i32
        %dma_wait3A_124 = tpu.memref_slice %arg2[%dma_wait3A_122, %dma_wait3A_123] : memref<10112x128xf32, #tpu.memory_space<hbm>> -> memref<10112x128xf32, #tpu.memory_space<hbm>>
        tpu.wait_indirect_dma semaphore(%arg11 : memref<!tpu.dma_semaphore, #tpu.memory_space<semaphore_mem>>) src(%dma_wait3A_124 : memref<10112x128xf32, #tpu.memory_space<hbm>>) dst(%arg8 : memref<128x128xf32, #tpu.memory_space<vmem>>)
        %dma_start3A_125 = arith.constant 2 : i32
        %dma_start3A_126 = arith.constant 0 : i32
        %dma_start3A_127 = tpu.memref_slice %arg7[%dma_start3A_125, %dma_start3A_126] : memref<8x128xi32, #tpu.memory_space<vmem>> -> memref<1x128xi32, #tpu.memory_space<vmem>>
        %dma_start3A_128 = tpu.memref_squeeze %dma_start3A_127 : memref<1x128xi32, #tpu.memory_space<vmem>> -> memref<128xi32, #tpu.memory_space<vmem>>
        %dma_start3A_129 = arith.constant 0 : i32
        %dma_start3A_130 = arith.constant 0 : i32
        %dma_start3A_131 = tpu.memref_slice %arg10[%dma_start3A_129, %dma_start3A_130] : memref<10112x128xf32, #tpu.memory_space<vmem_shared>> -> memref<10112x128xf32, #tpu.memory_space<vmem_shared>>
        tpu.enqueue_indirect_dma source(%arg8 : memref<128x128xf32, #tpu.memory_space<vmem>>) target(%dma_start3A_131 : memref<10112x128xf32, #tpu.memory_space<vmem_shared>>) offsets(%dma_start3A_128 : memref<128xi32, #tpu.memory_space<vmem>>) semaphore(%arg13 : memref<!tpu.dma_semaphore, #tpu.memory_space<semaphore_mem>>) {add = true}
        %dma_wait3A_132 = arith.constant 2 : i32
        %dma_wait3A_133 = arith.constant 0 : i32
        %dma_wait3A_134 = tpu.memref_slice %arg7[%dma_wait3A_132, %dma_wait3A_133] : memref<8x128xi32, #tpu.memory_space<vmem>> -> memref<1x128xi32, #tpu.memory_space<vmem>>
        %dma_wait3A_135 = tpu.memref_squeeze %dma_wait3A_134 : memref<1x128xi32, #tpu.memory_space<vmem>> -> memref<128xi32, #tpu.memory_space<vmem>>
        %dma_wait3A_136 = arith.constant 0 : i32
        %dma_wait3A_137 = arith.constant 0 : i32
        %dma_wait3A_138 = tpu.memref_slice %arg10[%dma_wait3A_136, %dma_wait3A_137] : memref<10112x128xf32, #tpu.memory_space<vmem_shared>> -> memref<10112x128xf32, #tpu.memory_space<vmem_shared>>
        tpu.wait_indirect_dma semaphore(%arg13 : memref<!tpu.dma_semaphore, #tpu.memory_space<semaphore_mem>>) src(%arg8 : memref<128x128xf32, #tpu.memory_space<vmem>>) dst(%dma_wait3A_138 : memref<10112x128xf32, #tpu.memory_space<vmem_shared>>)
        %dma_start3A_139 = arith.constant 4 : i32
        %dma_start3A_140 = arith.constant 0 : i32
        %dma_start3A_141 = tpu.memref_slice %arg6[%dma_start3A_139, %dma_start3A_140] : memref<8x128xi32, #tpu.memory_space<vmem>> -> memref<1x128xi32, #tpu.memory_space<vmem>>
        %dma_start3A_142 = tpu.memref_squeeze %dma_start3A_141 : memref<1x128xi32, #tpu.memory_space<vmem>> -> memref<128xi32, #tpu.memory_space<vmem>>
        %dma_start3A_143 = arith.constant 0 : i32
        %dma_start3A_144 = arith.constant 0 : i32
        %dma_start3A_145 = tpu.memref_slice %arg2[%dma_start3A_143, %dma_start3A_144] : memref<10112x128xf32, #tpu.memory_space<hbm>> -> memref<10112x128xf32, #tpu.memory_space<hbm>>
        tpu.enqueue_indirect_dma source(%dma_start3A_145 : memref<10112x128xf32, #tpu.memory_space<hbm>>) target(%arg8 : memref<128x128xf32, #tpu.memory_space<vmem>>) offsets(%dma_start3A_142 : memref<128xi32, #tpu.memory_space<vmem>>) semaphore(%arg11 : memref<!tpu.dma_semaphore, #tpu.memory_space<semaphore_mem>>)
        %dma_wait3A_146 = arith.constant 3 : i32
        %dma_wait3A_147 = arith.constant 0 : i32
        %dma_wait3A_148 = tpu.memref_slice %arg6[%dma_wait3A_146, %dma_wait3A_147] : memref<8x128xi32, #tpu.memory_space<vmem>> -> memref<1x128xi32, #tpu.memory_space<vmem>>
        %dma_wait3A_149 = tpu.memref_squeeze %dma_wait3A_148 : memref<1x128xi32, #tpu.memory_space<vmem>> -> memref<128xi32, #tpu.memory_space<vmem>>
        %dma_wait3A_150 = arith.constant 0 : i32
        %dma_wait3A_151 = arith.constant 0 : i32
        %dma_wait3A_152 = tpu.memref_slice %arg2[%dma_wait3A_150, %dma_wait3A_151] : memref<10112x128xf32, #tpu.memory_space<hbm>> -> memref<10112x128xf32, #tpu.memory_space<hbm>>
        tpu.wait_indirect_dma semaphore(%arg12 : memref<!tpu.dma_semaphore, #tpu.memory_space<semaphore_mem>>) src(%dma_wait3A_152 : memref<10112x128xf32, #tpu.memory_space<hbm>>) dst(%arg9 : memref<128x128xf32, #tpu.memory_space<vmem>>)
        %dma_start3A_153 = arith.constant 3 : i32
        %dma_start3A_154 = arith.constant 0 : i32
        %dma_start3A_155 = tpu.memref_slice %arg7[%dma_start3A_153, %dma_start3A_154] : memref<8x128xi32, #tpu.memory_space<vmem>> -> memref<1x128xi32, #tpu.memory_space<vmem>>
        %dma_start3A_156 = tpu.memref_squeeze %dma_start3A_155 : memref<1x128xi32, #tpu.memory_space<vmem>> -> memref<128xi32, #tpu.memory_space<vmem>>
        %dma_start3A_157 = arith.constant 0 : i32
        %dma_start3A_158 = arith.constant 0 : i32
        %dma_start3A_159 = tpu.memref_slice %arg10[%dma_start3A_157, %dma_start3A_158] : memref<10112x128xf32, #tpu.memory_space<vmem_shared>> -> memref<10112x128xf32, #tpu.memory_space<vmem_shared>>
        tpu.enqueue_indirect_dma source(%arg9 : memref<128x128xf32, #tpu.memory_space<vmem>>) target(%dma_start3A_159 : memref<10112x128xf32, #tpu.memory_space<vmem_shared>>) offsets(%dma_start3A_156 : memref<128xi32, #tpu.memory_space<vmem>>) semaphore(%arg14 : memref<!tpu.dma_semaphore, #tpu.memory_space<semaphore_mem>>) {add = true}
        %dma_wait3A_160 = arith.constant 3 : i32
        %dma_wait3A_161 = arith.constant 0 : i32
        %dma_wait3A_162 = tpu.memref_slice %arg7[%dma_wait3A_160, %dma_wait3A_161] : memref<8x128xi32, #tpu.memory_space<vmem>> -> memref<1x128xi32, #tpu.memory_space<vmem>>
        %dma_wait3A_163 = tpu.memref_squeeze %dma_wait3A_162 : memref<1x128xi32, #tpu.memory_space<vmem>> -> memref<128xi32, #tpu.memory_space<vmem>>
        %dma_wait3A_164 = arith.constant 0 : i32
        %dma_wait3A_165 = arith.constant 0 : i32
        %dma_wait3A_166 = tpu.memref_slice %arg10[%dma_wait3A_164, %dma_wait3A_165] : memref<10112x128xf32, #tpu.memory_space<vmem_shared>> -> memref<10112x128xf32, #tpu.memory_space<vmem_shared>>
        tpu.wait_indirect_dma semaphore(%arg14 : memref<!tpu.dma_semaphore, #tpu.memory_space<semaphore_mem>>) src(%arg9 : memref<128x128xf32, #tpu.memory_space<vmem>>) dst(%dma_wait3A_166 : memref<10112x128xf32, #tpu.memory_space<vmem_shared>>)
        %dma_start3A_167 = arith.constant 5 : i32
        %dma_start3A_168 = arith.constant 0 : i32
        %dma_start3A_169 = tpu.memref_slice %arg6[%dma_start3A_167, %dma_start3A_168] : memref<8x128xi32, #tpu.memory_space<vmem>> -> memref<1x128xi32, #tpu.memory_space<vmem>>
        %dma_start3A_170 = tpu.memref_squeeze %dma_start3A_169 : memref<1x128xi32, #tpu.memory_space<vmem>> -> memref<128xi32, #tpu.memory_space<vmem>>
        %dma_start3A_171 = arith.constant 0 : i32
        %dma_start3A_172 = arith.constant 0 : i32
        %dma_start3A_173 = tpu.memref_slice %arg2[%dma_start3A_171, %dma_start3A_172] : memref<10112x128xf32, #tpu.memory_space<hbm>> -> memref<10112x128xf32, #tpu.memory_space<hbm>>
        tpu.enqueue_indirect_dma source(%dma_start3A_173 : memref<10112x128xf32, #tpu.memory_space<hbm>>) target(%arg9 : memref<128x128xf32, #tpu.memory_space<vmem>>) offsets(%dma_start3A_170 : memref<128xi32, #tpu.memory_space<vmem>>) semaphore(%arg12 : memref<!tpu.dma_semaphore, #tpu.memory_space<semaphore_mem>>)
        %dma_wait3A_174 = arith.constant 4 : i32
        %dma_wait3A_175 = arith.constant 0 : i32
        %dma_wait3A_176 = tpu.memref_slice %arg6[%dma_wait3A_174, %dma_wait3A_175] : memref<8x128xi32, #tpu.memory_space<vmem>> -> memref<1x128xi32, #tpu.memory_space<vmem>>
        %dma_wait3A_177 = tpu.memref_squeeze %dma_wait3A_176 : memref<1x128xi32, #tpu.memory_space<vmem>> -> memref<128xi32, #tpu.memory_space<vmem>>
        %dma_wait3A_178 = arith.constant 0 : i32
        %dma_wait3A_179 = arith.constant 0 : i32
        %dma_wait3A_180 = tpu.memref_slice %arg2[%dma_wait3A_178, %dma_wait3A_179] : memref<10112x128xf32, #tpu.memory_space<hbm>> -> memref<10112x128xf32, #tpu.memory_space<hbm>>
        tpu.wait_indirect_dma semaphore(%arg11 : memref<!tpu.dma_semaphore, #tpu.memory_space<semaphore_mem>>) src(%dma_wait3A_180 : memref<10112x128xf32, #tpu.memory_space<hbm>>) dst(%arg8 : memref<128x128xf32, #tpu.memory_space<vmem>>)
        %dma_start3A_181 = arith.constant 4 : i32
        %dma_start3A_182 = arith.constant 0 : i32
        %dma_start3A_183 = tpu.memref_slice %arg7[%dma_start3A_181, %dma_start3A_182] : memref<8x128xi32, #tpu.memory_space<vmem>> -> memref<1x128xi32, #tpu.memory_space<vmem>>
        %dma_start3A_184 = tpu.memref_squeeze %dma_start3A_183 : memref<1x128xi32, #tpu.memory_space<vmem>> -> memref<128xi32, #tpu.memory_space<vmem>>
        %dma_start3A_185 = arith.constant 0 : i32
        %dma_start3A_186 = arith.constant 0 : i32
        %dma_start3A_187 = tpu.memref_slice %arg10[%dma_start3A_185, %dma_start3A_186] : memref<10112x128xf32, #tpu.memory_space<vmem_shared>> -> memref<10112x128xf32, #tpu.memory_space<vmem_shared>>
        tpu.enqueue_indirect_dma source(%arg8 : memref<128x128xf32, #tpu.memory_space<vmem>>) target(%dma_start3A_187 : memref<10112x128xf32, #tpu.memory_space<vmem_shared>>) offsets(%dma_start3A_184 : memref<128xi32, #tpu.memory_space<vmem>>) semaphore(%arg13 : memref<!tpu.dma_semaphore, #tpu.memory_space<semaphore_mem>>) {add = true}
        %dma_wait3A_188 = arith.constant 4 : i32
        %dma_wait3A_189 = arith.constant 0 : i32
        %dma_wait3A_190 = tpu.memref_slice %arg7[%dma_wait3A_188, %dma_wait3A_189] : memref<8x128xi32, #tpu.memory_space<vmem>> -> memref<1x128xi32, #tpu.memory_space<vmem>>
        %dma_wait3A_191 = tpu.memref_squeeze %dma_wait3A_190 : memref<1x128xi32, #tpu.memory_space<vmem>> -> memref<128xi32, #tpu.memory_space<vmem>>
        %dma_wait3A_192 = arith.constant 0 : i32
        %dma_wait3A_193 = arith.constant 0 : i32
        %dma_wait3A_194 = tpu.memref_slice %arg10[%dma_wait3A_192, %dma_wait3A_193] : memref<10112x128xf32, #tpu.memory_space<vmem_shared>> -> memref<10112x128xf32, #tpu.memory_space<vmem_shared>>
        tpu.wait_indirect_dma semaphore(%arg13 : memref<!tpu.dma_semaphore, #tpu.memory_space<semaphore_mem>>) src(%arg8 : memref<128x128xf32, #tpu.memory_space<vmem>>) dst(%dma_wait3A_194 : memref<10112x128xf32, #tpu.memory_space<vmem_shared>>)
        %dma_start3A_195 = arith.constant 6 : i32
        %dma_start3A_196 = arith.constant 0 : i32
        %dma_start3A_197 = tpu.memref_slice %arg6[%dma_start3A_195, %dma_start3A_196] : memref<8x128xi32, #tpu.memory_space<vmem>> -> memref<1x128xi32, #tpu.memory_space<vmem>>
        %dma_start3A_198 = tpu.memref_squeeze %dma_start3A_197 : memref<1x128xi32, #tpu.memory_space<vmem>> -> memref<128xi32, #tpu.memory_space<vmem>>
        %dma_start3A_199 = arith.constant 0 : i32
        %dma_start3A_200 = arith.constant 0 : i32
        %dma_start3A_201 = tpu.memref_slice %arg2[%dma_start3A_199, %dma_start3A_200] : memref<10112x128xf32, #tpu.memory_space<hbm>> -> memref<10112x128xf32, #tpu.memory_space<hbm>>
        tpu.enqueue_indirect_dma source(%dma_start3A_201 : memref<10112x128xf32, #tpu.memory_space<hbm>>) target(%arg8 : memref<128x128xf32, #tpu.memory_space<vmem>>) offsets(%dma_start3A_198 : memref<128xi32, #tpu.memory_space<vmem>>) semaphore(%arg11 : memref<!tpu.dma_semaphore, #tpu.memory_space<semaphore_mem>>)
        %dma_wait3A_202 = arith.constant 5 : i32
        %dma_wait3A_203 = arith.constant 0 : i32
        %dma_wait3A_204 = tpu.memref_slice %arg6[%dma_wait3A_202, %dma_wait3A_203] : memref<8x128xi32, #tpu.memory_space<vmem>> -> memref<1x128xi32, #tpu.memory_space<vmem>>
        %dma_wait3A_205 = tpu.memref_squeeze %dma_wait3A_204 : memref<1x128xi32, #tpu.memory_space<vmem>> -> memref<128xi32, #tpu.memory_space<vmem>>
        %dma_wait3A_206 = arith.constant 0 : i32
        %dma_wait3A_207 = arith.constant 0 : i32
        %dma_wait3A_208 = tpu.memref_slice %arg2[%dma_wait3A_206, %dma_wait3A_207] : memref<10112x128xf32, #tpu.memory_space<hbm>> -> memref<10112x128xf32, #tpu.memory_space<hbm>>
        tpu.wait_indirect_dma semaphore(%arg12 : memref<!tpu.dma_semaphore, #tpu.memory_space<semaphore_mem>>) src(%dma_wait3A_208 : memref<10112x128xf32, #tpu.memory_space<hbm>>) dst(%arg9 : memref<128x128xf32, #tpu.memory_space<vmem>>)
        %dma_start3A_209 = arith.constant 5 : i32
        %dma_start3A_210 = arith.constant 0 : i32
        %dma_start3A_211 = tpu.memref_slice %arg7[%dma_start3A_209, %dma_start3A_210] : memref<8x128xi32, #tpu.memory_space<vmem>> -> memref<1x128xi32, #tpu.memory_space<vmem>>
        %dma_start3A_212 = tpu.memref_squeeze %dma_start3A_211 : memref<1x128xi32, #tpu.memory_space<vmem>> -> memref<128xi32, #tpu.memory_space<vmem>>
        %dma_start3A_213 = arith.constant 0 : i32
        %dma_start3A_214 = arith.constant 0 : i32
        %dma_start3A_215 = tpu.memref_slice %arg10[%dma_start3A_213, %dma_start3A_214] : memref<10112x128xf32, #tpu.memory_space<vmem_shared>> -> memref<10112x128xf32, #tpu.memory_space<vmem_shared>>
        tpu.enqueue_indirect_dma source(%arg9 : memref<128x128xf32, #tpu.memory_space<vmem>>) target(%dma_start3A_215 : memref<10112x128xf32, #tpu.memory_space<vmem_shared>>) offsets(%dma_start3A_212 : memref<128xi32, #tpu.memory_space<vmem>>) semaphore(%arg14 : memref<!tpu.dma_semaphore, #tpu.memory_space<semaphore_mem>>) {add = true}
        %dma_wait3A_216 = arith.constant 5 : i32
        %dma_wait3A_217 = arith.constant 0 : i32
        %dma_wait3A_218 = tpu.memref_slice %arg7[%dma_wait3A_216, %dma_wait3A_217] : memref<8x128xi32, #tpu.memory_space<vmem>> -> memref<1x128xi32, #tpu.memory_space<vmem>>
        %dma_wait3A_219 = tpu.memref_squeeze %dma_wait3A_218 : memref<1x128xi32, #tpu.memory_space<vmem>> -> memref<128xi32, #tpu.memory_space<vmem>>
        %dma_wait3A_220 = arith.constant 0 : i32
        %dma_wait3A_221 = arith.constant 0 : i32
        %dma_wait3A_222 = tpu.memref_slice %arg10[%dma_wait3A_220, %dma_wait3A_221] : memref<10112x128xf32, #tpu.memory_space<vmem_shared>> -> memref<10112x128xf32, #tpu.memory_space<vmem_shared>>
        tpu.wait_indirect_dma semaphore(%arg14 : memref<!tpu.dma_semaphore, #tpu.memory_space<semaphore_mem>>) src(%arg9 : memref<128x128xf32, #tpu.memory_space<vmem>>) dst(%dma_wait3A_222 : memref<10112x128xf32, #tpu.memory_space<vmem_shared>>)
        %dma_start3A_223 = arith.constant 7 : i32
        %dma_start3A_224 = arith.constant 0 : i32
        %dma_start3A_225 = tpu.memref_slice %arg6[%dma_start3A_223, %dma_start3A_224] : memref<8x128xi32, #tpu.memory_space<vmem>> -> memref<1x128xi32, #tpu.memory_space<vmem>>
        %dma_start3A_226 = tpu.memref_squeeze %dma_start3A_225 : memref<1x128xi32, #tpu.memory_space<vmem>> -> memref<128xi32, #tpu.memory_space<vmem>>
        %dma_start3A_227 = arith.constant 0 : i32
        %dma_start3A_228 = arith.constant 0 : i32
        %dma_start3A_229 = tpu.memref_slice %arg2[%dma_start3A_227, %dma_start3A_228] : memref<10112x128xf32, #tpu.memory_space<hbm>> -> memref<10112x128xf32, #tpu.memory_space<hbm>>
        tpu.enqueue_indirect_dma source(%dma_start3A_229 : memref<10112x128xf32, #tpu.memory_space<hbm>>) target(%arg9 : memref<128x128xf32, #tpu.memory_space<vmem>>) offsets(%dma_start3A_226 : memref<128xi32, #tpu.memory_space<vmem>>) semaphore(%arg12 : memref<!tpu.dma_semaphore, #tpu.memory_space<semaphore_mem>>)
        %dma_wait3A_230 = arith.constant 6 : i32
        %dma_wait3A_231 = arith.constant 0 : i32
        %dma_wait3A_232 = tpu.memref_slice %arg6[%dma_wait3A_230, %dma_wait3A_231] : memref<8x128xi32, #tpu.memory_space<vmem>> -> memref<1x128xi32, #tpu.memory_space<vmem>>
        %dma_wait3A_233 = tpu.memref_squeeze %dma_wait3A_232 : memref<1x128xi32, #tpu.memory_space<vmem>> -> memref<128xi32, #tpu.memory_space<vmem>>
        %dma_wait3A_234 = arith.constant 0 : i32
        %dma_wait3A_235 = arith.constant 0 : i32
        %dma_wait3A_236 = tpu.memref_slice %arg2[%dma_wait3A_234, %dma_wait3A_235] : memref<10112x128xf32, #tpu.memory_space<hbm>> -> memref<10112x128xf32, #tpu.memory_space<hbm>>
        tpu.wait_indirect_dma semaphore(%arg11 : memref<!tpu.dma_semaphore, #tpu.memory_space<semaphore_mem>>) src(%dma_wait3A_236 : memref<10112x128xf32, #tpu.memory_space<hbm>>) dst(%arg8 : memref<128x128xf32, #tpu.memory_space<vmem>>)
        %dma_start3A_237 = arith.constant 6 : i32
        %dma_start3A_238 = arith.constant 0 : i32
        %dma_start3A_239 = tpu.memref_slice %arg7[%dma_start3A_237, %dma_start3A_238] : memref<8x128xi32, #tpu.memory_space<vmem>> -> memref<1x128xi32, #tpu.memory_space<vmem>>
        %dma_start3A_240 = tpu.memref_squeeze %dma_start3A_239 : memref<1x128xi32, #tpu.memory_space<vmem>> -> memref<128xi32, #tpu.memory_space<vmem>>
        %dma_start3A_241 = arith.constant 0 : i32
        %dma_start3A_242 = arith.constant 0 : i32
        %dma_start3A_243 = tpu.memref_slice %arg10[%dma_start3A_241, %dma_start3A_242] : memref<10112x128xf32, #tpu.memory_space<vmem_shared>> -> memref<10112x128xf32, #tpu.memory_space<vmem_shared>>
        tpu.enqueue_indirect_dma source(%arg8 : memref<128x128xf32, #tpu.memory_space<vmem>>) target(%dma_start3A_243 : memref<10112x128xf32, #tpu.memory_space<vmem_shared>>) offsets(%dma_start3A_240 : memref<128xi32, #tpu.memory_space<vmem>>) semaphore(%arg13 : memref<!tpu.dma_semaphore, #tpu.memory_space<semaphore_mem>>) {add = true}
        %dma_wait3A_244 = arith.constant 7 : i32
        %dma_wait3A_245 = arith.constant 0 : i32
        %dma_wait3A_246 = tpu.memref_slice %arg6[%dma_wait3A_244, %dma_wait3A_245] : memref<8x128xi32, #tpu.memory_space<vmem>> -> memref<1x128xi32, #tpu.memory_space<vmem>>
        %dma_wait3A_247 = tpu.memref_squeeze %dma_wait3A_246 : memref<1x128xi32, #tpu.memory_space<vmem>> -> memref<128xi32, #tpu.memory_space<vmem>>
        %dma_wait3A_248 = arith.constant 0 : i32
        %dma_wait3A_249 = arith.constant 0 : i32
        %dma_wait3A_250 = tpu.memref_slice %arg2[%dma_wait3A_248, %dma_wait3A_249] : memref<10112x128xf32, #tpu.memory_space<hbm>> -> memref<10112x128xf32, #tpu.memory_space<hbm>>
        tpu.wait_indirect_dma semaphore(%arg12 : memref<!tpu.dma_semaphore, #tpu.memory_space<semaphore_mem>>) src(%dma_wait3A_250 : memref<10112x128xf32, #tpu.memory_space<hbm>>) dst(%arg9 : memref<128x128xf32, #tpu.memory_space<vmem>>)
        %dma_start3A_251 = arith.constant 7 : i32
        %dma_start3A_252 = arith.constant 0 : i32
        %dma_start3A_253 = tpu.memref_slice %arg7[%dma_start3A_251, %dma_start3A_252] : memref<8x128xi32, #tpu.memory_space<vmem>> -> memref<1x128xi32, #tpu.memory_space<vmem>>
        %dma_start3A_254 = tpu.memref_squeeze %dma_start3A_253 : memref<1x128xi32, #tpu.memory_space<vmem>> -> memref<128xi32, #tpu.memory_space<vmem>>
        %dma_start3A_255 = arith.constant 0 : i32
        %dma_start3A_256 = arith.constant 0 : i32
        %dma_start3A_257 = tpu.memref_slice %arg10[%dma_start3A_255, %dma_start3A_256] : memref<10112x128xf32, #tpu.memory_space<vmem_shared>> -> memref<10112x128xf32, #tpu.memory_space<vmem_shared>>
        tpu.enqueue_indirect_dma source(%arg9 : memref<128x128xf32, #tpu.memory_space<vmem>>) target(%dma_start3A_257 : memref<10112x128xf32, #tpu.memory_space<vmem_shared>>) offsets(%dma_start3A_254 : memref<128xi32, #tpu.memory_space<vmem>>) semaphore(%arg14 : memref<!tpu.dma_semaphore, #tpu.memory_space<semaphore_mem>>) {add = true}
        %dma_wait3A_258 = arith.constant 6 : i32
        %dma_wait3A_259 = arith.constant 0 : i32
        %dma_wait3A_260 = tpu.memref_slice %arg7[%dma_wait3A_258, %dma_wait3A_259] : memref<8x128xi32, #tpu.memory_space<vmem>> -> memref<1x128xi32, #tpu.memory_space<vmem>>
        %dma_wait3A_261 = tpu.memref_squeeze %dma_wait3A_260 : memref<1x128xi32, #tpu.memory_space<vmem>> -> memref<128xi32, #tpu.memory_space<vmem>>
        %dma_wait3A_262 = arith.constant 0 : i32
        %dma_wait3A_263 = arith.constant 0 : i32
        %dma_wait3A_264 = tpu.memref_slice %arg10[%dma_wait3A_262, %dma_wait3A_263] : memref<10112x128xf32, #tpu.memory_space<vmem_shared>> -> memref<10112x128xf32, #tpu.memory_space<vmem_shared>>
        tpu.wait_indirect_dma semaphore(%arg13 : memref<!tpu.dma_semaphore, #tpu.memory_space<semaphore_mem>>) src(%arg8 : memref<128x128xf32, #tpu.memory_space<vmem>>) dst(%dma_wait3A_264 : memref<10112x128xf32, #tpu.memory_space<vmem_shared>>)
        %dma_wait3A_265 = arith.constant 7 : i32
        %dma_wait3A_266 = arith.constant 0 : i32
        %dma_wait3A_267 = tpu.memref_slice %arg7[%dma_wait3A_265, %dma_wait3A_266] : memref<8x128xi32, #tpu.memory_space<vmem>> -> memref<1x128xi32, #tpu.memory_space<vmem>>
        %dma_wait3A_268 = tpu.memref_squeeze %dma_wait3A_267 : memref<1x128xi32, #tpu.memory_space<vmem>> -> memref<128xi32, #tpu.memory_space<vmem>>
        %dma_wait3A_269 = arith.constant 0 : i32
        %dma_wait3A_270 = arith.constant 0 : i32
        %dma_wait3A_271 = tpu.memref_slice %arg10[%dma_wait3A_269, %dma_wait3A_270] : memref<10112x128xf32, #tpu.memory_space<vmem_shared>> -> memref<10112x128xf32, #tpu.memory_space<vmem_shared>>
        tpu.wait_indirect_dma semaphore(%arg14 : memref<!tpu.dma_semaphore, #tpu.memory_space<semaphore_mem>>) src(%arg9 : memref<128x128xf32, #tpu.memory_space<vmem>>) dst(%dma_wait3A_271 : memref<10112x128xf32, #tpu.memory_space<vmem_shared>>)
      } else {
      }
    }
    %scan3A_27 = arith.constant 10 : i32
    %barrier3A_28 = arith.constant 0 : index
    tpu.barrier barrier_id(%barrier3A_28)
    %scan3A_29 = arith.constant 0 : i32
    %scan3A_30 = arith.constant 4 : i32
    %scan3A_31 = arith.addi %scan3A_29, %scan3A_30 : i32
    %scan3A_32 = arith.constant 1 : i32
    scf.for %scan3A_38 = %scan3A_29 to %scan3A_31 step %scan3A_32  : i32 {
      %mul3A_39 = arith.constant 1 : i32
      %mul3A_40 = arith.muli %scan3A_38, %mul3A_39 : i32
      %add3A_41 = arith.constant 0 : i32
      %add3A_42 = arith.addi %add3A_41, %mul3A_40 : i32
      %mul3A_43 = arith.constant 128 : i32
      %mul3A_44 = arith.muli %add3A_42, %mul3A_43 : i32
      %add3A_45 = arith.addi %mul3A_5, %mul3A_44 : i32
      %mul3A_46 = arith.constant 128 : i32
      %mul3A_47 = arith.muli %add3A_42, %mul3A_46 : i32
      %add3A_48 = arith.addi %mul3A_5, %mul3A_47 : i32
      "tpu.region"() ({
        %run_scoped3A = tpu.sem_alloc : memref<!tpu.dma_semaphore, #tpu.memory_space<semaphore_mem>>
        %dma_start3A = arith.constant 0 : i32
        %dma_start3A_49 = arith.constant 0 : i32
        %dma_start3A_50 = tpu.memref_slice %arg5[%arg0, %dma_start3A, %dma_start3A_49] : memref<2x10112x128xf32, #tpu.memory_space<hbm>> -> memref<1x10112x128xf32, #tpu.memory_space<hbm>>
        %dma_start3A_51 = tpu.memref_squeeze %dma_start3A_50 : memref<1x10112x128xf32, #tpu.memory_space<hbm>> -> memref<10112x128xf32, #tpu.memory_space<hbm>>
        %dma_start3A_52 = arith.constant 0 : i32
        %dma_start3A_53 = tpu.memref_slice %dma_start3A_51[%add3A_48, %dma_start3A_52] : memref<10112x128xf32, #tpu.memory_space<hbm>> -> memref<128x128xf32, #tpu.memory_space<hbm>>
        %dma_start3A_54 = arith.constant 0 : i32
        %dma_start3A_55 = tpu.memref_slice %arg10[%add3A_45, %dma_start3A_54] : memref<10112x128xf32, #tpu.memory_space<vmem_shared>> -> memref<128x128xf32, #tpu.memory_space<vmem_shared>>
        tpu.enqueue_dma source(%dma_start3A_55 : memref<128x128xf32, #tpu.memory_space<vmem_shared>>) target(%dma_start3A_53 : memref<128x128xf32, #tpu.memory_space<hbm>>) target_semaphore(%run_scoped3A : memref<!tpu.dma_semaphore, #tpu.memory_space<semaphore_mem>>)
        %dma_wait3A = arith.constant 0 : i32
        %dma_wait3A_56 = arith.constant 0 : i32
        %dma_wait3A_57 = tpu.memref_slice %arg5[%arg0, %dma_wait3A, %dma_wait3A_56] : memref<2x10112x128xf32, #tpu.memory_space<hbm>> -> memref<1x10112x128xf32, #tpu.memory_space<hbm>>
        %dma_wait3A_58 = tpu.memref_squeeze %dma_wait3A_57 : memref<1x10112x128xf32, #tpu.memory_space<hbm>> -> memref<10112x128xf32, #tpu.memory_space<hbm>>
        %dma_wait3A_59 = arith.constant 0 : i32
        %dma_wait3A_60 = tpu.memref_slice %dma_wait3A_58[%add3A_48, %dma_wait3A_59] : memref<10112x128xf32, #tpu.memory_space<hbm>> -> memref<128x128xf32, #tpu.memory_space<hbm>>
        %dma_wait3A_61 = arith.constant 0 : i32
        %dma_wait3A_62 = tpu.memref_slice %arg10[%add3A_45, %dma_wait3A_61] : memref<10112x128xf32, #tpu.memory_space<vmem_shared>> -> memref<128x128xf32, #tpu.memory_space<vmem_shared>>
        tpu.wait_dma2 semaphore(%run_scoped3A : memref<!tpu.dma_semaphore, #tpu.memory_space<semaphore_mem>>) src(%dma_wait3A_62 : memref<128x128xf32, #tpu.memory_space<vmem_shared>>) dst(%dma_wait3A_60 : memref<128x128xf32, #tpu.memory_space<hbm>>)
        tpu.yield
      }) : () -> ()
    }
    %scan3A_33 = arith.constant 4 : i32
    %add3A_34 = arith.constant 512 : i32
    %add3A_35 = arith.addi %mul3A_5, %add3A_34 : i32
    %add3A_36 = arith.constant 512 : i32
    %add3A_37 = arith.addi %mul3A_5, %add3A_36 : i32
    "tpu.region"() ({
      %run_scoped3A = tpu.sem_alloc : memref<!tpu.dma_semaphore, #tpu.memory_space<semaphore_mem>>
      %dma_start3A = arith.constant 0 : i32
      %dma_start3A_38 = arith.constant 0 : i32
      %dma_start3A_39 = tpu.memref_slice %arg5[%arg0, %dma_start3A, %dma_start3A_38] : memref<2x10112x128xf32, #tpu.memory_space<hbm>> -> memref<1x10112x128xf32, #tpu.memory_space<hbm>>
      %dma_start3A_40 = tpu.memref_squeeze %dma_start3A_39 : memref<1x10112x128xf32, #tpu.memory_space<hbm>> -> memref<10112x128xf32, #tpu.memory_space<hbm>>
      %dma_start3A_41 = arith.constant 0 : i32
      %dma_start3A_42 = tpu.memref_slice %dma_start3A_40[%add3A_37, %dma_start3A_41] : memref<10112x128xf32, #tpu.memory_space<hbm>> -> memref<120x128xf32, #tpu.memory_space<hbm>>
      %dma_start3A_43 = arith.constant 0 : i32
      %dma_start3A_44 = tpu.memref_slice %arg10[%add3A_35, %dma_start3A_43] : memref<10112x128xf32, #tpu.memory_space<vmem_shared>> -> memref<120x128xf32, #tpu.memory_space<vmem_shared>>
      tpu.enqueue_dma source(%dma_start3A_44 : memref<120x128xf32, #tpu.memory_space<vmem_shared>>) target(%dma_start3A_42 : memref<120x128xf32, #tpu.memory_space<hbm>>) target_semaphore(%run_scoped3A : memref<!tpu.dma_semaphore, #tpu.memory_space<semaphore_mem>>)
      %dma_wait3A = arith.constant 0 : i32
      %dma_wait3A_45 = arith.constant 0 : i32
      %dma_wait3A_46 = tpu.memref_slice %arg5[%arg0, %dma_wait3A, %dma_wait3A_45] : memref<2x10112x128xf32, #tpu.memory_space<hbm>> -> memref<1x10112x128xf32, #tpu.memory_space<hbm>>
      %dma_wait3A_47 = tpu.memref_squeeze %dma_wait3A_46 : memref<1x10112x128xf32, #tpu.memory_space<hbm>> -> memref<10112x128xf32, #tpu.memory_space<hbm>>
      %dma_wait3A_48 = arith.constant 0 : i32
      %dma_wait3A_49 = tpu.memref_slice %dma_wait3A_47[%add3A_37, %dma_wait3A_48] : memref<10112x128xf32, #tpu.memory_space<hbm>> -> memref<120x128xf32, #tpu.memory_space<hbm>>
      %dma_wait3A_50 = arith.constant 0 : i32
      %dma_wait3A_51 = tpu.memref_slice %arg10[%add3A_35, %dma_wait3A_50] : memref<10112x128xf32, #tpu.memory_space<vmem_shared>> -> memref<120x128xf32, #tpu.memory_space<vmem_shared>>
      tpu.wait_dma2 semaphore(%run_scoped3A : memref<!tpu.dma_semaphore, #tpu.memory_space<semaphore_mem>>) src(%dma_wait3A_51 : memref<120x128xf32, #tpu.memory_space<vmem_shared>>) dst(%dma_wait3A_49 : memref<120x128xf32, #tpu.memory_space<hbm>>)
      tpu.yield
    }) : () -> ()
    return
  }
}

module attributes {stable_mosaic.version = 14 : i64} {
  func.func @_mlp_bn_body(%arg0: memref<2x10112x128xf32, #tpu.memory_space<vmem>>, %arg1: memref<2x79x128xf32, #tpu.memory_space<vmem>>, %arg2: memref<128x128xf32, #tpu.memory_space<vmem>>, %arg3: memref<1x128xf32, #tpu.memory_space<vmem>>, %arg4: memref<128x128xf32, #tpu.memory_space<vmem>>, %arg5: memref<1x128xf32, #tpu.memory_space<vmem>>, %arg6: memref<1x128xf32, #tpu.memory_space<vmem>>, %arg7: memref<1x128xf32, #tpu.memory_space<vmem>>, %arg8: memref<10112x128xf32, #tpu.memory_space<vmem>>) attributes {dimension_semantics = [], scalar_prefetch = 0 : i64, scratch_operands = 0 : i64, tpu.core_type = #tpu.core_type<tc>} {
    %get3A = arith.constant 0 : index
    %get3A_0 = arith.constant 0 : index
    %get3A_1 = arith.constant 0 : index
    %get3A_2 = vector.load %arg0[%get3A, %get3A_0, %get3A_1] : memref<2x10112x128xf32, #tpu.memory_space<vmem>>, vector<1x10112x128xf32>
    %get3A_3 = vector.shape_cast %get3A_2 : vector<1x10112x128xf32> to vector<10112x128xf32>
    %get3A_4 = arith.constant 1 : index
    %get3A_5 = arith.constant 0 : index
    %get3A_6 = arith.constant 0 : index
    %get3A_7 = vector.load %arg0[%get3A_4, %get3A_5, %get3A_6] : memref<2x10112x128xf32, #tpu.memory_space<vmem>>, vector<1x10112x128xf32>
    %get3A_8 = vector.shape_cast %get3A_7 : vector<1x10112x128xf32> to vector<10112x128xf32>
    %add3A = arith.addf %get3A_3, %get3A_8 : vector<10112x128xf32>
    %get3A_9 = arith.constant 0 : index
    %get3A_10 = arith.constant 0 : index
    %get3A_11 = arith.constant 0 : index
    %get3A_12 = vector.load %arg1[%get3A_9, %get3A_10, %get3A_11] : memref<2x79x128xf32, #tpu.memory_space<vmem>>, vector<1x79x128xf32>
    %get3A_13 = vector.shape_cast %get3A_12 : vector<1x79x128xf32> to vector<79x128xf32>
    %get3A_14 = arith.constant 1 : index
    %get3A_15 = arith.constant 0 : index
    %get3A_16 = arith.constant 0 : index
    %get3A_17 = vector.load %arg1[%get3A_14, %get3A_15, %get3A_16] : memref<2x79x128xf32, #tpu.memory_space<vmem>>, vector<1x79x128xf32>
    %get3A_18 = vector.shape_cast %get3A_17 : vector<1x79x128xf32> to vector<79x128xf32>
    %add3A_19 = arith.addf %get3A_13, %get3A_18 : vector<79x128xf32>
    %max3A = arith.constant 1.000000e+00 : f32
    %max3A_20 = vector.broadcast %max3A : f32 to vector<79x128xf32>
    %max3A_21 = arith.maximumf %add3A_19, %max3A_20 : vector<79x128xf32>
    %reshape3A = vector.shape_cast %add3A : vector<10112x128xf32> to vector<79x128x128xf32>
    %broadcast_in_dim3A = vector.shape_cast %max3A_21 : vector<79x128xf32> to vector<79x128x1xf32>
    %div3A = vector.broadcast %broadcast_in_dim3A : vector<79x128x1xf32> to vector<79x128x128xf32>
    %div3A_22 = arith.divf %reshape3A, %div3A : vector<79x128x128xf32>
    %reshape3A_23 = vector.shape_cast %div3A_22 : vector<79x128x128xf32> to vector<10112x128xf32>
    %get3A_24 = arith.constant 0 : index
    %get3A_25 = arith.constant 0 : index
    %get3A_26 = vector.load %arg2[%get3A_24, %get3A_25] : memref<128x128xf32, #tpu.memory_space<vmem>>, vector<128x128xf32>
    %dot_general3A = arith.constant dense<0.000000e+00> : vector<10112x128xf32>
    %dot_general3A_27 = tpu.matmul %reshape3A_23, %get3A_26, %dot_general3A {dimension_numbers = #tpu.dot_dimension_numbers<[1], [0], [0], [1], [0, 0, 1, 1], [], []>, transpose_lhs_hint = false} : vector<10112x128xf32>, vector<128x128xf32>, vector<10112x128xf32> -> vector<10112x128xf32>
    %get3A_28 = arith.constant 0 : index
    %get3A_29 = arith.constant 0 : index
    %get3A_30 = vector.load %arg3[%get3A_28, %get3A_29] : memref<1x128xf32, #tpu.memory_space<vmem>>, vector<1x128xf32>
    %add3A_31 = vector.broadcast %get3A_30 : vector<1x128xf32> to vector<10112x128xf32>
    %add3A_32 = arith.addf %dot_general3A_27, %add3A_31 : vector<10112x128xf32>
    %max3A_33 = arith.constant 0.000000e+00 : f32
    %max3A_34 = vector.broadcast %max3A_33 : f32 to vector<10112x128xf32>
    %max3A_35 = arith.maximumf %add3A_32, %max3A_34 : vector<10112x128xf32>
    %get3A_36 = arith.constant 0 : index
    %get3A_37 = arith.constant 0 : index
    %get3A_38 = vector.load %arg4[%get3A_36, %get3A_37] : memref<128x128xf32, #tpu.memory_space<vmem>>, vector<128x128xf32>
    %dot_general3A_39 = arith.constant dense<0.000000e+00> : vector<10112x128xf32>
    %dot_general3A_40 = tpu.matmul %max3A_35, %get3A_38, %dot_general3A_39 {dimension_numbers = #tpu.dot_dimension_numbers<[1], [0], [0], [1], [0, 0, 1, 1], [], []>, transpose_lhs_hint = false} : vector<10112x128xf32>, vector<128x128xf32>, vector<10112x128xf32> -> vector<10112x128xf32>
    %get3A_41 = arith.constant 0 : index
    %get3A_42 = arith.constant 0 : index
    %get3A_43 = vector.load %arg5[%get3A_41, %get3A_42] : memref<1x128xf32, #tpu.memory_space<vmem>>, vector<1x128xf32>
    %add3A_44 = vector.broadcast %get3A_43 : vector<1x128xf32> to vector<10112x128xf32>
    %add3A_45 = arith.addf %dot_general3A_40, %add3A_44 : vector<10112x128xf32>
    %iota3A = tpu.iota {dimensions = array<i32: 0>} : vector<10112x1xi32>
    %lt3A = arith.constant 10000 : i32
    %lt3A_46 = vector.broadcast %lt3A : i32 to vector<10112x1xi32>
    %lt3A_47 = arith.cmpi slt, %iota3A, %lt3A_46 : vector<10112x1xi32>
    %jit3A = arith.constant 0.000000e+00 : f32
    %broadcast_in_dim3A_48 = vector.shape_cast %lt3A_47 : vector<10112x1xi1> to vector<10112x1xi1>
    %broadcast_in_dim3A_49 = vector.broadcast %broadcast_in_dim3A_48 : vector<10112x1xi1> to vector<10112x128xi1>
    %broadcast_in_dim3A_50 = vector.broadcast %jit3A : f32 to vector<10112x128xf32>
    %select_n3A = arith.select %broadcast_in_dim3A_49, %add3A_45, %broadcast_in_dim3A_50 : vector<10112x128xi1>, vector<10112x128xf32>
    %reduce_sum3A = arith.constant dense<0.000000e+00> : vector<128xf32>
    %reduce_sum3A_51 = vector.multi_reduction <add>, %select_n3A, %reduce_sum3A [0] : vector<10112x128xf32> to vector<128xf32>
    %broadcast_in_dim3A_52 = vector.shape_cast %reduce_sum3A_51 : vector<128xf32> to vector<1x128xf32>
    %mul3A = arith.constant 9.99999974E-5 : f32
    %mul3A_53 = vector.broadcast %mul3A : f32 to vector<1x128xf32>
    %mul3A_54 = arith.mulf %broadcast_in_dim3A_52, %mul3A_53 : vector<1x128xf32>
    %sub3A = vector.broadcast %mul3A_54 : vector<1x128xf32> to vector<10112x128xf32>
    %sub3A_55 = arith.subf %add3A_45, %sub3A : vector<10112x128xf32>
    %jit3A_56 = arith.constant 0.000000e+00 : f32
    %broadcast_in_dim3A_57 = vector.shape_cast %lt3A_47 : vector<10112x1xi1> to vector<10112x1xi1>
    %broadcast_in_dim3A_58 = vector.broadcast %broadcast_in_dim3A_57 : vector<10112x1xi1> to vector<10112x128xi1>
    %broadcast_in_dim3A_59 = vector.broadcast %jit3A_56 : f32 to vector<10112x128xf32>
    %select_n3A_60 = arith.select %broadcast_in_dim3A_58, %sub3A_55, %broadcast_in_dim3A_59 : vector<10112x128xi1>, vector<10112x128xf32>
    %mul3A_61 = arith.mulf %select_n3A_60, %select_n3A_60 : vector<10112x128xf32>
    %reduce_sum3A_62 = arith.constant dense<0.000000e+00> : vector<128xf32>
    %reduce_sum3A_63 = vector.multi_reduction <add>, %mul3A_61, %reduce_sum3A_62 [0] : vector<10112x128xf32> to vector<128xf32>
    %broadcast_in_dim3A_64 = vector.shape_cast %reduce_sum3A_63 : vector<128xf32> to vector<1x128xf32>
    %mul3A_65 = arith.constant 9.99999974E-5 : f32
    %mul3A_66 = vector.broadcast %mul3A_65 : f32 to vector<1x128xf32>
    %mul3A_67 = arith.mulf %broadcast_in_dim3A_64, %mul3A_66 : vector<1x128xf32>
    %sub3A_68 = vector.broadcast %mul3A_54 : vector<1x128xf32> to vector<10112x128xf32>
    %sub3A_69 = arith.subf %add3A_45, %sub3A_68 : vector<10112x128xf32>
    %add3A_70 = arith.constant 9.99999974E-6 : f32
    %add3A_71 = vector.broadcast %add3A_70 : f32 to vector<1x128xf32>
    %add3A_72 = arith.addf %mul3A_67, %add3A_71 : vector<1x128xf32>
    %rsqrt3A = math.rsqrt %add3A_72 : vector<1x128xf32>
    %mul3A_73 = vector.broadcast %rsqrt3A : vector<1x128xf32> to vector<10112x128xf32>
    %mul3A_74 = arith.mulf %sub3A_69, %mul3A_73 : vector<10112x128xf32>
    %get3A_75 = arith.constant 0 : index
    %get3A_76 = arith.constant 0 : index
    %get3A_77 = vector.load %arg6[%get3A_75, %get3A_76] : memref<1x128xf32, #tpu.memory_space<vmem>>, vector<1x128xf32>
    %mul3A_78 = vector.broadcast %get3A_77 : vector<1x128xf32> to vector<10112x128xf32>
    %mul3A_79 = arith.mulf %mul3A_74, %mul3A_78 : vector<10112x128xf32>
    %get3A_80 = arith.constant 0 : index
    %get3A_81 = arith.constant 0 : index
    %get3A_82 = vector.load %arg7[%get3A_80, %get3A_81] : memref<1x128xf32, #tpu.memory_space<vmem>>, vector<1x128xf32>
    %add3A_83 = vector.broadcast %get3A_82 : vector<1x128xf32> to vector<10112x128xf32>
    %add3A_84 = arith.addf %mul3A_79, %add3A_83 : vector<10112x128xf32>
    %max3A_85 = arith.constant 0.000000e+00 : f32
    %max3A_86 = vector.broadcast %max3A_85 : f32 to vector<10112x128xf32>
    %max3A_87 = arith.maximumf %add3A_84, %max3A_86 : vector<10112x128xf32>
    %swap3A = arith.constant 0 : index
    %swap3A_88 = arith.constant 0 : index
    %swap3A_89 = vector.load %arg8[%swap3A, %swap3A_88] : memref<10112x128xf32, #tpu.memory_space<vmem>>, vector<10112x128xf32>
    tpu.vector_store %arg8[%swap3A, %swap3A_88], %max3A_87 {strides = array<i32>} : memref<10112x128xf32, #tpu.memory_space<vmem>>, vector<10112x128xf32>,
    return
  }
}

</mosaic_0001>

<sc_bundles>
// kernel: kernel.10.cloned.1.call-start
scs
__scs_entry_jumppad:
0x0: {  	(pc) =	sbr.rel $0x88, $3  }
0x1: {  	(tag) =	ssettag $0x0;
	lr =	simm.s32 $0x1  }
0x2: {  	[smem:$0x3F93] =	sst lr;
	_ =	strace $0xD0000000  }
0x3: {  	_ = 	snop  }
0x4: {  	_ = 	snop  }
0x5: {  	_ = 	snop  }
0x6: {  	_ = 	snop  }
0x7: {  	_ = 	snop  }
__scs_overlays_trampoline_lowered:
0x8: {  	[smem:$0x3FA2] =	sst s0  }
0x9: {  	[smem:$0x3FA3] =	sst s1  }
0xa: {  	[smem:$0x3FA4] =	sst s2  }
0xb: {  	[smem:$0x3FA5] =	sst s3  }
0xc: {  	[smem:$0x3FA6] =	sst s4  }
0xd: {  	[smem:$0x3FA7] =	sst s5  }
0xe: {  	[smem:$0x3FA8] =	sst s6  }
0xf: {  	[smem:$0x3FA9] =	sst s7  }
0x10: {  	[smem:$0x3FAA] =	sst s8  }
0x11: {  	[smem:$0x3FAB] =	sst s9;
	s0 =	simm.s32 @!p0 $0x0  }
0x12: {  	s1 =	sld [smem:$0x3F91];
	s0 =	simm.s32 @p0 $0x1  }
0x13: {  	[smem:$0x3FAC] =	sst s0;
	s0 =	simm.s32 @!p1 $0x0  }
0x14: {  	s2 =	sld [smem:$0x3F90];
	s0 =	simm.s32 @p1 $0x1  }
0x15: {  	[smem:$0x3FAD] =	sst s0;
	s0 =	simm.s32 @!p2 $0x0  }
0x16: {  	s3 =	sld [smem:$0x3FDB];
	s0 =	simm.s32 @p2 $0x1  }
0x17: {  	s4 =	simm.s32 $0x1BF5;
	[smem:$0x3FAF] =	sst s0  }
0x18: {  	s0 =	sld [smem:$0x3F92];
	_ =	swait.ge [sflag:s4], $0x0  }
0x19: {  	s7 =	sld [smem:$0x3F93]  }
0x1a: {  	s8 =	sadd.s32 $0xFFFFE003, lr  }
0x1b: {  	s9 =	sadd.s32 $0xFFFFFEF7, lr;
	s5 =	simm.s32 $0xFFFFFFFF;
	p2 =	slt.u32 s8, $0xFFFFF086  }
0x1c: {  	p1 =	slt.u32 s9, $0xF7A;
	s5 =	simm.s32 @!p2 $0x0  }
0x1d: {  	s5 =	simm.s32 @p1 $0x1;
	p0 =	seq.s32 s7, s2  }
0x1e: {  	s7 =	smul.u32 @!p0 $0xF7A, s2;
	p2 =	seq.s32 @!p0 s5, $0x0  }
0x1f: {  	s9 =	smul.u32 $0xF7A, s1;
	s8 =	simm.s32 @!p0 $0x1BF5;
	p2 =	por !p2, p0  }
0x20: {  	[sflag:s8] =	ssyncset.s32 @!p0 $0xFFFFF086;
	s6 =	sadd.s32 @!p0 s3, s7;
	s7 =	simm.s32 @!p0 $0x108  }
0x21: {  	s3 =	sadd.s32 s3, s9;
	s6 =	sadd.s32 @!p0 $0x88, s6;
	s7 =	simm.s32 @p2 $0x1082  }
0x22: {  	[simem:s7], [sflag:s8] =	dma.local @!p0 [hbm:s6], $0xF7A  }
0x23: {  	s9 =	sor.u32 $0xD0000000, s2;
	s6 =	simm.s32 $0x108;
	_ =	swait.ge @!p0 [sflag:s8], $0x0  }
0x24: {  	s3 =	sadd.s32 $0x88, s3;
	s6 =	simm.s32 @!p1 $0x1082;
	[sflag:s4] =	ssyncset.s32 $0xFFFFF086  }
0x25: {  	[simem:s6], [sflag:s4] =	dma.local [hbm:s3], $0xF7A  }
0x26: {  	[smem:$0x3F93] =	sst s1;
	(tag) =	ssettag s2;
	_ =	strace s9  }
0x27: {  	s1 =	sld [smem:$0x3FA3]  }
0x28: {  	s2 =	sld [smem:$0x3FA4]  }
0x29: {  	s4 =	sld [smem:$0x3FA6]  }
0x2a: {  	p0 =	seq.s32 s5, $0x0;
	s5 =	sld [smem:$0x3FA7]  }
0x2b: {  	s6 =	sld [smem:$0x3FA8]  }
0x2c: {  	s7 =	sld [smem:$0x3FA9]  }
0x2d: {  	s3 =	simm.s32 $0x108;
	s8 =	sld [smem:$0x3FAA]  }
0x2e: {  	s3 =	simm.s32 @!p0 $0x1082;
	s9 =	sld [smem:$0x3FAB]  }
0x2f: {  	lr =	sadd.s32 s0, s3;
	s0 =	sld [smem:$0x3FA2]  }
0x30: {  	s3 =	sld [smem:$0x3FA5]  }
0x31: {  	[smem:$0x3FAE] =	sst s10  }
0x32: {  	s10 =	sld [smem:$0x3FAC];
	_ =	sdelay $0x3  }
0x33: {  	p0 =	seq.s32 s10, $0x1;
	s10 =	sld [smem:$0x3FAE];
	_ =	sdelay $0x3  }
0x34: {  	[smem:$0x3FAE] =	sst s10  }
0x35: {  	s10 =	sld [smem:$0x3FAD];
	_ =	sdelay $0x3  }
0x36: {  	p1 =	seq.s32 s10, $0x1;
	s10 =	sld [smem:$0x3FAE];
	_ =	sdelay $0x3  }
0x37: {  	[smem:$0x3FAE] =	sst s10  }
0x38: {  	s10 =	sld [smem:$0x3FAF]  }
0x39: {  	_ = 	snop;
	(pc) =	sbr.ind lr, $3  }
0x3a: {  	_ = 	snop  }
0x3b: {  	_ = 	snop  }
0x3c: {  	p2 =	seq.s32 s10, $0x1;
	s10 =	sld [smem:$0x3FAE]  }
0x3d: {  	_ =	shalt  }
0x3e: {  	_ =	shalt  }
0x3f: {  	_ =	shalt  }
0x40: {  	_ =	shalt  }
0x41: {  	_ =	shalt  }
0x42: {  	_ =	shalt  }
0x43: {  	_ =	shalt  }
0x44: {  	_ =	shalt  }
0x45: {  	_ =	shalt  }
0x46: {  	_ =	shalt  }
0x47: {  	_ =	shalt  }
0x48: {  	_ =	shalt  }
0x49: {  	_ =	shalt  }
0x4a: {  	_ =	shalt  }
0x4b: {  	_ =	shalt  }
0x4c: {  	_ =	shalt  }
0x4d: {  	_ =	shalt  }
0x4e: {  	_ =	shalt  }
0x4f: {  	_ =	shalt  }
0x50: {  	_ =	shalt  }
0x51: {  	_ =	shalt  }
0x52: {  	_ =	shalt  }
0x53: {  	_ =	shalt  }
0x54: {  	_ =	shalt  }
0x55: {  	_ =	shalt  }
0x56: {  	_ =	shalt  }
0x57: {  	_ =	shalt  }
0x58: {  	_ =	shalt  }
0x59: {  	_ =	shalt  }
0x5a: {  	_ =	shalt  }
0x5b: {  	_ =	shalt  }
0x5c: {  	_ =	shalt  }
0x5d: {  	_ =	shalt  }
0x5e: {  	_ =	shalt  }
0x5f: {  	_ =	shalt  }
0x60: {  	_ =	shalt  }
0x61: {  	_ =	shalt  }
0x62: {  	_ =	shalt  }
0x63: {  	_ =	shalt  }
0x64: {  	_ =	shalt  }
0x65: {  	_ =	shalt  }
0x66: {  	_ =	shalt  }
0x67: {  	_ =	shalt  }
0x68: {  	_ =	shalt  }
0x69: {  	_ =	shalt  }
0x6a: {  	_ =	shalt  }
0x6b: {  	_ =	shalt  }
0x6c: {  	_ =	shalt  }
0x6d: {  	_ =	shalt  }
0x6e: {  	_ =	shalt  }
0x6f: {  	_ =	shalt  }
0x70: {  	_ =	shalt  }
0x71: {  	_ =	shalt  }
0x72: {  	_ =	shalt  }
0x73: {  	_ =	shalt  }
0x74: {  	_ =	shalt  }
0x75: {  	_ =	shalt  }
0x76: {  	_ =	shalt  }
0x77: {  	_ =	shalt  }
0x78: {  	_ =	shalt  }
0x79: {  	_ =	shalt  }
0x7a: {  	_ =	shalt  }
0x7b: {  	_ =	shalt  }
0x7c: {  	_ =	shalt  }
0x7d: {  	_ =	shalt  }
0x7e: {  	_ =	shalt  }
0x7f: {  	_ =	shalt  }
0x80: {  	_ =	shalt  }
0x81: {  	_ =	shalt  }
0x82: {  	_ =	shalt  }
0x83: {  	_ =	shalt  }
0x84: {  	_ =	shalt  }
0x85: {  	_ =	shalt  }
0x86: {  	_ =	shalt  }
0x87: {  	_ =	shalt  }
.Lfunc_end0:
.L_simem_size_0:
called_computation.1_lowered:
.L_overlay_start_0:
0x88: {  	s2 =	sld [smem:$0x3FD9]  }
0x89: {  	s3 =	sld [smem:$0x3FFE];
	_ =	sdelay $0x1  }
0x8a: {  	s1 =	srdreg.scid  }
0x8b: {  	s0 =	sand.u32 $0x1, s1  }
0x8c: {  	s17 =	sshll.u32 s0, $0xA;
	s2 =	sadd.s32 s3, s2  }
0x8d: {  	s2 =	sadd.s32 s2, s17  }
0x8e: {  	[smem:$0x3FBA] =	sst s2  }
0x8f: {  	_ = 	snop  }
0x90: {  	s18 =	sld [smem:$0x3FC9]  }
0x91: {  	s4 =	sld [smem:$0x3FD0];
	(tm) =	ssettm $0x1  }
0x92: {  	s19 =	sld [smem:$0x3FFB];
	_ =	sdelay $0x3  }
0x93: {  	_ =	strace s19  }
0x94: {  	s2 =	sld [smem:$0x3FFC];
	_ =	sdelay $0x3  }
0x95: {  	_ =	strace s2  }
0x96: {  	s2 =	sld [smem:$0x3FFD];
	_ =	sdelay $0x3  }
0x97: {  	_ =	strace s2  }
0x98: {  	_ =	strace $0x8FFFFFFF  }
0x99: {  	s20 =	sld [smem:$0x3FDB];
	_ =	sdelay $0x1  }
0x9a: {  	s5 =	simm.s32 $_scs_section_size  }
0x9b: {  	s6 =	simm.s32 $_size__tile_overlayer_lowered;
	s7 =	simm.s32 $_tile_overlayer_lowered  }
0x9c: {  	s8 =	simm.s32 $0x1BFF;
	s21 =	sshll.u32 s7, $0x1;
	s5 =	sadd.s32 s5, s20  }
0x9d: {  	s22 =	simm.s32 $0x0;
	s6 =	sshll.u32 s6, $0x1;
	s7 =	sadd.s32 s21, s5  }
0x9e: {  	[timem:s22], [sflag:s8] =	dma.local [hbm:s7], s6  }
0x9f: {  	_ =	swait.ge [sflag:s8], s6  }
0xa0: {  	s6 =	ssub.s32 $0x0, s6;
	[sflag:s8] =	ssyncset.done $0x0  }
0xa1: {  	[sflag:s8] =	ssyncadd.s32 s6;
	_ =	sdelay $0x1  }
0xa2: {  	s23 =	simm.s32 $0x1B8B  }
0xa3: {  	_ =	swait.ge [sflag:s23], $0x1  }
0xa4: {  	[sflag:s23] =	ssyncset.done $0x0  }
0xa5: {  	[sflag:s23] =	ssyncadd.s32 $0xFFFFFFFF  }
0xa6: {  	s6 =	sld [smem:$0x0]  }
0xa7: {  	s7 =	sand.u32 $0xFFFFFFFE, s1  }
0xa8: {  	p0 =	sne.s32 s1, s7  }
0xa9: {  	s7 =	sshll.u32 @p0 s7, $0xE  }
0xaa: {  	s7 =	sadd.s32 @p0 $0x11B8D, s7;
	s8 =	sshll.u32 @p0 s6, $0x11  }
0xab: {  	s7 =	sor.u32 @p0 s8, s7  }
0xac: {  	[sflag:s7] =	ssyncadd.remote.s32 @p0 $0x1;
	_ =	sdelay $0x1  }
0xad: {  	s7 =	simm.s32 @p0 $0x1B8D  }
0xae: {  	_ =	swait.eq @p0 [sflag:s7], $0x1  }
0xaf: {  	[sflag:s7] =	ssyncadd.s32 @p0 $0xFFFFFFFF  }
0xb0: {  	s8 =	sshll.u32 @!p0 s1, $0xE  }
0xb1: {  	s8 =	sor.u32 @!p0 $0x4000, s8;
	s7 =	simm.s32 @!p0 $0x1B8D  }
0xb2: {  	s6 =	sshll.u32 @!p0 s6, $0x11;
	s8 =	sadd.s32 @!p0 $0x11B8D, s8;
	_ =	swait.eq @!p0 [sflag:s7], $0x1  }
0xb3: {  	s6 =	sor.u32 @!p0 s6, s8;
	[sflag:s7] =	ssyncadd.s32 @!p0 $0xFFFFFFFF  }
0xb4: {  	s25 =	simm.s32 $0x1B8E;
	s24 =	sld [smem:$0x3FFE];
	[sflag:s6] =	ssyncadd.remote.s32 @!p0 $0x1  }
0xb5: {  	s26 =	simm.s32 $execute0_lowered;
	[smem:$0x3FD2] =	sst s25  }
0xb6: {  	s7 =	sshll.u32 s26, $0x1;
	_ =	strace $0x80000049;
	[dreg:$0x1] =	wrdreg $0xFFFFFFFF  }
0xb7: {  	s28 =	simm.s32 $_size_execute0_lowered;
	s5 =	sadd.s32 s5, s7;
	[dreg:$0x0] =	wrdreg $0x0  }
0xb8: {  	s7 =	sshll.u32 s28, $0x1;
	[dreg:$0x2] =	wrdreg s5  }
0xb9: {  	[dreg:$0x3] =	wrdreg s7  }
0xba: {  	[dreg:$0x4] =	wrdreg $0xC0  }
0xbb: {  	_ =	task [dreg:s22], $0x5FFFF  }
0xbc: {  	[dreg:$0x1] =	wrdreg $0xFFFFFFFF  }
0xbd: {  	[dreg:$0x0] =	wrdreg $0x60  }
0xbe: {  	[dreg:$0x2] =	wrdreg s18  }
0xbf: {  	[dreg:$0x3] =	wrdreg s4  }
0xc0: {  	[dreg:$0x4] =	wrdreg s24  }
0xc1: {  	[dreg:$0x5] =	wrdreg $0x88000  }
0xc2: {  	[dreg:$0x6] =	wrdreg $0xA  }
0xc3: {  	_ =	task.clear_ibuf [dreg:s22], $0x7FFFF;
	_ =	strace $0x90000049  }
0xc4: {  	s29 =	simm.s32 $0xA;
	_ =	strace $0x8000004B  }
0xc5: {  	_ =	swait.ge [sflag:s29], $0x1  }
0xc6: {  	[sflag:s29] =	ssyncadd.s32 $0xFFFFFFFF  }
0xc7: {  	_ =	strace $0x9000004B  }
0xc8: {  	_ =	sfence  }
0xc9: {  	s30 =	sld [smem:$0x0];
	_ =	sdelay $0x2  }
0xca: {  	s31 =	sshll.u32 s1, $0xD;
	s1 =	sshrl.u32 s1, $0x2  }
0xcb: {  	s4 =	sand.u32 $0x4000, s31;
	s1 =	sadd.s32 s1, s30  }
0xcc: {  	s0 =	sor.u32 s4, s0;
	s1 =	sshll.u32 s1, $0x11  }
0xcd: {  	s0 =	sor.u32 s1, s0  }
0xce: {  	s0 =	sadd.s32 $0x8F2B, s0  }
0xcf: {  	[sflag:s0] =	ssyncadd.remote.s32 $0x1  }
0xd0: {  	_ =	sfence.sel $0xFFFF  }
0xd1: {  	[dreg:$0x0] =	wrdreg $0xFFFFFFFF;
	(pc) =	sbr.abs _section_cstart, $3  }
0xd2: {  	[dreg:$0x1] =	wrdreg $0xFFFFFFFF  }
0xd3: {  	_ =	task.clear_ibuf [dreg:s22], $0x2FFFF;
	_ =	strace $0x9FFFFFFF  }
0xd4: {  	(tm) =	ssettm $0x7FFFFFFF  }
0xd5: {  	_ =	shalt  }
tec
execute0_lowered:
.L_overlay_start_1:
0x0: {  	(tag) =	ssettag $0x1  }
0x1: {  	s1 =	rddreg [dreg:$0x0]  }
0x2: {  	s0 =	rddreg [dreg:$0x1]  }
0x3: {  	s2 =	rddreg [dreg:$0x2]  }
0x4: {  	s3 =	rddreg [dreg:$0x3];
	s12 =	stileid.u32  }
0x5: {  	s4 =	simm.s32 $0x0;
	s5 =	srdreg.scid;
	s13 =	simm.s32 $0x5  }
0x6: {  	s28 =	simm.s32 $0x100;
	s29 =	simm.s32 $0x2;
	s6 =	smul.u32 $0x50, s12  }
0x7: {  	s30 =	simm.s32 $0x480;
	s31 =	simm.s32 $0x4;
	s14 =	smul.u32 $0x278, s12  }
0x8: {  	[smem:$0x7FF] =	sst s4;
	s5 =	sand.u32 $0x1, s5;
	s9 =	smul.u32 $0x4F000, s12  }
0x9: {  	p0 =	seq.s32 s5, $0x0;
	s8 =	smul.u32 $0x27800, s5;
	s5 =	ssub.s32 $0x2, s5  }
0xa: {  	_ =	strace $0x8000004A;
	s7 =	sadd.s32 $0x500, s6;
	s15 =	sshrl.u32 s5, $0x1  }
0xb: {  	s9 =	sshrl.u32 s9, $0x2;
	s11 =	sadd.s32 $0x200, s14;
	s19 =	sadd.s32 $0x80, s14  }
0xc: {  	s25 =	sadd.s32 $0x100, s14;
	s7 =	smov.u32 @p0 s6;
	s23 =	sadd.s32 s9, s3  }
0xd: {  	s16 =	sshll.u32 s11, $0x7;
	s9 =	sshll.u32 s11, $0x4;
	s22 =	sshll.u32 s19, $0x7  }
0xe: {  	s26 =	sshll.u32 s25, $0x7;
	s6 =	sadd.s32 $0x180, s14;
	s14 =	simm.s32 $0x400  }
0xf: {  	s7 =	sshll.u32 s7, $0x4;
	s17 =	sadd.s32 s16, s3;
	[dreg:$0x6] =	wrdreg s23  }
0x10: {  	s20 =	sadd.s32 $0x4000, s23;
	s21 =	sadd.s32 $0x8000, s23;
	[dreg:$0x7] =	wrdreg s17  }
0x11: {  	s24 =	sadd.s32 $0xC000, s23;
	s16 =	simm.s32 $0x4800;
	[dreg:$0x9] =	wrdreg s20  }
0x12: {  	s10 =	sadd.s32 s7, s2;
	s2 =	sadd.s32 s8, s2;
	[dreg:$0xa] =	wrdreg s21  }
0x13: {  	s8 =	ssub.s32 s5, s15;
	s17 =	smul.u32 $0x2780, s12;
	[dreg:$0xb] =	wrdreg s24  }
0x14: {  	s20 =	sshll.u32 s25, $0x4;
	s5 =	sshll.u32 s6, $0x7;
	s6 =	sshll.u32 s6, $0x4  }
0x15: {  	s11 =	sadd.s32 s7, s0;
	s12 =	simm.s32 $0x800;
	s15 =	simm.s32 $0x80  }
0x16: {  	s0 =	simm.s32 $0x180;
	s2 =	sadd.s32 $0x16C00, s2;
	s18 =	smax.u32 s8, $0x1  }
0x17: {  	s8 =	sshll.u32 s19, $0x4;
	s19 =	sadd.s32 s26, s3;
	s21 =	sadd.s32 s5, s3  }
0x18: {  	s10 =	sadd.s32 $0xCC00, s10;
	[dreg:$0x8] =	wrdreg s18;
	s18 =	sadd.s32 s22, s3  }
0x19: {  	[dreg:$0x5] =	wrdreg s10;
	s7 =	sadd.s32 s17, s2;
	s10 =	sadd.s32 s8, s2  }
0x1a: {  	s17 =	sadd.s32 s20, s2;
	s20 =	sadd.s32 s6, s2;
	[dreg:$0xc] =	wrdreg s7  }
0x1b: {  	s22 =	sadd.s32 s9, s2;
	s25 =	sshrl.u32 s19, $0x3;
	[dreg:$0xd] =	wrdreg s10  }
0x1c: {  	s26 =	sshrl.u32 s21, $0x3;
	s2 =	simm.s32 $0x500;
	[dreg:$0xe] =	wrdreg s17  }
0x1d: {  	s8 =	simm.s32 $0x580;
	s9 =	simm.s32 $0x280;
	[dreg:$0xf] =	wrdreg s20  }
0x1e: {  	s19 =	simm.s32 $0x380;
	s21 =	simm.s32 $0x780;
	[dreg:$0x10] =	wrdreg s22  }
0x1f: {  	s6 =	simm.s32 $0x0;
	s22 =	simm.s32 $0x1;
	[dreg:$0x12] =	wrdreg s25  }
0x20: {  	s24 =	sshrl.u32 s18, $0x3;
	[dreg:$0x13] =	wrdreg s26;
	s26 =	simm.s32 $0x3  }
0x21: {  	s7 =	simm.s32 $0x200;
	s10 =	simm.s32 $0x600;
	s17 =	simm.s32 $0x300  }
0x22: {  	v0 =	vimm.f32 $0.0e+00;
	s18 =	simm.s32 $0x680;
	s20 =	simm.s32 $0x700;
	[dreg:$0x11] =	wrdreg s24  }
.LBB2_1:
0x23: {  	[dreg:$0x14] =	wrdreg s6;
	s24 =	simm.s32 $0x0;
	s25 =	simm.s32 $0x200  }
.LBB2_2:
0x24: {  	p0 =	sne.s32 s25, $0xFE00;
	[tilespmem:s24+$0x870] =	vst v0  }
0x25: {  	[tilespmem:s24+$0x800] =	vst v0  }
0x26: {  	[tilespmem:s24+$0x810] =	vst v0  }
.Ltmp0:
0x27: {  	[tilespmem:s24+$0x820] =	vst v0;
	(pc) =	sbr.rel @p0 .LBB2_2-.Ltmp0, $4  }
0x28: {  	[tilespmem:s24+$0x830] =	vst v0  }
0x29: {  	[tilespmem:s24+$0x840] =	vst v0  }
0x2a: {  	[tilespmem:s24+$0x850] =	vst v0  }
0x2b: {  	[tilespmem:s24+$0x860] =	vst v0;
	s24 =	sshra.s32 s25, $0x2;
	s25 =	sadd.s32 $0x200, s25  }
0x2c: {  	[tilespmem:s24+$0x870] =	vst v0  }
0x2d: {  	[tilespmem:s24+$0x800] =	vst v0  }
0x2e: {  	[tilespmem:s24+$0x810] =	vst v0  }
0x2f: {  	[tilespmem:s24+$0x820] =	vst v0  }
0x30: {  	[tilespmem:s24+$0x830] =	vst v0  }
0x31: {  	[tilespmem:s24+$0x840] =	vst v0  }
0x32: {  	[tilespmem:s24+$0x850] =	vst v0  }
0x33: {  	[tilespmem:s24+$0x860] =	vst v0  }
0x34: {  	[spmem:s23] =	stream.linear.scatter [tilespmem:s12], [sflag:$0x5], $0x4000, $0x38;
	[tilespmem:$0x1C400] =	vst v63  }
0x35: {  	_ =	swait.ge [sflag:s13], $0x4000  }
0x36: {  	[sflag:s13] =	ssyncset.done $0x0  }
0x37: {  	s5 =	rddreg [dreg:$0x9];
	[sflag:s13] =	ssyncadd.s32 $0xFFFFC000  }
0x38: {  	[spmem:s5] =	stream.linear.scatter [tilespmem:s12], [sflag:$0x5], $0x4000, $0x38;
	[tilespmem:$0x1C400] =	vst v63  }
0x39: {  	_ =	swait.ge [sflag:s13], $0x4000  }
0x3a: {  	[sflag:s13] =	ssyncset.done $0x0  }
0x3b: {  	s6 =	rddreg [dreg:$0xa];
	[sflag:s13] =	ssyncadd.s32 $0xFFFFC000  }
0x3c: {  	[spmem:s6] =	stream.linear.scatter [tilespmem:s12], [sflag:$0x5], $0x4000, $0x38;
	[tilespmem:$0x1C400] =	vst v63  }
0x3d: {  	_ =	swait.ge [sflag:s13], $0x4000  }
0x3e: {  	[sflag:s13] =	ssyncset.done $0x0  }
0x3f: {  	s23 =	rddreg [dreg:$0xb];
	[sflag:s13] =	ssyncadd.s32 $0xFFFFC000  }
0x40: {  	[spmem:s23] =	stream.linear.scatter [tilespmem:s12], [sflag:$0x5], $0x4000, $0x38;
	[tilespmem:$0x1C400] =	vst v63  }
0x41: {  	_ =	swait.ge [sflag:s13], $0x4000  }
0x42: {  	[sflag:s13] =	ssyncset.done $0x0  }
0x43: {  	s24 =	rddreg [dreg:$0x7];
	[sflag:s13] =	ssyncadd.s32 $0xFFFFC000  }
0x44: {  	[spmem:s24] =	stream.linear.scatter [tilespmem:s12], [sflag:$0x5], $0x3C00, $0x38;
	[tilespmem:$0x1C400] =	vst v63  }
0x45: {  	_ =	swait.ge [sflag:s13], $0x3C00  }
0x46: {  	[sflag:s13] =	ssyncset.done $0x0  }
0x47: {  	[sflag:s13] =	ssyncadd.s32 $0xFFFFC400  }
0x48: {  	s6 =	sadd.s32 $0x0, s11;
	[bflag:$0x0] =	sbarrier.arrive $0xFFFF  }
0x49: {  	[tilespmem:s4], [sflag:$0x5] =	stream.linear.gather [hbm4b:s6+s4], $0x400, $0x38;
	[tilespmem:$0x1C400] =	vst v63  }
0x4a: {  	_ =	swait.ge [sflag:s13], $0x400  }
0x4b: {  	s25 =	rddreg [dreg:$0x5];
	[sflag:s13] =	ssyncset.done $0x0  }
0x4c: {  	[sflag:s13] =	ssyncadd.s32 $0xFFFFFC00;
	s6 =	sadd.s32 $0x0, s25  }
0x4d: {  	[tilespmem:s14], [sflag:$0x5] =	stream.linear.gather [hbm4b:s6+s4], $0x400, $0x38;
	[tilespmem:$0x1C400] =	vst v63  }
0x4e: {  	_ =	swait.ge [sflag:s13], $0x400  }
0x4f: {  	[sflag:s13] =	ssyncset.done $0x0  }
0x50: {  	[sflag:s13] =	ssyncadd.s32 $0xFFFFFC00  }
0x51: {  	[tilespmem:s12], [sflag:$0x1] =	stream.indirect.gather [hbm4b:s1+s15], $0x80, s4, s15, $0xb8;
	[tilespmem:$0x1C400] =	vst v63  }
0x52: {  	_ = 	snop  }
0x53: {  	[tilespmem:s16], [sflag:$0x2] =	stream.indirect.gather [hbm4b:s1+s15], $0x80, s15, s15, $0xb8;
	[tilespmem:$0x1C400] =	vst v63  }
0x54: {  	_ =	swait.ge [sflag:s22], $0x4000  }
0x55: {  	[sflag:s22] =	ssyncset.done $0x0  }
0x56: {  	[sflag:s22] =	ssyncadd.s32 $0xFFFFC000  }
0x57: {  	[spmem:s3] =	stream.indirect.scatter.add.f32 [tilespmem:s12], [sflag:$0x3], $0x80, s14, s15, $0xb8;
	[tilespmem:$0x1C400] =	vst v63  }
0x58: {  	_ =	swait.ge [sflag:s26], $0x4000  }
0x59: {  	[sflag:s26] =	ssyncset.done $0x0  }
0x5a: {  	[sflag:s26] =	ssyncadd.s32 $0xFFFFC000  }
0x5b: {  	[tilespmem:s12], [sflag:$0x1] =	stream.indirect.gather [hbm4b:s1+s15], $0x80, s28, s15, $0xb8;
	[tilespmem:$0x1C400] =	vst v63  }
0x5c: {  	_ =	swait.ge [sflag:s29], $0x4000  }
0x5d: {  	[sflag:s29] =	ssyncset.done $0x0  }
0x5e: {  	[sflag:s29] =	ssyncadd.s32 $0xFFFFC000  }
0x5f: {  	[spmem:s3] =	stream.indirect.scatter.add.f32 [tilespmem:s16], [sflag:$0x4], $0x80, s30, s15, $0xb8;
	[tilespmem:$0x1C400] =	vst v63  }
0x60: {  	_ =	swait.ge [sflag:s31], $0x4000  }
0x61: {  	[sflag:s31] =	ssyncset.done $0x0  }
0x62: {  	[sflag:s31] =	ssyncadd.s32 $0xFFFFC000  }
0x63: {  	[tilespmem:s16], [sflag:$0x2] =	stream.indirect.gather [hbm4b:s1+s15], $0x80, s0, s15, $0xb8;
	[tilespmem:$0x1C400] =	vst v63  }
0x64: {  	_ =	swait.ge [sflag:s22], $0x4000  }
0x65: {  	[sflag:s22] =	ssyncset.done $0x0  }
0x66: {  	[sflag:s22] =	ssyncadd.s32 $0xFFFFC000  }
0x67: {  	[spmem:s3] =	stream.indirect.scatter.add.f32 [tilespmem:s12], [sflag:$0x3], $0x80, s2, s15, $0xb8;
	[tilespmem:$0x1C400] =	vst v63  }
0x68: {  	_ =	swait.ge [sflag:s26], $0x4000  }
0x69: {  	[sflag:s26] =	ssyncset.done $0x0  }
0x6a: {  	[sflag:s26] =	ssyncadd.s32 $0xFFFFC000  }
0x6b: {  	[tilespmem:s12], [sflag:$0x1] =	stream.indirect.gather [hbm4b:s1+s15], $0x80, s7, s15, $0xb8;
	[tilespmem:$0x1C400] =	vst v63  }
0x6c: {  	_ =	swait.ge [sflag:s29], $0x4000  }
0x6d: {  	[sflag:s29] =	ssyncset.done $0x0  }
0x6e: {  	[sflag:s29] =	ssyncadd.s32 $0xFFFFC000  }
0x6f: {  	[spmem:s3] =	stream.indirect.scatter.add.f32 [tilespmem:s16], [sflag:$0x4], $0x80, s8, s15, $0xb8;
	[tilespmem:$0x1C400] =	vst v63  }
0x70: {  	_ =	swait.ge [sflag:s31], $0x4000  }
0x71: {  	[sflag:s31] =	ssyncset.done $0x0  }
0x72: {  	[sflag:s31] =	ssyncadd.s32 $0xFFFFC000  }
0x73: {  	[tilespmem:s16], [sflag:$0x2] =	stream.indirect.gather [hbm4b:s1+s15], $0x80, s9, s15, $0xb8;
	[tilespmem:$0x1C400] =	vst v63  }
0x74: {  	_ =	swait.ge [sflag:s22], $0x4000  }
0x75: {  	[sflag:s22] =	ssyncset.done $0x0  }
0x76: {  	[sflag:s22] =	ssyncadd.s32 $0xFFFFC000  }
0x77: {  	[spmem:s3] =	stream.indirect.scatter.add.f32 [tilespmem:s12], [sflag:$0x3], $0x80, s10, s15, $0xb8;
	[tilespmem:$0x1C400] =	vst v63  }
0x78: {  	_ =	swait.ge [sflag:s26], $0x4000  }
0x79: {  	[sflag:s26] =	ssyncset.done $0x0  }
0x7a: {  	[sflag:s26] =	ssyncadd.s32 $0xFFFFC000  }
0x7b: {  	[tilespmem:s12], [sflag:$0x1] =	stream.indirect.gather [hbm4b:s1+s15], $0x80, s17, s15, $0xb8;
	[tilespmem:$0x1C400] =	vst v63  }
0x7c: {  	_ =	swait.ge [sflag:s29], $0x4000  }
0x7d: {  	[sflag:s29] =	ssyncset.done $0x0  }
0x7e: {  	[sflag:s29] =	ssyncadd.s32 $0xFFFFC000  }
0x7f: {  	[spmem:s3] =	stream.indirect.scatter.add.f32 [tilespmem:s16], [sflag:$0x4], $0x80, s18, s15, $0xb8;
	[tilespmem:$0x1C400] =	vst v63  }
0x80: {  	_ =	swait.ge [sflag:s31], $0x4000  }
0x81: {  	[sflag:s31] =	ssyncset.done $0x0  }
0x82: {  	[sflag:s31] =	ssyncadd.s32 $0xFFFFC000  }
0x83: {  	[tilespmem:s16], [sflag:$0x2] =	stream.indirect.gather [hbm4b:s1+s15], $0x80, s19, s15, $0xb8;
	[tilespmem:$0x1C400] =	vst v63  }
0x84: {  	_ =	swait.ge [sflag:s22], $0x4000  }
0x85: {  	[sflag:s22] =	ssyncset.done $0x0  }
0x86: {  	[sflag:s22] =	ssyncadd.s32 $0xFFFFC000  }
0x87: {  	[spmem:s3] =	stream.indirect.scatter.add.f32 [tilespmem:s12], [sflag:$0x3], $0x80, s20, s15, $0xb8;
	[tilespmem:$0x1C400] =	vst v63  }
0x88: {  	_ =	swait.ge [sflag:s29], $0x4000  }
0x89: {  	[sflag:s29] =	ssyncset.done $0x0  }
0x8a: {  	[sflag:s29] =	ssyncadd.s32 $0xFFFFC000  }
0x8b: {  	[spmem:s3] =	stream.indirect.scatter.add.f32 [tilespmem:s16], [sflag:$0x4], $0x80, s21, s15, $0xb8;
	[tilespmem:$0x1C400] =	vst v63  }
0x8c: {  	_ =	swait.ge [sflag:s26], $0x4000  }
0x8d: {  	[sflag:s26] =	ssyncset.done $0x0  }
0x8e: {  	[sflag:s26] =	ssyncadd.s32 $0xFFFFC000  }
0x8f: {  	_ =	swait.ge [sflag:s31], $0x4000  }
0x90: {  	s24 =	simm.s32 $0x80;
	s25 =	simm.s32 $0x100;
	[sflag:s31] =	ssyncset.done $0x0  }
.LBB2_4:
0x91: {  	s5 =	sadd.s32 s24, s11;
	[sflag:s31] =	ssyncadd.s32 $0xFFFFC000  }
0x92: {  	[tilespmem:s4], [sflag:$0x5] =	stream.linear.gather [hbm4b:s5+s4], $0x400, $0x38;
	[tilespmem:$0x1C400] =	vst v63  }
0x93: {  	s23 =	smov.u32 s25;
	s6 =	sadd.s32 $0x80, s25;
	_ =	swait.ge [sflag:s13], $0x400  }
0x94: {  	p0 =	sne.s32 s25, $0x480;
	s25 =	rddreg [dreg:$0x5];
	[sflag:s13] =	ssyncset.done $0x0  }
0x95: {  	[sflag:s13] =	ssyncadd.s32 $0xFFFFFC00;
	s5 =	sadd.s32 s24, s25  }
0x96: {  	[tilespmem:s14], [sflag:$0x5] =	stream.linear.gather [hbm4b:s5+s4], $0x400, $0x38;
	[tilespmem:$0x1C400] =	vst v63  }
0x97: {  	_ =	swait.ge [sflag:s13], $0x400  }
0x98: {  	[sflag:s13] =	ssyncset.done $0x0  }
0x99: {  	[sflag:s13] =	ssyncadd.s32 $0xFFFFFC00  }
0x9a: {  	[tilespmem:s12], [sflag:$0x1] =	stream.indirect.gather [hbm4b:s1+s15], $0x80, s4, s15, $0xb8;
	[tilespmem:$0x1C400] =	vst v63  }
0x9b: {  	_ = 	snop  }
0x9c: {  	[tilespmem:s16], [sflag:$0x2] =	stream.indirect.gather [hbm4b:s1+s15], $0x80, s15, s15, $0xb8;
	[tilespmem:$0x1C400] =	vst v63  }
0x9d: {  	_ =	swait.ge [sflag:s22], $0x4000  }
0x9e: {  	[sflag:s22] =	ssyncset.done $0x0  }
0x9f: {  	[sflag:s22] =	ssyncadd.s32 $0xFFFFC000  }
0xa0: {  	[spmem:s3] =	stream.indirect.scatter.add.f32 [tilespmem:s12], [sflag:$0x3], $0x80, s14, s15, $0xb8;
	[tilespmem:$0x1C400] =	vst v63  }
0xa1: {  	_ =	swait.ge [sflag:s26], $0x4000  }
0xa2: {  	[sflag:s26] =	ssyncset.done $0x0  }
0xa3: {  	[sflag:s26] =	ssyncadd.s32 $0xFFFFC000  }
0xa4: {  	[tilespmem:s12], [sflag:$0x1] =	stream.indirect.gather [hbm4b:s1+s15], $0x80, s28, s15, $0xb8;
	[tilespmem:$0x1C400] =	vst v63  }
0xa5: {  	_ =	swait.ge [sflag:s29], $0x4000  }
0xa6: {  	[sflag:s29] =	ssyncset.done $0x0  }
0xa7: {  	[sflag:s29] =	ssyncadd.s32 $0xFFFFC000  }
0xa8: {  	[spmem:s3] =	stream.indirect.scatter.add.f32 [tilespmem:s16], [sflag:$0x4], $0x80, s30, s15, $0xb8;
	[tilespmem:$0x1C400] =	vst v63  }
0xa9: {  	_ =	swait.ge [sflag:s31], $0x4000  }
0xaa: {  	[sflag:s31] =	ssyncset.done $0x0  }
0xab: {  	[sflag:s31] =	ssyncadd.s32 $0xFFFFC000  }
0xac: {  	[tilespmem:s16], [sflag:$0x2] =	stream.indirect.gather [hbm4b:s1+s15], $0x80, s0, s15, $0xb8;
	[tilespmem:$0x1C400] =	vst v63  }
0xad: {  	_ =	swait.ge [sflag:s22], $0x4000  }
0xae: {  	[sflag:s22] =	ssyncset.done $0x0  }
0xaf: {  	[sflag:s22] =	ssyncadd.s32 $0xFFFFC000  }
0xb0: {  	[spmem:s3] =	stream.indirect.scatter.add.f32 [tilespmem:s12], [sflag:$0x3], $0x80, s2, s15, $0xb8;
	[tilespmem:$0x1C400] =	vst v63  }
0xb1: {  	_ =	swait.ge [sflag:s26], $0x4000  }
0xb2: {  	[sflag:s26] =	ssyncset.done $0x0  }
0xb3: {  	[sflag:s26] =	ssyncadd.s32 $0xFFFFC000  }
0xb4: {  	[tilespmem:s12], [sflag:$0x1] =	stream.indirect.gather [hbm4b:s1+s15], $0x80, s7, s15, $0xb8;
	[tilespmem:$0x1C400] =	vst v63  }
0xb5: {  	_ =	swait.ge [sflag:s29], $0x4000  }
0xb6: {  	[sflag:s29] =	ssyncset.done $0x0  }
0xb7: {  	[sflag:s29] =	ssyncadd.s32 $0xFFFFC000  }
0xb8: {  	[spmem:s3] =	stream.indirect.scatter.add.f32 [tilespmem:s16], [sflag:$0x4], $0x80, s8, s15, $0xb8;
	[tilespmem:$0x1C400] =	vst v63  }
0xb9: {  	_ =	swait.ge [sflag:s31], $0x4000  }
0xba: {  	[sflag:s31] =	ssyncset.done $0x0  }
0xbb: {  	[sflag:s31] =	ssyncadd.s32 $0xFFFFC000  }
0xbc: {  	[tilespmem:s16], [sflag:$0x2] =	stream.indirect.gather [hbm4b:s1+s15], $0x80, s9, s15, $0xb8;
	[tilespmem:$0x1C400] =	vst v63  }
0xbd: {  	_ =	swait.ge [sflag:s22], $0x4000  }
0xbe: {  	[sflag:s22] =	ssyncset.done $0x0  }
0xbf: {  	[sflag:s22] =	ssyncadd.s32 $0xFFFFC000  }
0xc0: {  	[spmem:s3] =	stream.indirect.scatter.add.f32 [tilespmem:s12], [sflag:$0x3], $0x80, s10, s15, $0xb8;
	[tilespmem:$0x1C400] =	vst v63  }
0xc1: {  	_ =	swait.ge [sflag:s26], $0x4000  }
0xc2: {  	[sflag:s26] =	ssyncset.done $0x0  }
0xc3: {  	[sflag:s26] =	ssyncadd.s32 $0xFFFFC000  }
0xc4: {  	[tilespmem:s12], [sflag:$0x1] =	stream.indirect.gather [hbm4b:s1+s15], $0x80, s17, s15, $0xb8;
	[tilespmem:$0x1C400] =	vst v63  }
0xc5: {  	_ =	swait.ge [sflag:s29], $0x4000  }
0xc6: {  	[sflag:s29] =	ssyncset.done $0x0  }
0xc7: {  	[sflag:s29] =	ssyncadd.s32 $0xFFFFC000  }
0xc8: {  	[spmem:s3] =	stream.indirect.scatter.add.f32 [tilespmem:s16], [sflag:$0x4], $0x80, s18, s15, $0xb8;
	[tilespmem:$0x1C400] =	vst v63  }
0xc9: {  	_ =	swait.ge [sflag:s31], $0x4000  }
0xca: {  	[sflag:s31] =	ssyncset.done $0x0  }
0xcb: {  	[sflag:s31] =	ssyncadd.s32 $0xFFFFC000  }
0xcc: {  	[tilespmem:s16], [sflag:$0x2] =	stream.indirect.gather [hbm4b:s1+s15], $0x80, s19, s15, $0xb8;
	[tilespmem:$0x1C400] =	vst v63  }
0xcd: {  	_ =	swait.ge [sflag:s22], $0x4000  }
0xce: {  	[sflag:s22] =	ssyncset.done $0x0  }
0xcf: {  	[sflag:s22] =	ssyncadd.s32 $0xFFFFC000  }
0xd0: {  	[spmem:s3] =	stream.indirect.scatter.add.f32 [tilespmem:s12], [sflag:$0x3], $0x80, s20, s15, $0xb8;
	[tilespmem:$0x1C400] =	vst v63  }
0xd1: {  	_ =	swait.ge [sflag:s29], $0x4000  }
0xd2: {  	[sflag:s29] =	ssyncset.done $0x0  }
0xd3: {  	[sflag:s29] =	ssyncadd.s32 $0xFFFFC000  }
0xd4: {  	[spmem:s3] =	stream.indirect.scatter.add.f32 [tilespmem:s16], [sflag:$0x4], $0x80, s21, s15, $0xb8;
	[tilespmem:$0x1C400] =	vst v63  }
.Ltmp1:
0xd5: {  	_ =	swait.ge [sflag:s26], $0x4000;
	(pc) =	sbr.rel @p0 .LBB2_4-.Ltmp1, $4  }
0xd6: {  	[sflag:s26] =	ssyncset.done $0x0  }
0xd7: {  	[sflag:s26] =	ssyncadd.s32 $0xFFFFC000  }
0xd8: {  	_ =	swait.ge [sflag:s31], $0x4000  }
0xd9: {  	s24 =	smov.u32 s23;
	s25 =	smov.u32 s6;
	[sflag:s31] =	ssyncset.done $0x0  }
0xda: {  	s5 =	sadd.s32 s24, s11;
	[sflag:s31] =	ssyncadd.s32 $0xFFFFC000  }
0xdb: {  	[tilespmem:s4], [sflag:$0x5] =	stream.linear.gather [hbm4b:s5+s4], $0x400, $0x38;
	[tilespmem:$0x1C400] =	vst v63  }
0xdc: {  	_ =	swait.ge [sflag:s13], $0x400  }
0xdd: {  	s23 =	rddreg [dreg:$0x5];
	[sflag:s13] =	ssyncset.done $0x0  }
0xde: {  	[sflag:s13] =	ssyncadd.s32 $0xFFFFFC00;
	s5 =	sadd.s32 s24, s23  }
0xdf: {  	[tilespmem:s14], [sflag:$0x5] =	stream.linear.gather [hbm4b:s5+s4], $0x400, $0x38;
	[tilespmem:$0x1C400] =	vst v63  }
0xe0: {  	_ =	swait.ge [sflag:s13], $0x400  }
0xe1: {  	[sflag:s13] =	ssyncset.done $0x0  }
0xe2: {  	[sflag:s13] =	ssyncadd.s32 $0xFFFFFC00  }
0xe3: {  	[tilespmem:s12], [sflag:$0x1] =	stream.indirect.gather [hbm4b:s1+s15], $0x80, s4, s15, $0xb8;
	[tilespmem:$0x1C400] =	vst v63  }
0xe4: {  	_ = 	snop  }
0xe5: {  	[tilespmem:s16], [sflag:$0x2] =	stream.indirect.gather [hbm4b:s1+s15], $0x80, s15, s15, $0xb8;
	[tilespmem:$0x1C400] =	vst v63  }
0xe6: {  	_ =	swait.ge [sflag:s22], $0x4000  }
0xe7: {  	[sflag:s22] =	ssyncset.done $0x0  }
0xe8: {  	[sflag:s22] =	ssyncadd.s32 $0xFFFFC000  }
0xe9: {  	[spmem:s3] =	stream.indirect.scatter.add.f32 [tilespmem:s12], [sflag:$0x3], $0x80, s14, s15, $0xb8;
	[tilespmem:$0x1C400] =	vst v63  }
0xea: {  	_ =	swait.ge [sflag:s26], $0x4000  }
0xeb: {  	[sflag:s26] =	ssyncset.done $0x0  }
0xec: {  	[sflag:s26] =	ssyncadd.s32 $0xFFFFC000  }
0xed: {  	[tilespmem:s12], [sflag:$0x1] =	stream.indirect.gather [hbm4b:s1+s15], $0x80, s28, s15, $0xb8;
	[tilespmem:$0x1C400] =	vst v63  }
0xee: {  	_ =	swait.ge [sflag:s29], $0x4000  }
0xef: {  	[sflag:s29] =	ssyncset.done $0x0  }
0xf0: {  	[sflag:s29] =	ssyncadd.s32 $0xFFFFC000  }
0xf1: {  	[spmem:s3] =	stream.indirect.scatter.add.f32 [tilespmem:s16], [sflag:$0x4], $0x80, s30, s15, $0xb8;
	[tilespmem:$0x1C400] =	vst v63  }
0xf2: {  	_ =	swait.ge [sflag:s31], $0x4000  }
0xf3: {  	[sflag:s31] =	ssyncset.done $0x0  }
0xf4: {  	[sflag:s31] =	ssyncadd.s32 $0xFFFFC000  }
0xf5: {  	[tilespmem:s16], [sflag:$0x2] =	stream.indirect.gather [hbm4b:s1+s15], $0x80, s0, s15, $0xb8;
	[tilespmem:$0x1C400] =	vst v63  }
0xf6: {  	_ =	swait.ge [sflag:s22], $0x4000  }
0xf7: {  	[sflag:s22] =	ssyncset.done $0x0  }
0xf8: {  	[sflag:s22] =	ssyncadd.s32 $0xFFFFC000  }
0xf9: {  	[spmem:s3] =	stream.indirect.scatter.add.f32 [tilespmem:s12], [sflag:$0x3], $0x80, s2, s15, $0xb8;
	[tilespmem:$0x1C400] =	vst v63  }
0xfa: {  	_ =	swait.ge [sflag:s26], $0x4000  }
0xfb: {  	[sflag:s26] =	ssyncset.done $0x0  }
0xfc: {  	[sflag:s26] =	ssyncadd.s32 $0xFFFFC000  }
0xfd: {  	[tilespmem:s12], [sflag:$0x1] =	stream.indirect.gather [hbm4b:s1+s15], $0x80, s7, s15, $0xb8;
	[tilespmem:$0x1C400] =	vst v63  }
0xfe: {  	_ =	swait.ge [sflag:s29], $0x4000  }
0xff: {  	[sflag:s29] =	ssyncset.done $0x0  }
0x100: {  	[sflag:s29] =	ssyncadd.s32 $0xFFFFC000  }
0x101: {  	[spmem:s3] =	stream.indirect.scatter.add.f32 [tilespmem:s16], [sflag:$0x4], $0x80, s8, s15, $0xb8;
	[tilespmem:$0x1C400] =	vst v63  }
0x102: {  	_ =	swait.ge [sflag:s31], $0x4000  }
0x103: {  	[sflag:s31] =	ssyncset.done $0x0  }
0x104: {  	[sflag:s31] =	ssyncadd.s32 $0xFFFFC000  }
0x105: {  	[tilespmem:s16], [sflag:$0x2] =	stream.indirect.gather [hbm4b:s1+s15], $0x80, s9, s15, $0xb8;
	[tilespmem:$0x1C400] =	vst v63  }
0x106: {  	_ =	swait.ge [sflag:s22], $0x4000  }
0x107: {  	[sflag:s22] =	ssyncset.done $0x0  }
0x108: {  	[sflag:s22] =	ssyncadd.s32 $0xFFFFC000  }
0x109: {  	[spmem:s3] =	stream.indirect.scatter.add.f32 [tilespmem:s12], [sflag:$0x3], $0x80, s10, s15, $0xb8;
	[tilespmem:$0x1C400] =	vst v63  }
0x10a: {  	_ =	swait.ge [sflag:s26], $0x4000  }
0x10b: {  	[sflag:s26] =	ssyncset.done $0x0  }
0x10c: {  	[sflag:s26] =	ssyncadd.s32 $0xFFFFC000  }
0x10d: {  	[tilespmem:s12], [sflag:$0x1] =	stream.indirect.gather [hbm4b:s1+s15], $0x80, s17, s15, $0xb8;
	[tilespmem:$0x1C400] =	vst v63  }
0x10e: {  	_ =	swait.ge [sflag:s29], $0x4000  }
0x10f: {  	[sflag:s29] =	ssyncset.done $0x0  }
0x110: {  	[sflag:s29] =	ssyncadd.s32 $0xFFFFC000  }
0x111: {  	[spmem:s3] =	stream.indirect.scatter.add.f32 [tilespmem:s16], [sflag:$0x4], $0x80, s18, s15, $0xb8;
	[tilespmem:$0x1C400] =	vst v63  }
0x112: {  	_ =	swait.ge [sflag:s31], $0x4000  }
0x113: {  	[sflag:s31] =	ssyncset.done $0x0  }
0x114: {  	[sflag:s31] =	ssyncadd.s32 $0xFFFFC000  }
0x115: {  	[tilespmem:s16], [sflag:$0x2] =	stream.indirect.gather [hbm4b:s1+s15], $0x80, s19, s15, $0xb8;
	[tilespmem:$0x1C400] =	vst v63  }
0x116: {  	_ =	swait.ge [sflag:s22], $0x4000  }
0x117: {  	[sflag:s22] =	ssyncset.done $0x0  }
0x118: {  	[sflag:s22] =	ssyncadd.s32 $0xFFFFC000  }
0x119: {  	[spmem:s3] =	stream.indirect.scatter.add.f32 [tilespmem:s12], [sflag:$0x3], $0x80, s20, s15, $0xb8;
	[tilespmem:$0x1C400] =	vst v63  }
0x11a: {  	_ =	swait.ge [sflag:s29], $0x4000  }
0x11b: {  	[sflag:s29] =	ssyncset.done $0x0  }
0x11c: {  	[sflag:s29] =	ssyncadd.s32 $0xFFFFC000  }
0x11d: {  	[spmem:s3] =	stream.indirect.scatter.add.f32 [tilespmem:s16], [sflag:$0x4], $0x80, s21, s15, $0xb8;
	[tilespmem:$0x1C400] =	vst v63  }
0x11e: {  	_ =	swait.ge [sflag:s26], $0x4000  }
0x11f: {  	[sflag:s26] =	ssyncset.done $0x0  }
0x120: {  	[sflag:s26] =	ssyncadd.s32 $0xFFFFC000  }
0x121: {  	_ =	swait.ge [sflag:s31], $0x4000  }
0x122: {  	[sflag:s31] =	ssyncset.done $0x0  }
0x123: {  	[sflag:s31] =	ssyncadd.s32 $0xFFFFC000  }
0x124: {  	s24 =	stileid.u32;
	[bflag:$0x0] =	sbarrier.arrive $0xFFFF  }
0x125: {  	s5 =	sshll.u32 s24, $0x6;
	s23 =	rddreg [dreg:$0x6]  }
0x126: {  	s5 =	sor.u32 $0x1C05, s5;
	s25 =	rddreg [dreg:$0xc];
	s6 =	sshrl.u32 s23, $0x3  }
0x127: {  	[hbm:s25], [sflag:s5] =	dma.local [spmem:s6], $0x800  }
0x128: {  	_ =	swait.ge [sflag:s13], $0x800  }
0x129: {  	[sflag:s13] =	ssyncset.done $0x0;
	s24 =	rddreg [dreg:$0xd]  }
0x12a: {  	s25 =	rddreg [dreg:$0x11];
	[sflag:s13] =	ssyncadd.s32 $0xFFFFF800  }
0x12b: {  	[hbm:s24], [sflag:s5] =	dma.local [spmem:s25], $0x800  }
0x12c: {  	_ =	swait.ge [sflag:s13], $0x800  }
0x12d: {  	[sflag:s13] =	ssyncset.done $0x0;
	s24 =	rddreg [dreg:$0xe]  }
0x12e: {  	s25 =	rddreg [dreg:$0x12];
	[sflag:s13] =	ssyncadd.s32 $0xFFFFF800  }
0x12f: {  	[hbm:s24], [sflag:s5] =	dma.local [spmem:s25], $0x800  }
0x130: {  	_ =	swait.ge [sflag:s13], $0x800  }
0x131: {  	[sflag:s13] =	ssyncset.done $0x0;
	s24 =	rddreg [dreg:$0xf]  }
0x132: {  	s25 =	rddreg [dreg:$0x13];
	[sflag:s13] =	ssyncadd.s32 $0xFFFFF800  }
0x133: {  	[hbm:s24], [sflag:s5] =	dma.local [spmem:s25], $0x800  }
0x134: {  	_ =	swait.ge [sflag:s13], $0x800  }
0x135: {  	[sflag:s13] =	ssyncset.done $0x0;
	s24 =	rddreg [dreg:$0x7]  }
0x136: {  	s25 =	rddreg [dreg:$0x10];
	[sflag:s13] =	ssyncadd.s32 $0xFFFFF800;
	s6 =	sshrl.u32 s24, $0x3  }
0x137: {  	[hbm:s25], [sflag:s5] =	dma.local [spmem:s6], $0x780  }
0x138: {  	_ =	swait.ge [sflag:s13], $0x780  }
0x139: {  	s24 =	rddreg [dreg:$0x14]  }
0x13a: {  	s25 =	rddreg [dreg:$0x8];
	s6 =	sadd.s32 $0x1, s24  }
0x13b: {  	p0 =	sne.s32 s6, s25  }
.Ltmp2:
0x13c: {  	_ = 	snop;
	(pc) =	sbr.rel @p0 .LBB2_1-.Ltmp2, $3  }
0x13d: {  	_ =	sdelay $0x1  }
0x13e: {  	[sflag:s13] =	ssyncset.done $0x0  }
0x13f: {  	[sflag:s13] =	ssyncadd.s32 $0xFFFFF880  }
0x140: {  	_ =	sfence.sel $0x180000  }
0x141: {  	[bflag:$0x0] =	sbarrier.arrive $0xFFFF  }
0x142: {  	_ =	strace $0x9000004A  }
0x143: {  	s0 =	stileid.u32;
	[bflag:$0x2] =	sbarrier.arrive $0xFFFF  }
0x144: {  	p0 =	sne.s32 s0, $0x0;
	s0 =	rddreg [dreg:$0x4]  }
0x145: {  	s0 =	sadd.s32 @!p0 $0x100000, s0  }
0x146: {  	[sflag:s0] =	ssyncadd.tile.s32 @!p0 $0x1;
	_ =	shalt  }
.Lfunc_end2:
_tile_overlayer_lowered:
.L_overlay_start_2:
0x147: {  	(tag) =	ssettag $0x2  }
0x148: {  	s0 =	rddreg [dreg:$0x0];
	s2 =	stileid.u32  }
0x149: {  	s1 =	rddreg [dreg:$0x1];
	p0 =	sne.s32 s2, $0x0  }
0x14a: {  	s3 =	rddreg [dreg:$0x2];
	[bflag:$0x3] =	sbarrier.arrive $0xFFFF;
	s2 =	simm.s32 @!p0 $0x1C05  }
0x14b: {  	[timem:s3], [sflag:s2] =	dma.local @!p0 [hbm:s0], s1  }
0x14c: {  	s0 =	simm.s32 @!p0 $0x5  }
0x14d: {  	_ =	swait.ge @!p0 [sflag:s0], s1  }
0x14e: {  	s1 =	ssub.s32 @!p0 $0x0, s1;
	[sflag:s0] =	ssyncset.done @!p0 $0x0  }
0x14f: {  	[sflag:s0] =	ssyncadd.s32 @!p0 s1  }
0x150: {  	[bflag:$0x3] =	sbarrier.arrive $0xFFFF  }
0x151: {  	_ =	shalt  }

// kernel: kernel.13.cloned.1.call-start
scs
__scs_entry_jumppad:
0x0: {  	(pc) =	sbr.rel $0x88, $3  }
0x1: {  	(tag) =	ssettag $0x0;
	lr =	simm.s32 $0x1  }
0x2: {  	[smem:$0x3F93] =	sst lr;
	_ =	strace $0xD0000000  }
0x3: {  	_ = 	snop  }
0x4: {  	_ = 	snop  }
0x5: {  	_ = 	snop  }
0x6: {  	_ = 	snop  }
0x7: {  	_ = 	snop  }
__scs_overlays_trampoline_lowered:
0x8: {  	[smem:$0x3FA2] =	sst s0  }
0x9: {  	[smem:$0x3FA3] =	sst s1  }
0xa: {  	[smem:$0x3FA4] =	sst s2  }
0xb: {  	[smem:$0x3FA5] =	sst s3  }
0xc: {  	[smem:$0x3FA6] =	sst s4  }
0xd: {  	[smem:$0x3FA7] =	sst s5  }
0xe: {  	[smem:$0x3FA8] =	sst s6  }
0xf: {  	[smem:$0x3FA9] =	sst s7  }
0x10: {  	[smem:$0x3FAA] =	sst s8  }
0x11: {  	[smem:$0x3FAB] =	sst s9;
	s0 =	simm.s32 @!p0 $0x0  }
0x12: {  	s1 =	sld [smem:$0x3F91];
	s0 =	simm.s32 @p0 $0x1  }
0x13: {  	[smem:$0x3FAC] =	sst s0;
	s0 =	simm.s32 @!p1 $0x0  }
0x14: {  	s2 =	sld [smem:$0x3F90];
	s0 =	simm.s32 @p1 $0x1  }
0x15: {  	[smem:$0x3FAD] =	sst s0;
	s0 =	simm.s32 @!p2 $0x0  }
0x16: {  	s3 =	sld [smem:$0x3FDB];
	s0 =	simm.s32 @p2 $0x1  }
0x17: {  	s4 =	simm.s32 $0x1BF5;
	[smem:$0x3FAF] =	sst s0  }
0x18: {  	s0 =	sld [smem:$0x3F92];
	_ =	swait.ge [sflag:s4], $0x0  }
0x19: {  	s7 =	sld [smem:$0x3F93]  }
0x1a: {  	s8 =	sadd.s32 $0xFFFFE003, lr  }
0x1b: {  	s9 =	sadd.s32 $0xFFFFFEF7, lr;
	s5 =	simm.s32 $0xFFFFFFFF;
	p2 =	slt.u32 s8, $0xFFFFF086  }
0x1c: {  	p1 =	slt.u32 s9, $0xF7A;
	s5 =	simm.s32 @!p2 $0x0  }
0x1d: {  	s5 =	simm.s32 @p1 $0x1;
	p0 =	seq.s32 s7, s2  }
0x1e: {  	s7 =	smul.u32 @!p0 $0xF7A, s2;
	p2 =	seq.s32 @!p0 s5, $0x0  }
0x1f: {  	s9 =	smul.u32 $0xF7A, s1;
	s8 =	simm.s32 @!p0 $0x1BF5;
	p2 =	por !p2, p0  }
0x20: {  	[sflag:s8] =	ssyncset.s32 @!p0 $0xFFFFF086;
	s6 =	sadd.s32 @!p0 s3, s7;
	s7 =	simm.s32 @!p0 $0x108  }
0x21: {  	s3 =	sadd.s32 s3, s9;
	s6 =	sadd.s32 @!p0 $0x88, s6;
	s7 =	simm.s32 @p2 $0x1082  }
0x22: {  	[simem:s7], [sflag:s8] =	dma.local @!p0 [hbm:s6], $0xF7A  }
0x23: {  	s9 =	sor.u32 $0xD0000000, s2;
	s6 =	simm.s32 $0x108;
	_ =	swait.ge @!p0 [sflag:s8], $0x0  }
0x24: {  	s3 =	sadd.s32 $0x88, s3;
	s6 =	simm.s32 @!p1 $0x1082;
	[sflag:s4] =	ssyncset.s32 $0xFFFFF086  }
0x25: {  	[simem:s6], [sflag:s4] =	dma.local [hbm:s3], $0xF7A  }
0x26: {  	[smem:$0x3F93] =	sst s1;
	(tag) =	ssettag s2;
	_ =	strace s9  }
0x27: {  	s1 =	sld [smem:$0x3FA3]  }
0x28: {  	s2 =	sld [smem:$0x3FA4]  }
0x29: {  	s4 =	sld [smem:$0x3FA6]  }
0x2a: {  	p0 =	seq.s32 s5, $0x0;
	s5 =	sld [smem:$0x3FA7]  }
0x2b: {  	s6 =	sld [smem:$0x3FA8]  }
0x2c: {  	s7 =	sld [smem:$0x3FA9]  }
0x2d: {  	s3 =	simm.s32 $0x108;
	s8 =	sld [smem:$0x3FAA]  }
0x2e: {  	s3 =	simm.s32 @!p0 $0x1082;
	s9 =	sld [smem:$0x3FAB]  }
0x2f: {  	lr =	sadd.s32 s0, s3;
	s0 =	sld [smem:$0x3FA2]  }
0x30: {  	s3 =	sld [smem:$0x3FA5]  }
0x31: {  	[smem:$0x3FAE] =	sst s10  }
0x32: {  	s10 =	sld [smem:$0x3FAC];
	_ =	sdelay $0x3  }
0x33: {  	p0 =	seq.s32 s10, $0x1;
	s10 =	sld [smem:$0x3FAE];
	_ =	sdelay $0x3  }
0x34: {  	[smem:$0x3FAE] =	sst s10  }
0x35: {  	s10 =	sld [smem:$0x3FAD];
	_ =	sdelay $0x3  }
0x36: {  	p1 =	seq.s32 s10, $0x1;
	s10 =	sld [smem:$0x3FAE];
	_ =	sdelay $0x3  }
0x37: {  	[smem:$0x3FAE] =	sst s10  }
0x38: {  	s10 =	sld [smem:$0x3FAF]  }
0x39: {  	_ = 	snop;
	(pc) =	sbr.ind lr, $3  }
0x3a: {  	_ = 	snop  }
0x3b: {  	_ = 	snop  }
0x3c: {  	p2 =	seq.s32 s10, $0x1;
	s10 =	sld [smem:$0x3FAE]  }
0x3d: {  	_ =	shalt  }
0x3e: {  	_ =	shalt  }
0x3f: {  	_ =	shalt  }
0x40: {  	_ =	shalt  }
0x41: {  	_ =	shalt  }
0x42: {  	_ =	shalt  }
0x43: {  	_ =	shalt  }
0x44: {  	_ =	shalt  }
0x45: {  	_ =	shalt  }
0x46: {  	_ =	shalt  }
0x47: {  	_ =	shalt  }
0x48: {  	_ =	shalt  }
0x49: {  	_ =	shalt  }
0x4a: {  	_ =	shalt  }
0x4b: {  	_ =	shalt  }
0x4c: {  	_ =	shalt  }
0x4d: {  	_ =	shalt  }
0x4e: {  	_ =	shalt  }
0x4f: {  	_ =	shalt  }
0x50: {  	_ =	shalt  }
0x51: {  	_ =	shalt  }
0x52: {  	_ =	shalt  }
0x53: {  	_ =	shalt  }
0x54: {  	_ =	shalt  }
0x55: {  	_ =	shalt  }
0x56: {  	_ =	shalt  }
0x57: {  	_ =	shalt  }
0x58: {  	_ =	shalt  }
0x59: {  	_ =	shalt  }
0x5a: {  	_ =	shalt  }
0x5b: {  	_ =	shalt  }
0x5c: {  	_ =	shalt  }
0x5d: {  	_ =	shalt  }
0x5e: {  	_ =	shalt  }
0x5f: {  	_ =	shalt  }
0x60: {  	_ =	shalt  }
0x61: {  	_ =	shalt  }
0x62: {  	_ =	shalt  }
0x63: {  	_ =	shalt  }
0x64: {  	_ =	shalt  }
0x65: {  	_ =	shalt  }
0x66: {  	_ =	shalt  }
0x67: {  	_ =	shalt  }
0x68: {  	_ =	shalt  }
0x69: {  	_ =	shalt  }
0x6a: {  	_ =	shalt  }
0x6b: {  	_ =	shalt  }
0x6c: {  	_ =	shalt  }
0x6d: {  	_ =	shalt  }
0x6e: {  	_ =	shalt  }
0x6f: {  	_ =	shalt  }
0x70: {  	_ =	shalt  }
0x71: {  	_ =	shalt  }
0x72: {  	_ =	shalt  }
0x73: {  	_ =	shalt  }
0x74: {  	_ =	shalt  }
0x75: {  	_ =	shalt  }
0x76: {  	_ =	shalt  }
0x77: {  	_ =	shalt  }
0x78: {  	_ =	shalt  }
0x79: {  	_ =	shalt  }
0x7a: {  	_ =	shalt  }
0x7b: {  	_ =	shalt  }
0x7c: {  	_ =	shalt  }
0x7d: {  	_ =	shalt  }
0x7e: {  	_ =	shalt  }
0x7f: {  	_ =	shalt  }
0x80: {  	_ =	shalt  }
0x81: {  	_ =	shalt  }
0x82: {  	_ =	shalt  }
0x83: {  	_ =	shalt  }
0x84: {  	_ =	shalt  }
0x85: {  	_ =	shalt  }
0x86: {  	_ =	shalt  }
0x87: {  	_ =	shalt  }
.Lfunc_end0:
.L_simem_size_0:
called_computation.2_lowered:
.L_overlay_start_0:
0x88: {  	s2 =	sld [smem:$0x3FD9]  }
0x89: {  	s3 =	sld [smem:$0x3FFE];
	_ =	sdelay $0x1  }
0x8a: {  	s1 =	srdreg.scid  }
0x8b: {  	s0 =	sand.u32 $0x1, s1  }
0x8c: {  	s17 =	sshll.u32 s0, $0xA;
	s2 =	sadd.s32 s3, s2  }
0x8d: {  	s2 =	sadd.s32 s2, s17  }
0x8e: {  	[smem:$0x3FBA] =	sst s2  }
0x8f: {  	_ = 	snop  }
0x90: {  	s2 =	sld [smem:$0x3FD0];
	(tm) =	ssettm $0x1  }
0x91: {  	s18 =	sld [smem:$0x3FFB];
	_ =	sdelay $0x3  }
0x92: {  	_ =	strace s18  }
0x93: {  	s3 =	sld [smem:$0x3FFC];
	_ =	sdelay $0x3  }
0x94: {  	_ =	strace s3  }
0x95: {  	s3 =	sld [smem:$0x3FFD];
	_ =	sdelay $0x3  }
0x96: {  	_ =	strace s3  }
0x97: {  	_ =	strace $0x8FFFFFFF  }
0x98: {  	s19 =	sld [smem:$0x3FDB];
	_ =	sdelay $0x1  }
0x99: {  	s4 =	simm.s32 $_scs_section_size  }
0x9a: {  	s5 =	simm.s32 $_size__tile_overlayer_lowered;
	s6 =	simm.s32 $_tile_overlayer_lowered  }
0x9b: {  	s22 =	simm.s32 $0x1BFF;
	s21 =	sshll.u32 s6, $0x1;
	s3 =	sadd.s32 s4, s19  }
0x9c: {  	s7 =	simm.s32 $0x0;
	s20 =	sshll.u32 s5, $0x1;
	s5 =	sadd.s32 s21, s3  }
0x9d: {  	[timem:s7], [sflag:s22] =	dma.local [hbm:s5], s20  }
0x9e: {  	_ =	swait.ge [sflag:s22], s20  }
0x9f: {  	s4 =	ssub.s32 $0x0, s20;
	[sflag:s22] =	ssyncset.done $0x0  }
0xa0: {  	[sflag:s22] =	ssyncadd.s32 s4;
	_ =	sdelay $0x1  }
0xa1: {  	s23 =	simm.s32 $0x1B8B  }
0xa2: {  	_ =	swait.ge [sflag:s23], $0x1  }
0xa3: {  	[sflag:s23] =	ssyncset.done $0x0  }
0xa4: {  	s25 =	simm.s32 $0x1B8E;
	s24 =	sld [smem:$0x3FFE];
	[sflag:s23] =	ssyncadd.s32 $0xFFFFFFFF  }
0xa5: {  	s26 =	simm.s32 $execute0_lowered;
	[smem:$0x3FD2] =	sst s25  }
0xa6: {  	s5 =	sshll.u32 s26, $0x1;
	_ =	strace $0x8000004C;
	[dreg:$0x1] =	wrdreg $0xFFFFFFFF  }
0xa7: {  	s28 =	simm.s32 $_size_execute0_lowered;
	s3 =	sadd.s32 s3, s5;
	[dreg:$0x0] =	wrdreg $0x0  }
0xa8: {  	s5 =	sshll.u32 s28, $0x1;
	[dreg:$0x2] =	wrdreg s3  }
0xa9: {  	[dreg:$0x3] =	wrdreg s5  }
0xaa: {  	[dreg:$0x4] =	wrdreg $0xC0  }
0xab: {  	_ =	task [dreg:s7], $0x5FFFF  }
0xac: {  	[dreg:$0x1] =	wrdreg $0xFFFFFFFF  }
0xad: {  	[dreg:$0x0] =	wrdreg $0x60  }
0xae: {  	[dreg:$0x2] =	wrdreg s24  }
0xaf: {  	[dreg:$0x3] =	wrdreg s2  }
0xb0: {  	[dreg:$0x4] =	wrdreg $0x88000  }
0xb1: {  	[dreg:$0x5] =	wrdreg $0x9  }
0xb2: {  	_ =	task.clear_ibuf [dreg:s7], $0x6FFFF;
	_ =	strace $0x9000004C  }
0xb3: {  	s29 =	simm.s32 $0x9;
	_ =	strace $0x8000004E  }
0xb4: {  	_ =	swait.ge [sflag:s29], $0x1  }
0xb5: {  	[sflag:s29] =	ssyncadd.s32 $0xFFFFFFFF  }
0xb6: {  	_ =	strace $0x9000004E  }
0xb7: {  	_ =	sfence  }
0xb8: {  	s30 =	sld [smem:$0x0];
	_ =	sdelay $0x2  }
0xb9: {  	s31 =	sshll.u32 s1, $0xD;
	s1 =	sshrl.u32 s1, $0x2  }
0xba: {  	s3 =	sand.u32 $0x4000, s31;
	s1 =	sadd.s32 s1, s30  }
0xbb: {  	s0 =	sor.u32 s3, s0;
	s1 =	sshll.u32 s1, $0x11  }
0xbc: {  	s0 =	sor.u32 s1, s0  }
0xbd: {  	s0 =	sadd.s32 $0x8F2B, s0  }
0xbe: {  	[sflag:s0] =	ssyncadd.remote.s32 $0x1  }
0xbf: {  	_ =	sfence.sel $0xFFFF  }
0xc0: {  	[dreg:$0x0] =	wrdreg $0xFFFFFFFF;
	(pc) =	sbr.abs _section_cstart, $3  }
0xc1: {  	[dreg:$0x1] =	wrdreg $0xFFFFFFFF  }
0xc2: {  	_ =	task.clear_ibuf [dreg:s7], $0x2FFFF;
	_ =	strace $0x9FFFFFFF  }
0xc3: {  	(tm) =	ssettm $0x7FFFFFFF  }
tec
execute0_lowered:
.L_overlay_start_1:
0x0: {  	(tag) =	ssettag $0x1  }
0x1: {  	s0 =	rddreg [dreg:$0x0]  }
0x2: {  	s1 =	rddreg [dreg:$0x1]  }
0x3: {  	s2 =	rddreg [dreg:$0x2];
	s12 =	stileid.u32;
	s3 =	simm.s32 $0x0  }
0x4: {  	s4 =	srdreg.scid;
	s13 =	simm.s32 $0x5;
	s28 =	simm.s32 $0x100  }
0x5: {  	s29 =	simm.s32 $0x2;
	s30 =	simm.s32 $0x480;
	s5 =	smul.u32 $0x50, s12  }
0x6: {  	s31 =	simm.s32 $0x4;
	[smem:$0x7FF] =	sst s3;
	s9 =	smul.u32 $0x278, s12  }
0x7: {  	s6 =	sand.u32 $0x1, s4;
	s4 =	sadd.s32 $0x16C00, s0;
	s14 =	smul.u32 $0x4F000, s12  }
0x8: {  	p0 =	seq.s32 s6, $0x0;
	s8 =	smul.u32 $0x27800, s6;
	s6 =	ssub.s32 $0x2, s6  }
0x9: {  	_ =	strace $0x8000004D;
	s7 =	sadd.s32 $0x500, s5;
	s15 =	sshrl.u32 s6, $0x1  }
0xa: {  	s11 =	sadd.s32 $0x200, s9;
	s19 =	sadd.s32 $0x80, s9;
	s25 =	sadd.s32 $0x100, s9  }
0xb: {  	s9 =	sadd.s32 $0x180, s9;
	s7 =	smov.u32 @p0 s5;
	s5 =	sshrl.u32 s14, $0x2  }
0xc: {  	s6 =	ssub.s32 s6, s15;
	s16 =	sshll.u32 s11, $0x7;
	s22 =	sshll.u32 s19, $0x7  }
0xd: {  	s26 =	sshll.u32 s25, $0x7;
	s14 =	simm.s32 $0x400;
	s15 =	simm.s32 $0x80  }
0xe: {  	s7 =	sshll.u32 s7, $0x4;
	s23 =	sadd.s32 s5, s2;
	s17 =	sadd.s32 s16, s2  }
0xf: {  	s18 =	smax.u32 s6, $0x1;
	s6 =	sshll.u32 s19, $0x4;
	s19 =	sadd.s32 s26, s2  }
0x10: {  	s5 =	sshll.u32 s9, $0x7;
	s9 =	sshll.u32 s9, $0x4;
	s16 =	simm.s32 $0x4800  }
0x11: {  	s10 =	sadd.s32 s7, s0;
	s0 =	sadd.s32 s8, s0;
	[dreg:$0x6] =	wrdreg s17  }
0x12: {  	s8 =	sshll.u32 s11, $0x4;
	s17 =	smul.u32 $0x2780, s12;
	[dreg:$0x7] =	wrdreg s18  }
0x13: {  	s20 =	sadd.s32 $0x4000, s23;
	s21 =	sadd.s32 $0x8000, s23;
	s24 =	sadd.s32 $0xC000, s23  }
0x14: {  	s18 =	sadd.s32 s22, s2;
	s11 =	sadd.s32 s7, s1;
	[dreg:$0x5] =	wrdreg s23  }
0x15: {  	s12 =	simm.s32 $0x800;
	s1 =	simm.s32 $0x500;
	[dreg:$0x8] =	wrdreg s20  }
0x16: {  	s7 =	simm.s32 $0x200;
	s0 =	sadd.s32 $0x3E400, s0;
	[dreg:$0x9] =	wrdreg s21  }
0x17: {  	[dreg:$0xa] =	wrdreg s24;
	s20 =	sshll.u32 s25, $0x4;
	s10 =	sadd.s32 $0xCC00, s10  }
0x18: {  	s21 =	sadd.s32 s5, s2;
	s24 =	sshrl.u32 s18, $0x3;
	[dreg:$0x4] =	wrdreg s10  }
0x19: {  	s25 =	sshrl.u32 s19, $0x3;
	s18 =	simm.s32 $0x680;
	[dreg:$0x10] =	wrdreg s24  }
0x1a: {  	s19 =	simm.s32 $0x380;
	s10 =	sadd.s32 s17, s0;
	[dreg:$0x11] =	wrdreg s25  }
0x1b: {  	s17 =	sadd.s32 s6, s0;
	s20 =	sadd.s32 s20, s0;
	[dreg:$0xb] =	wrdreg s10  }
0x1c: {  	s22 =	sadd.s32 s9, s0;
	s0 =	sadd.s32 s8, s0;
	[dreg:$0xc] =	wrdreg s17  }
0x1d: {  	s26 =	sshrl.u32 s21, $0x3;
	s8 =	simm.s32 $0x580;
	[dreg:$0xd] =	wrdreg s20  }
0x1e: {  	s9 =	simm.s32 $0x280;
	s21 =	simm.s32 $0x780;
	[dreg:$0xe] =	wrdreg s22  }
0x1f: {  	s6 =	simm.s32 $0x0;
	[dreg:$0xf] =	wrdreg s0;
	s22 =	simm.s32 $0x1  }
0x20: {  	[dreg:$0x12] =	wrdreg s26;
	s26 =	simm.s32 $0x3;
	s0 =	simm.s32 $0x180  }
0x21: {  	v0 =	vimm.f32 $0.0e+00;
	s10 =	simm.s32 $0x600;
	s17 =	simm.s32 $0x300;
	s20 =	simm.s32 $0x700  }
.LBB2_1:
0x22: {  	[dreg:$0x13] =	wrdreg s6;
	s24 =	simm.s32 $0x0;
	s25 =	simm.s32 $0x200  }
.LBB2_2:
0x23: {  	p0 =	sne.s32 s25, $0xFE00;
	[tilespmem:s24+$0x870] =	vst v0  }
0x24: {  	[tilespmem:s24+$0x800] =	vst v0  }
0x25: {  	[tilespmem:s24+$0x810] =	vst v0  }
.Ltmp0:
0x26: {  	[tilespmem:s24+$0x820] =	vst v0;
	(pc) =	sbr.rel @p0 .LBB2_2-.Ltmp0, $4  }
0x27: {  	[tilespmem:s24+$0x830] =	vst v0  }
0x28: {  	[tilespmem:s24+$0x840] =	vst v0  }
0x29: {  	[tilespmem:s24+$0x850] =	vst v0  }
0x2a: {  	[tilespmem:s24+$0x860] =	vst v0;
	s24 =	sshra.s32 s25, $0x2;
	s25 =	sadd.s32 $0x200, s25  }
0x2b: {  	[tilespmem:s24+$0x870] =	vst v0  }
0x2c: {  	[tilespmem:s24+$0x800] =	vst v0  }
0x2d: {  	[tilespmem:s24+$0x810] =	vst v0  }
0x2e: {  	[tilespmem:s24+$0x820] =	vst v0  }
0x2f: {  	[tilespmem:s24+$0x830] =	vst v0  }
0x30: {  	[tilespmem:s24+$0x840] =	vst v0  }
0x31: {  	[tilespmem:s24+$0x850] =	vst v0  }
0x32: {  	[tilespmem:s24+$0x860] =	vst v0  }
0x33: {  	[spmem:s23] =	stream.linear.scatter [tilespmem:s12], [sflag:$0x5], $0x4000, $0x38;
	[tilespmem:$0x1C400] =	vst v63  }
0x34: {  	_ =	swait.ge [sflag:s13], $0x4000  }
0x35: {  	[sflag:s13] =	ssyncset.done $0x0  }
0x36: {  	s5 =	rddreg [dreg:$0x8];
	[sflag:s13] =	ssyncadd.s32 $0xFFFFC000  }
0x37: {  	[spmem:s5] =	stream.linear.scatter [tilespmem:s12], [sflag:$0x5], $0x4000, $0x38;
	[tilespmem:$0x1C400] =	vst v63  }
0x38: {  	_ =	swait.ge [sflag:s13], $0x4000  }
0x39: {  	[sflag:s13] =	ssyncset.done $0x0  }
0x3a: {  	s6 =	rddreg [dreg:$0x9];
	[sflag:s13] =	ssyncadd.s32 $0xFFFFC000  }
0x3b: {  	[spmem:s6] =	stream.linear.scatter [tilespmem:s12], [sflag:$0x5], $0x4000, $0x38;
	[tilespmem:$0x1C400] =	vst v63  }
0x3c: {  	_ =	swait.ge [sflag:s13], $0x4000  }
0x3d: {  	[sflag:s13] =	ssyncset.done $0x0  }
0x3e: {  	s23 =	rddreg [dreg:$0xa];
	[sflag:s13] =	ssyncadd.s32 $0xFFFFC000  }
0x3f: {  	[spmem:s23] =	stream.linear.scatter [tilespmem:s12], [sflag:$0x5], $0x4000, $0x38;
	[tilespmem:$0x1C400] =	vst v63  }
0x40: {  	_ =	swait.ge [sflag:s13], $0x4000  }
0x41: {  	[sflag:s13] =	ssyncset.done $0x0  }
0x42: {  	s24 =	rddreg [dreg:$0x6];
	[sflag:s13] =	ssyncadd.s32 $0xFFFFC000  }
0x43: {  	[spmem:s24] =	stream.linear.scatter [tilespmem:s12], [sflag:$0x5], $0x3C00, $0x38;
	[tilespmem:$0x1C400] =	vst v63  }
0x44: {  	_ =	swait.ge [sflag:s13], $0x3C00  }
0x45: {  	[sflag:s13] =	ssyncset.done $0x0  }
0x46: {  	[sflag:s13] =	ssyncadd.s32 $0xFFFFC400  }
0x47: {  	s6 =	sadd.s32 $0x0, s11;
	[bflag:$0x0] =	sbarrier.arrive $0xFFFF  }
0x48: {  	[tilespmem:s3], [sflag:$0x5] =	stream.linear.gather [hbm4b:s6+s3], $0x400, $0x38;
	[tilespmem:$0x1C400] =	vst v63  }
0x49: {  	_ =	swait.ge [sflag:s13], $0x400  }
0x4a: {  	s25 =	rddreg [dreg:$0x4];
	[sflag:s13] =	ssyncset.done $0x0  }
0x4b: {  	[sflag:s13] =	ssyncadd.s32 $0xFFFFFC00;
	s6 =	sadd.s32 $0x0, s25  }
0x4c: {  	[tilespmem:s14], [sflag:$0x5] =	stream.linear.gather [hbm4b:s6+s3], $0x400, $0x38;
	[tilespmem:$0x1C400] =	vst v63  }
0x4d: {  	_ =	swait.ge [sflag:s13], $0x400  }
0x4e: {  	[sflag:s13] =	ssyncset.done $0x0  }
0x4f: {  	[sflag:s13] =	ssyncadd.s32 $0xFFFFFC00  }
0x50: {  	[tilespmem:s12], [sflag:$0x1] =	stream.indirect.gather [hbm4b:s4+s15], $0x80, s3, s15, $0xb8;
	[tilespmem:$0x1C400] =	vst v63  }
0x51: {  	_ = 	snop  }
0x52: {  	[tilespmem:s16], [sflag:$0x2] =	stream.indirect.gather [hbm4b:s4+s15], $0x80, s15, s15, $0xb8;
	[tilespmem:$0x1C400] =	vst v63  }
0x53: {  	_ =	swait.ge [sflag:s22], $0x4000  }
0x54: {  	[sflag:s22] =	ssyncset.done $0x0  }
0x55: {  	[sflag:s22] =	ssyncadd.s32 $0xFFFFC000  }
0x56: {  	[spmem:s2] =	stream.indirect.scatter.add.f32 [tilespmem:s12], [sflag:$0x3], $0x80, s14, s15, $0xb8;
	[tilespmem:$0x1C400] =	vst v63  }
0x57: {  	_ =	swait.ge [sflag:s26], $0x4000  }
0x58: {  	[sflag:s26] =	ssyncset.done $0x0  }
0x59: {  	[sflag:s26] =	ssyncadd.s32 $0xFFFFC000  }
0x5a: {  	[tilespmem:s12], [sflag:$0x1] =	stream.indirect.gather [hbm4b:s4+s15], $0x80, s28, s15, $0xb8;
	[tilespmem:$0x1C400] =	vst v63  }
0x5b: {  	_ =	swait.ge [sflag:s29], $0x4000  }
0x5c: {  	[sflag:s29] =	ssyncset.done $0x0  }
0x5d: {  	[sflag:s29] =	ssyncadd.s32 $0xFFFFC000  }
0x5e: {  	[spmem:s2] =	stream.indirect.scatter.add.f32 [tilespmem:s16], [sflag:$0x4], $0x80, s30, s15, $0xb8;
	[tilespmem:$0x1C400] =	vst v63  }
0x5f: {  	_ =	swait.ge [sflag:s31], $0x4000  }
0x60: {  	[sflag:s31] =	ssyncset.done $0x0  }
0x61: {  	[sflag:s31] =	ssyncadd.s32 $0xFFFFC000  }
0x62: {  	[tilespmem:s16], [sflag:$0x2] =	stream.indirect.gather [hbm4b:s4+s15], $0x80, s0, s15, $0xb8;
	[tilespmem:$0x1C400] =	vst v63  }
0x63: {  	_ =	swait.ge [sflag:s22], $0x4000  }
0x64: {  	[sflag:s22] =	ssyncset.done $0x0  }
0x65: {  	[sflag:s22] =	ssyncadd.s32 $0xFFFFC000  }
0x66: {  	[spmem:s2] =	stream.indirect.scatter.add.f32 [tilespmem:s12], [sflag:$0x3], $0x80, s1, s15, $0xb8;
	[tilespmem:$0x1C400] =	vst v63  }
0x67: {  	_ =	swait.ge [sflag:s26], $0x4000  }
0x68: {  	[sflag:s26] =	ssyncset.done $0x0  }
0x69: {  	[sflag:s26] =	ssyncadd.s32 $0xFFFFC000  }
0x6a: {  	[tilespmem:s12], [sflag:$0x1] =	stream.indirect.gather [hbm4b:s4+s15], $0x80, s7, s15, $0xb8;
	[tilespmem:$0x1C400] =	vst v63  }
0x6b: {  	_ =	swait.ge [sflag:s29], $0x4000  }
0x6c: {  	[sflag:s29] =	ssyncset.done $0x0  }
0x6d: {  	[sflag:s29] =	ssyncadd.s32 $0xFFFFC000  }
0x6e: {  	[spmem:s2] =	stream.indirect.scatter.add.f32 [tilespmem:s16], [sflag:$0x4], $0x80, s8, s15, $0xb8;
	[tilespmem:$0x1C400] =	vst v63  }
0x6f: {  	_ =	swait.ge [sflag:s31], $0x4000  }
0x70: {  	[sflag:s31] =	ssyncset.done $0x0  }
0x71: {  	[sflag:s31] =	ssyncadd.s32 $0xFFFFC000  }
0x72: {  	[tilespmem:s16], [sflag:$0x2] =	stream.indirect.gather [hbm4b:s4+s15], $0x80, s9, s15, $0xb8;
	[tilespmem:$0x1C400] =	vst v63  }
0x73: {  	_ =	swait.ge [sflag:s22], $0x4000  }
0x74: {  	[sflag:s22] =	ssyncset.done $0x0  }
0x75: {  	[sflag:s22] =	ssyncadd.s32 $0xFFFFC000  }
0x76: {  	[spmem:s2] =	stream.indirect.scatter.add.f32 [tilespmem:s12], [sflag:$0x3], $0x80, s10, s15, $0xb8;
	[tilespmem:$0x1C400] =	vst v63  }
0x77: {  	_ =	swait.ge [sflag:s26], $0x4000  }
0x78: {  	[sflag:s26] =	ssyncset.done $0x0  }
0x79: {  	[sflag:s26] =	ssyncadd.s32 $0xFFFFC000  }
0x7a: {  	[tilespmem:s12], [sflag:$0x1] =	stream.indirect.gather [hbm4b:s4+s15], $0x80, s17, s15, $0xb8;
	[tilespmem:$0x1C400] =	vst v63  }
0x7b: {  	_ =	swait.ge [sflag:s29], $0x4000  }
0x7c: {  	[sflag:s29] =	ssyncset.done $0x0  }
0x7d: {  	[sflag:s29] =	ssyncadd.s32 $0xFFFFC000  }
0x7e: {  	[spmem:s2] =	stream.indirect.scatter.add.f32 [tilespmem:s16], [sflag:$0x4], $0x80, s18, s15, $0xb8;
	[tilespmem:$0x1C400] =	vst v63  }
0x7f: {  	_ =	swait.ge [sflag:s31], $0x4000  }
0x80: {  	[sflag:s31] =	ssyncset.done $0x0  }
0x81: {  	[sflag:s31] =	ssyncadd.s32 $0xFFFFC000  }
0x82: {  	[tilespmem:s16], [sflag:$0x2] =	stream.indirect.gather [hbm4b:s4+s15], $0x80, s19, s15, $0xb8;
	[tilespmem:$0x1C400] =	vst v63  }
0x83: {  	_ =	swait.ge [sflag:s22], $0x4000  }
0x84: {  	[sflag:s22] =	ssyncset.done $0x0  }
0x85: {  	[sflag:s22] =	ssyncadd.s32 $0xFFFFC000  }
0x86: {  	[spmem:s2] =	stream.indirect.scatter.add.f32 [tilespmem:s12], [sflag:$0x3], $0x80, s20, s15, $0xb8;
	[tilespmem:$0x1C400] =	vst v63  }
0x87: {  	_ =	swait.ge [sflag:s29], $0x4000  }
0x88: {  	[sflag:s29] =	ssyncset.done $0x0  }
0x89: {  	[sflag:s29] =	ssyncadd.s32 $0xFFFFC000  }
0x8a: {  	[spmem:s2] =	stream.indirect.scatter.add.f32 [tilespmem:s16], [sflag:$0x4], $0x80, s21, s15, $0xb8;
	[tilespmem:$0x1C400] =	vst v63  }
0x8b: {  	_ =	swait.ge [sflag:s26], $0x4000  }
0x8c: {  	[sflag:s26] =	ssyncset.done $0x0  }
0x8d: {  	[sflag:s26] =	ssyncadd.s32 $0xFFFFC000  }
0x8e: {  	_ =	swait.ge [sflag:s31], $0x4000  }
0x8f: {  	s24 =	simm.s32 $0x80;
	s25 =	simm.s32 $0x100;
	[sflag:s31] =	ssyncset.done $0x0  }
.LBB2_4:
0x90: {  	s5 =	sadd.s32 s24, s11;
	[sflag:s31] =	ssyncadd.s32 $0xFFFFC000  }
0x91: {  	[tilespmem:s3], [sflag:$0x5] =	stream.linear.gather [hbm4b:s5+s3], $0x400, $0x38;
	[tilespmem:$0x1C400] =	vst v63  }
0x92: {  	s23 =	smov.u32 s25;
	s6 =	sadd.s32 $0x80, s25;
	_ =	swait.ge [sflag:s13], $0x400  }
0x93: {  	p0 =	sne.s32 s25, $0x480;
	s25 =	rddreg [dreg:$0x4];
	[sflag:s13] =	ssyncset.done $0x0  }
0x94: {  	[sflag:s13] =	ssyncadd.s32 $0xFFFFFC00;
	s5 =	sadd.s32 s24, s25  }
0x95: {  	[tilespmem:s14], [sflag:$0x5] =	stream.linear.gather [hbm4b:s5+s3], $0x400, $0x38;
	[tilespmem:$0x1C400] =	vst v63  }
0x96: {  	_ =	swait.ge [sflag:s13], $0x400  }
0x97: {  	[sflag:s13] =	ssyncset.done $0x0  }
0x98: {  	[sflag:s13] =	ssyncadd.s32 $0xFFFFFC00  }
0x99: {  	[tilespmem:s12], [sflag:$0x1] =	stream.indirect.gather [hbm4b:s4+s15], $0x80, s3, s15, $0xb8;
	[tilespmem:$0x1C400] =	vst v63  }
0x9a: {  	_ = 	snop  }
0x9b: {  	[tilespmem:s16], [sflag:$0x2] =	stream.indirect.gather [hbm4b:s4+s15], $0x80, s15, s15, $0xb8;
	[tilespmem:$0x1C400] =	vst v63  }
0x9c: {  	_ =	swait.ge [sflag:s22], $0x4000  }
0x9d: {  	[sflag:s22] =	ssyncset.done $0x0  }
0x9e: {  	[sflag:s22] =	ssyncadd.s32 $0xFFFFC000  }
0x9f: {  	[spmem:s2] =	stream.indirect.scatter.add.f32 [tilespmem:s12], [sflag:$0x3], $0x80, s14, s15, $0xb8;
	[tilespmem:$0x1C400] =	vst v63  }
0xa0: {  	_ =	swait.ge [sflag:s26], $0x4000  }
0xa1: {  	[sflag:s26] =	ssyncset.done $0x0  }
0xa2: {  	[sflag:s26] =	ssyncadd.s32 $0xFFFFC000  }
0xa3: {  	[tilespmem:s12], [sflag:$0x1] =	stream.indirect.gather [hbm4b:s4+s15], $0x80, s28, s15, $0xb8;
	[tilespmem:$0x1C400] =	vst v63  }
0xa4: {  	_ =	swait.ge [sflag:s29], $0x4000  }
0xa5: {  	[sflag:s29] =	ssyncset.done $0x0  }
0xa6: {  	[sflag:s29] =	ssyncadd.s32 $0xFFFFC000  }
0xa7: {  	[spmem:s2] =	stream.indirect.scatter.add.f32 [tilespmem:s16], [sflag:$0x4], $0x80, s30, s15, $0xb8;
	[tilespmem:$0x1C400] =	vst v63  }
0xa8: {  	_ =	swait.ge [sflag:s31], $0x4000  }
0xa9: {  	[sflag:s31] =	ssyncset.done $0x0  }
0xaa: {  	[sflag:s31] =	ssyncadd.s32 $0xFFFFC000  }
0xab: {  	[tilespmem:s16], [sflag:$0x2] =	stream.indirect.gather [hbm4b:s4+s15], $0x80, s0, s15, $0xb8;
	[tilespmem:$0x1C400] =	vst v63  }
0xac: {  	_ =	swait.ge [sflag:s22], $0x4000  }
0xad: {  	[sflag:s22] =	ssyncset.done $0x0  }
0xae: {  	[sflag:s22] =	ssyncadd.s32 $0xFFFFC000  }
0xaf: {  	[spmem:s2] =	stream.indirect.scatter.add.f32 [tilespmem:s12], [sflag:$0x3], $0x80, s1, s15, $0xb8;
	[tilespmem:$0x1C400] =	vst v63  }
0xb0: {  	_ =	swait.ge [sflag:s26], $0x4000  }
0xb1: {  	[sflag:s26] =	ssyncset.done $0x0  }
0xb2: {  	[sflag:s26] =	ssyncadd.s32 $0xFFFFC000  }
0xb3: {  	[tilespmem:s12], [sflag:$0x1] =	stream.indirect.gather [hbm4b:s4+s15], $0x80, s7, s15, $0xb8;
	[tilespmem:$0x1C400] =	vst v63  }
0xb4: {  	_ =	swait.ge [sflag:s29], $0x4000  }
0xb5: {  	[sflag:s29] =	ssyncset.done $0x0  }
0xb6: {  	[sflag:s29] =	ssyncadd.s32 $0xFFFFC000  }
0xb7: {  	[spmem:s2] =	stream.indirect.scatter.add.f32 [tilespmem:s16], [sflag:$0x4], $0x80, s8, s15, $0xb8;
	[tilespmem:$0x1C400] =	vst v63  }
0xb8: {  	_ =	swait.ge [sflag:s31], $0x4000  }
0xb9: {  	[sflag:s31] =	ssyncset.done $0x0  }
0xba: {  	[sflag:s31] =	ssyncadd.s32 $0xFFFFC000  }
0xbb: {  	[tilespmem:s16], [sflag:$0x2] =	stream.indirect.gather [hbm4b:s4+s15], $0x80, s9, s15, $0xb8;
	[tilespmem:$0x1C400] =	vst v63  }
0xbc: {  	_ =	swait.ge [sflag:s22], $0x4000  }
0xbd: {  	[sflag:s22] =	ssyncset.done $0x0  }
0xbe: {  	[sflag:s22] =	ssyncadd.s32 $0xFFFFC000  }
0xbf: {  	[spmem:s2] =	stream.indirect.scatter.add.f32 [tilespmem:s12], [sflag:$0x3], $0x80, s10, s15, $0xb8;
	[tilespmem:$0x1C400] =	vst v63  }
0xc0: {  	_ =	swait.ge [sflag:s26], $0x4000  }
0xc1: {  	[sflag:s26] =	ssyncset.done $0x0  }
0xc2: {  	[sflag:s26] =	ssyncadd.s32 $0xFFFFC000  }
0xc3: {  	[tilespmem:s12], [sflag:$0x1] =	stream.indirect.gather [hbm4b:s4+s15], $0x80, s17, s15, $0xb8;
	[tilespmem:$0x1C400] =	vst v63  }
0xc4: {  	_ =	swait.ge [sflag:s29], $0x4000  }
0xc5: {  	[sflag:s29] =	ssyncset.done $0x0  }
0xc6: {  	[sflag:s29] =	ssyncadd.s32 $0xFFFFC000  }
0xc7: {  	[spmem:s2] =	stream.indirect.scatter.add.f32 [tilespmem:s16], [sflag:$0x4], $0x80, s18, s15, $0xb8;
	[tilespmem:$0x1C400] =	vst v63  }
0xc8: {  	_ =	swait.ge [sflag:s31], $0x4000  }
0xc9: {  	[sflag:s31] =	ssyncset.done $0x0  }
0xca: {  	[sflag:s31] =	ssyncadd.s32 $0xFFFFC000  }
0xcb: {  	[tilespmem:s16], [sflag:$0x2] =	stream.indirect.gather [hbm4b:s4+s15], $0x80, s19, s15, $0xb8;
	[tilespmem:$0x1C400] =	vst v63  }
0xcc: {  	_ =	swait.ge [sflag:s22], $0x4000  }
0xcd: {  	[sflag:s22] =	ssyncset.done $0x0  }
0xce: {  	[sflag:s22] =	ssyncadd.s32 $0xFFFFC000  }
0xcf: {  	[spmem:s2] =	stream.indirect.scatter.add.f32 [tilespmem:s12], [sflag:$0x3], $0x80, s20, s15, $0xb8;
	[tilespmem:$0x1C400] =	vst v63  }
0xd0: {  	_ =	swait.ge [sflag:s29], $0x4000  }
0xd1: {  	[sflag:s29] =	ssyncset.done $0x0  }
0xd2: {  	[sflag:s29] =	ssyncadd.s32 $0xFFFFC000  }
0xd3: {  	[spmem:s2] =	stream.indirect.scatter.add.f32 [tilespmem:s16], [sflag:$0x4], $0x80, s21, s15, $0xb8;
	[tilespmem:$0x1C400] =	vst v63  }
.Ltmp1:
0xd4: {  	_ =	swait.ge [sflag:s26], $0x4000;
	(pc) =	sbr.rel @p0 .LBB2_4-.Ltmp1, $4  }
0xd5: {  	[sflag:s26] =	ssyncset.done $0x0  }
0xd6: {  	[sflag:s26] =	ssyncadd.s32 $0xFFFFC000  }
0xd7: {  	_ =	swait.ge [sflag:s31], $0x4000  }
0xd8: {  	s24 =	smov.u32 s23;
	s25 =	smov.u32 s6;
	[sflag:s31] =	ssyncset.done $0x0  }
0xd9: {  	s5 =	sadd.s32 s24, s11;
	[sflag:s31] =	ssyncadd.s32 $0xFFFFC000  }
0xda: {  	[tilespmem:s3], [sflag:$0x5] =	stream.linear.gather [hbm4b:s5+s3], $0x400, $0x38;
	[tilespmem:$0x1C400] =	vst v63  }
0xdb: {  	_ =	swait.ge [sflag:s13], $0x400  }
0xdc: {  	s23 =	rddreg [dreg:$0x4];
	[sflag:s13] =	ssyncset.done $0x0  }
0xdd: {  	[sflag:s13] =	ssyncadd.s32 $0xFFFFFC00;
	s5 =	sadd.s32 s24, s23  }
0xde: {  	[tilespmem:s14], [sflag:$0x5] =	stream.linear.gather [hbm4b:s5+s3], $0x400, $0x38;
	[tilespmem:$0x1C400] =	vst v63  }
0xdf: {  	_ =	swait.ge [sflag:s13], $0x400  }
0xe0: {  	[sflag:s13] =	ssyncset.done $0x0  }
0xe1: {  	[sflag:s13] =	ssyncadd.s32 $0xFFFFFC00  }
0xe2: {  	[tilespmem:s12], [sflag:$0x1] =	stream.indirect.gather [hbm4b:s4+s15], $0x80, s3, s15, $0xb8;
	[tilespmem:$0x1C400] =	vst v63  }
0xe3: {  	_ = 	snop  }
0xe4: {  	[tilespmem:s16], [sflag:$0x2] =	stream.indirect.gather [hbm4b:s4+s15], $0x80, s15, s15, $0xb8;
	[tilespmem:$0x1C400] =	vst v63  }
0xe5: {  	_ =	swait.ge [sflag:s22], $0x4000  }
0xe6: {  	[sflag:s22] =	ssyncset.done $0x0  }
0xe7: {  	[sflag:s22] =	ssyncadd.s32 $0xFFFFC000  }
0xe8: {  	[spmem:s2] =	stream.indirect.scatter.add.f32 [tilespmem:s12], [sflag:$0x3], $0x80, s14, s15, $0xb8;
	[tilespmem:$0x1C400] =	vst v63  }
0xe9: {  	_ =	swait.ge [sflag:s26], $0x4000  }
0xea: {  	[sflag:s26] =	ssyncset.done $0x0  }
0xeb: {  	[sflag:s26] =	ssyncadd.s32 $0xFFFFC000  }
0xec: {  	[tilespmem:s12], [sflag:$0x1] =	stream.indirect.gather [hbm4b:s4+s15], $0x80, s28, s15, $0xb8;
	[tilespmem:$0x1C400] =	vst v63  }
0xed: {  	_ =	swait.ge [sflag:s29], $0x4000  }
0xee: {  	[sflag:s29] =	ssyncset.done $0x0  }
0xef: {  	[sflag:s29] =	ssyncadd.s32 $0xFFFFC000  }
0xf0: {  	[spmem:s2] =	stream.indirect.scatter.add.f32 [tilespmem:s16], [sflag:$0x4], $0x80, s30, s15, $0xb8;
	[tilespmem:$0x1C400] =	vst v63  }
0xf1: {  	_ =	swait.ge [sflag:s31], $0x4000  }
0xf2: {  	[sflag:s31] =	ssyncset.done $0x0  }
0xf3: {  	[sflag:s31] =	ssyncadd.s32 $0xFFFFC000  }
0xf4: {  	[tilespmem:s16], [sflag:$0x2] =	stream.indirect.gather [hbm4b:s4+s15], $0x80, s0, s15, $0xb8;
	[tilespmem:$0x1C400] =	vst v63  }
0xf5: {  	_ =	swait.ge [sflag:s22], $0x4000  }
0xf6: {  	[sflag:s22] =	ssyncset.done $0x0  }
0xf7: {  	[sflag:s22] =	ssyncadd.s32 $0xFFFFC000  }
0xf8: {  	[spmem:s2] =	stream.indirect.scatter.add.f32 [tilespmem:s12], [sflag:$0x3], $0x80, s1, s15, $0xb8;
	[tilespmem:$0x1C400] =	vst v63  }
0xf9: {  	_ =	swait.ge [sflag:s26], $0x4000  }
0xfa: {  	[sflag:s26] =	ssyncset.done $0x0  }
0xfb: {  	[sflag:s26] =	ssyncadd.s32 $0xFFFFC000  }
0xfc: {  	[tilespmem:s12], [sflag:$0x1] =	stream.indirect.gather [hbm4b:s4+s15], $0x80, s7, s15, $0xb8;
	[tilespmem:$0x1C400] =	vst v63  }
0xfd: {  	_ =	swait.ge [sflag:s29], $0x4000  }
0xfe: {  	[sflag:s29] =	ssyncset.done $0x0  }
0xff: {  	[sflag:s29] =	ssyncadd.s32 $0xFFFFC000  }
0x100: {  	[spmem:s2] =	stream.indirect.scatter.add.f32 [tilespmem:s16], [sflag:$0x4], $0x80, s8, s15, $0xb8;
	[tilespmem:$0x1C400] =	vst v63  }
0x101: {  	_ =	swait.ge [sflag:s31], $0x4000  }
0x102: {  	[sflag:s31] =	ssyncset.done $0x0  }
0x103: {  	[sflag:s31] =	ssyncadd.s32 $0xFFFFC000  }
0x104: {  	[tilespmem:s16], [sflag:$0x2] =	stream.indirect.gather [hbm4b:s4+s15], $0x80, s9, s15, $0xb8;
	[tilespmem:$0x1C400] =	vst v63  }
0x105: {  	_ =	swait.ge [sflag:s22], $0x4000  }
0x106: {  	[sflag:s22] =	ssyncset.done $0x0  }
0x107: {  	[sflag:s22] =	ssyncadd.s32 $0xFFFFC000  }
0x108: {  	[spmem:s2] =	stream.indirect.scatter.add.f32 [tilespmem:s12], [sflag:$0x3], $0x80, s10, s15, $0xb8;
	[tilespmem:$0x1C400] =	vst v63  }
0x109: {  	_ =	swait.ge [sflag:s26], $0x4000  }
0x10a: {  	[sflag:s26] =	ssyncset.done $0x0  }
0x10b: {  	[sflag:s26] =	ssyncadd.s32 $0xFFFFC000  }
0x10c: {  	[tilespmem:s12], [sflag:$0x1] =	stream.indirect.gather [hbm4b:s4+s15], $0x80, s17, s15, $0xb8;
	[tilespmem:$0x1C400] =	vst v63  }
0x10d: {  	_ =	swait.ge [sflag:s29], $0x4000  }
0x10e: {  	[sflag:s29] =	ssyncset.done $0x0  }
0x10f: {  	[sflag:s29] =	ssyncadd.s32 $0xFFFFC000  }
0x110: {  	[spmem:s2] =	stream.indirect.scatter.add.f32 [tilespmem:s16], [sflag:$0x4], $0x80, s18, s15, $0xb8;
	[tilespmem:$0x1C400] =	vst v63  }
0x111: {  	_ =	swait.ge [sflag:s31], $0x4000  }
0x112: {  	[sflag:s31] =	ssyncset.done $0x0  }
0x113: {  	[sflag:s31] =	ssyncadd.s32 $0xFFFFC000  }
0x114: {  	[tilespmem:s16], [sflag:$0x2] =	stream.indirect.gather [hbm4b:s4+s15], $0x80, s19, s15, $0xb8;
	[tilespmem:$0x1C400] =	vst v63  }
0x115: {  	_ =	swait.ge [sflag:s22], $0x4000  }
0x116: {  	[sflag:s22] =	ssyncset.done $0x0  }
0x117: {  	[sflag:s22] =	ssyncadd.s32 $0xFFFFC000  }
0x118: {  	[spmem:s2] =	stream.indirect.scatter.add.f32 [tilespmem:s12], [sflag:$0x3], $0x80, s20, s15, $0xb8;
	[tilespmem:$0x1C400] =	vst v63  }
0x119: {  	_ =	swait.ge [sflag:s29], $0x4000  }
0x11a: {  	[sflag:s29] =	ssyncset.done $0x0  }
0x11b: {  	[sflag:s29] =	ssyncadd.s32 $0xFFFFC000  }
0x11c: {  	[spmem:s2] =	stream.indirect.scatter.add.f32 [tilespmem:s16], [sflag:$0x4], $0x80, s21, s15, $0xb8;
	[tilespmem:$0x1C400] =	vst v63  }
0x11d: {  	_ =	swait.ge [sflag:s26], $0x4000  }
0x11e: {  	[sflag:s26] =	ssyncset.done $0x0  }
0x11f: {  	[sflag:s26] =	ssyncadd.s32 $0xFFFFC000  }
0x120: {  	_ =	swait.ge [sflag:s31], $0x4000  }
0x121: {  	[sflag:s31] =	ssyncset.done $0x0  }
0x122: {  	[sflag:s31] =	ssyncadd.s32 $0xFFFFC000  }
0x123: {  	s24 =	stileid.u32;
	[bflag:$0x0] =	sbarrier.arrive $0xFFFF  }
0x124: {  	s5 =	sshll.u32 s24, $0x6;
	s23 =	rddreg [dreg:$0x5]  }
0x125: {  	s5 =	sor.u32 $0x1C05, s5;
	s25 =	rddreg [dreg:$0xb];
	s6 =	sshrl.u32 s23, $0x3  }
0x126: {  	[hbm:s25], [sflag:s5] =	dma.local [spmem:s6], $0x800  }
0x127: {  	_ =	swait.ge [sflag:s13], $0x800  }
0x128: {  	[sflag:s13] =	ssyncset.done $0x0;
	s24 =	rddreg [dreg:$0xc]  }
0x129: {  	s25 =	rddreg [dreg:$0x10];
	[sflag:s13] =	ssyncadd.s32 $0xFFFFF800  }
0x12a: {  	[hbm:s24], [sflag:s5] =	dma.local [spmem:s25], $0x800  }
0x12b: {  	_ =	swait.ge [sflag:s13], $0x800  }
0x12c: {  	[sflag:s13] =	ssyncset.done $0x0;
	s24 =	rddreg [dreg:$0xd]  }
0x12d: {  	s25 =	rddreg [dreg:$0x11];
	[sflag:s13] =	ssyncadd.s32 $0xFFFFF800  }
0x12e: {  	[hbm:s24], [sflag:s5] =	dma.local [spmem:s25], $0x800  }
0x12f: {  	_ =	swait.ge [sflag:s13], $0x800  }
0x130: {  	[sflag:s13] =	ssyncset.done $0x0;
	s24 =	rddreg [dreg:$0xe]  }
0x131: {  	s25 =	rddreg [dreg:$0x12];
	[sflag:s13] =	ssyncadd.s32 $0xFFFFF800  }
0x132: {  	[hbm:s24], [sflag:s5] =	dma.local [spmem:s25], $0x800  }
0x133: {  	_ =	swait.ge [sflag:s13], $0x800  }
0x134: {  	[sflag:s13] =	ssyncset.done $0x0;
	s24 =	rddreg [dreg:$0x6]  }
0x135: {  	s25 =	rddreg [dreg:$0xf];
	[sflag:s13] =	ssyncadd.s32 $0xFFFFF800;
	s6 =	sshrl.u32 s24, $0x3  }
0x136: {  	[hbm:s25], [sflag:s5] =	dma.local [spmem:s6], $0x780  }
0x137: {  	_ =	swait.ge [sflag:s13], $0x780  }
0x138: {  	s24 =	rddreg [dreg:$0x13]  }
0x139: {  	s25 =	rddreg [dreg:$0x7];
	s6 =	sadd.s32 $0x1, s24  }
0x13a: {  	p0 =	sne.s32 s6, s25  }
.Ltmp2:
0x13b: {  	_ = 	snop;
	(pc) =	sbr.rel @p0 .LBB2_1-.Ltmp2, $3  }
0x13c: {  	_ =	sdelay $0x1  }
0x13d: {  	[sflag:s13] =	ssyncset.done $0x0  }
0x13e: {  	[sflag:s13] =	ssyncadd.s32 $0xFFFFF880  }
0x13f: {  	_ =	sfence.sel $0x180000  }
0x140: {  	[bflag:$0x0] =	sbarrier.arrive $0xFFFF  }
0x141: {  	_ =	strace $0x9000004D  }
0x142: {  	s0 =	stileid.u32;
	[bflag:$0x2] =	sbarrier.arrive $0xFFFF  }
0x143: {  	p0 =	sne.s32 s0, $0x0;
	s0 =	rddreg [dreg:$0x3]  }
0x144: {  	s0 =	sadd.s32 @!p0 $0x100000, s0  }
0x145: {  	[sflag:s0] =	ssyncadd.tile.s32 @!p0 $0x1;
	_ =	shalt  }
.Lfunc_end2:
_tile_overlayer_lowered:
.L_overlay_start_2:
0x146: {  	(tag) =	ssettag $0x2  }
0x147: {  	s0 =	rddreg [dreg:$0x0];
	s2 =	stileid.u32  }
0x148: {  	s1 =	rddreg [dreg:$0x1];
	p0 =	sne.s32 s2, $0x0  }
0x149: {  	s3 =	rddreg [dreg:$0x2];
	[bflag:$0x3] =	sbarrier.arrive $0xFFFF;
	s2 =	simm.s32 @!p0 $0x1C05  }
0x14a: {  	[timem:s3], [sflag:s2] =	dma.local @!p0 [hbm:s0], s1  }
0x14b: {  	s0 =	simm.s32 @!p0 $0x5  }
0x14c: {  	_ =	swait.ge @!p0 [sflag:s0], s1  }
0x14d: {  	s1 =	ssub.s32 @!p0 $0x0, s1;
	[sflag:s0] =	ssyncset.done @!p0 $0x0  }
0x14e: {  	[sflag:s0] =	ssyncadd.s32 @!p0 s1  }
0x14f: {  	[bflag:$0x3] =	sbarrier.arrive $0xFFFF  }
0x150: {  	_ =	shalt  }

// kernel: kernel.7.cloned.1.call-start
scs
__scs_entry_jumppad:
0x0: {  	(pc) =	sbr.rel $0x88, $3  }
0x1: {  	(tag) =	ssettag $0x0;
	lr =	simm.s32 $0x1  }
0x2: {  	[smem:$0x3F93] =	sst lr;
	_ =	strace $0xD0000000  }
0x3: {  	_ = 	snop  }
0x4: {  	_ = 	snop  }
0x5: {  	_ = 	snop  }
0x6: {  	_ = 	snop  }
0x7: {  	_ = 	snop  }
__scs_overlays_trampoline_lowered:
0x8: {  	[smem:$0x3FA2] =	sst s0  }
0x9: {  	[smem:$0x3FA3] =	sst s1  }
0xa: {  	[smem:$0x3FA4] =	sst s2  }
0xb: {  	[smem:$0x3FA5] =	sst s3  }
0xc: {  	[smem:$0x3FA6] =	sst s4  }
0xd: {  	[smem:$0x3FA7] =	sst s5  }
0xe: {  	[smem:$0x3FA8] =	sst s6  }
0xf: {  	[smem:$0x3FA9] =	sst s7  }
0x10: {  	[smem:$0x3FAA] =	sst s8  }
0x11: {  	[smem:$0x3FAB] =	sst s9;
	s0 =	simm.s32 @!p0 $0x0  }
0x12: {  	s1 =	sld [smem:$0x3F91];
	s0 =	simm.s32 @p0 $0x1  }
0x13: {  	[smem:$0x3FAC] =	sst s0;
	s0 =	simm.s32 @!p1 $0x0  }
0x14: {  	s2 =	sld [smem:$0x3F90];
	s0 =	simm.s32 @p1 $0x1  }
0x15: {  	[smem:$0x3FAD] =	sst s0;
	s0 =	simm.s32 @!p2 $0x0  }
0x16: {  	s3 =	sld [smem:$0x3FDB];
	s0 =	simm.s32 @p2 $0x1  }
0x17: {  	s4 =	simm.s32 $0x1BF5;
	[smem:$0x3FAF] =	sst s0  }
0x18: {  	s0 =	sld [smem:$0x3F92];
	_ =	swait.ge [sflag:s4], $0x0  }
0x19: {  	s7 =	sld [smem:$0x3F93]  }
0x1a: {  	s8 =	sadd.s32 $0xFFFFE003, lr  }
0x1b: {  	s9 =	sadd.s32 $0xFFFFFEF7, lr;
	s5 =	simm.s32 $0xFFFFFFFF;
	p2 =	slt.u32 s8, $0xFFFFF086  }
0x1c: {  	p1 =	slt.u32 s9, $0xF7A;
	s5 =	simm.s32 @!p2 $0x0  }
0x1d: {  	s5 =	simm.s32 @p1 $0x1;
	p0 =	seq.s32 s7, s2  }
0x1e: {  	s7 =	smul.u32 @!p0 $0xF7A, s2;
	p2 =	seq.s32 @!p0 s5, $0x0  }
0x1f: {  	s9 =	smul.u32 $0xF7A, s1;
	s8 =	simm.s32 @!p0 $0x1BF5;
	p2 =	por !p2, p0  }
0x20: {  	[sflag:s8] =	ssyncset.s32 @!p0 $0xFFFFF086;
	s6 =	sadd.s32 @!p0 s3, s7;
	s7 =	simm.s32 @!p0 $0x108  }
0x21: {  	s3 =	sadd.s32 s3, s9;
	s6 =	sadd.s32 @!p0 $0x88, s6;
	s7 =	simm.s32 @p2 $0x1082  }
0x22: {  	[simem:s7], [sflag:s8] =	dma.local @!p0 [hbm:s6], $0xF7A  }
0x23: {  	s9 =	sor.u32 $0xD0000000, s2;
	s6 =	simm.s32 $0x108;
	_ =	swait.ge @!p0 [sflag:s8], $0x0  }
0x24: {  	s3 =	sadd.s32 $0x88, s3;
	s6 =	simm.s32 @!p1 $0x1082;
	[sflag:s4] =	ssyncset.s32 $0xFFFFF086  }
0x25: {  	[simem:s6], [sflag:s4] =	dma.local [hbm:s3], $0xF7A  }
0x26: {  	[smem:$0x3F93] =	sst s1;
	(tag) =	ssettag s2;
	_ =	strace s9  }
0x27: {  	s1 =	sld [smem:$0x3FA3]  }
0x28: {  	s2 =	sld [smem:$0x3FA4]  }
0x29: {  	s4 =	sld [smem:$0x3FA6]  }
0x2a: {  	p0 =	seq.s32 s5, $0x0;
	s5 =	sld [smem:$0x3FA7]  }
0x2b: {  	s6 =	sld [smem:$0x3FA8]  }
0x2c: {  	s7 =	sld [smem:$0x3FA9]  }
0x2d: {  	s3 =	simm.s32 $0x108;
	s8 =	sld [smem:$0x3FAA]  }
0x2e: {  	s3 =	simm.s32 @!p0 $0x1082;
	s9 =	sld [smem:$0x3FAB]  }
0x2f: {  	lr =	sadd.s32 s0, s3;
	s0 =	sld [smem:$0x3FA2]  }
0x30: {  	s3 =	sld [smem:$0x3FA5]  }
0x31: {  	[smem:$0x3FAE] =	sst s10  }
0x32: {  	s10 =	sld [smem:$0x3FAC];
	_ =	sdelay $0x3  }
0x33: {  	p0 =	seq.s32 s10, $0x1;
	s10 =	sld [smem:$0x3FAE];
	_ =	sdelay $0x3  }
0x34: {  	[smem:$0x3FAE] =	sst s10  }
0x35: {  	s10 =	sld [smem:$0x3FAD];
	_ =	sdelay $0x3  }
0x36: {  	p1 =	seq.s32 s10, $0x1;
	s10 =	sld [smem:$0x3FAE];
	_ =	sdelay $0x3  }
0x37: {  	[smem:$0x3FAE] =	sst s10  }
0x38: {  	s10 =	sld [smem:$0x3FAF]  }
0x39: {  	_ = 	snop;
	(pc) =	sbr.ind lr, $3  }
0x3a: {  	_ = 	snop  }
0x3b: {  	_ = 	snop  }
0x3c: {  	p2 =	seq.s32 s10, $0x1;
	s10 =	sld [smem:$0x3FAE]  }
0x3d: {  	_ =	shalt  }
0x3e: {  	_ =	shalt  }
0x3f: {  	_ =	shalt  }
0x40: {  	_ =	shalt  }
0x41: {  	_ =	shalt  }
0x42: {  	_ =	shalt  }
0x43: {  	_ =	shalt  }
0x44: {  	_ =	shalt  }
0x45: {  	_ =	shalt  }
0x46: {  	_ =	shalt  }
0x47: {  	_ =	shalt  }
0x48: {  	_ =	shalt  }
0x49: {  	_ =	shalt  }
0x4a: {  	_ =	shalt  }
0x4b: {  	_ =	shalt  }
0x4c: {  	_ =	shalt  }
0x4d: {  	_ =	shalt  }
0x4e: {  	_ =	shalt  }
0x4f: {  	_ =	shalt  }
0x50: {  	_ =	shalt  }
0x51: {  	_ =	shalt  }
0x52: {  	_ =	shalt  }
0x53: {  	_ =	shalt  }
0x54: {  	_ =	shalt  }
0x55: {  	_ =	shalt  }
0x56: {  	_ =	shalt  }
0x57: {  	_ =	shalt  }
0x58: {  	_ =	shalt  }
0x59: {  	_ =	shalt  }
0x5a: {  	_ =	shalt  }
0x5b: {  	_ =	shalt  }
0x5c: {  	_ =	shalt  }
0x5d: {  	_ =	shalt  }
0x5e: {  	_ =	shalt  }
0x5f: {  	_ =	shalt  }
0x60: {  	_ =	shalt  }
0x61: {  	_ =	shalt  }
0x62: {  	_ =	shalt  }
0x63: {  	_ =	shalt  }
0x64: {  	_ =	shalt  }
0x65: {  	_ =	shalt  }
0x66: {  	_ =	shalt  }
0x67: {  	_ =	shalt  }
0x68: {  	_ =	shalt  }
0x69: {  	_ =	shalt  }
0x6a: {  	_ =	shalt  }
0x6b: {  	_ =	shalt  }
0x6c: {  	_ =	shalt  }
0x6d: {  	_ =	shalt  }
0x6e: {  	_ =	shalt  }
0x6f: {  	_ =	shalt  }
0x70: {  	_ =	shalt  }
0x71: {  	_ =	shalt  }
0x72: {  	_ =	shalt  }
0x73: {  	_ =	shalt  }
0x74: {  	_ =	shalt  }
0x75: {  	_ =	shalt  }
0x76: {  	_ =	shalt  }
0x77: {  	_ =	shalt  }
0x78: {  	_ =	shalt  }
0x79: {  	_ =	shalt  }
0x7a: {  	_ =	shalt  }
0x7b: {  	_ =	shalt  }
0x7c: {  	_ =	shalt  }
0x7d: {  	_ =	shalt  }
0x7e: {  	_ =	shalt  }
0x7f: {  	_ =	shalt  }
0x80: {  	_ =	shalt  }
0x81: {  	_ =	shalt  }
0x82: {  	_ =	shalt  }
0x83: {  	_ =	shalt  }
0x84: {  	_ =	shalt  }
0x85: {  	_ =	shalt  }
0x86: {  	_ =	shalt  }
0x87: {  	_ =	shalt  }
.Lfunc_end0:
.L_simem_size_0:
called_computation_lowered:
.L_overlay_start_0:
0x88: {  	s2 =	sld [smem:$0x3FD9]  }
0x89: {  	s3 =	sld [smem:$0x3FFE];
	_ =	sdelay $0x1  }
0x8a: {  	s1 =	srdreg.scid  }
0x8b: {  	s0 =	sand.u32 $0x1, s1  }
0x8c: {  	s16 =	sshll.u32 s0, $0xA;
	s2 =	sadd.s32 s3, s2  }
0x8d: {  	s2 =	sadd.s32 s2, s16  }
0x8e: {  	[smem:$0x3FBA] =	sst s2  }
0x8f: {  	_ = 	snop  }
0x90: {  	(tm) =	ssettm $0x1  }
0x91: {  	s17 =	sld [smem:$0x3FFB];
	_ =	sdelay $0x3  }
0x92: {  	_ =	strace s17  }
0x93: {  	s2 =	sld [smem:$0x3FFC];
	_ =	sdelay $0x3  }
0x94: {  	_ =	strace s2  }
0x95: {  	s2 =	sld [smem:$0x3FFD];
	_ =	sdelay $0x3  }
0x96: {  	_ =	strace s2  }
0x97: {  	_ =	strace $0x8FFFFFFF  }
0x98: {  	s18 =	sld [smem:$0x3FDB];
	_ =	sdelay $0x1  }
0x99: {  	s19 =	simm.s32 $_scs_section_size  }
0x9a: {  	s4 =	simm.s32 $_size__tile_overlayer_lowered;
	s5 =	simm.s32 $_tile_overlayer_lowered  }
0x9b: {  	s22 =	simm.s32 $0x1BFF;
	s21 =	sshll.u32 s5, $0x1;
	s2 =	sadd.s32 s19, s18  }
0x9c: {  	s6 =	simm.s32 $0x0;
	s20 =	sshll.u32 s4, $0x1;
	s4 =	sadd.s32 s21, s2  }
0x9d: {  	[timem:s6], [sflag:s22] =	dma.local [hbm:s4], s20  }
0x9e: {  	_ =	swait.ge [sflag:s22], s20  }
0x9f: {  	s3 =	ssub.s32 $0x0, s20;
	[sflag:s22] =	ssyncset.done $0x0  }
0xa0: {  	[sflag:s22] =	ssyncadd.s32 s3;
	_ =	sdelay $0x1  }
0xa1: {  	s23 =	simm.s32 $0x1B8B  }
0xa2: {  	_ =	swait.ge [sflag:s23], $0x1  }
0xa3: {  	[sflag:s23] =	ssyncset.done $0x0  }
0xa4: {  	s25 =	simm.s32 $0x1B8E;
	s24 =	sld [smem:$0x3FFE];
	[sflag:s23] =	ssyncadd.s32 $0xFFFFFFFF  }
0xa5: {  	s26 =	simm.s32 $execute0_lowered;
	[smem:$0x3FD2] =	sst s25  }
0xa6: {  	s4 =	sshll.u32 s26, $0x1;
	_ =	strace $0x80000046;
	[dreg:$0x1] =	wrdreg $0xFFFFFFFF  }
0xa7: {  	s28 =	simm.s32 $_size_execute0_lowered;
	s2 =	sadd.s32 s2, s4;
	[dreg:$0x0] =	wrdreg $0x0  }
0xa8: {  	s4 =	sshll.u32 s28, $0x1;
	[dreg:$0x2] =	wrdreg s2  }
0xa9: {  	[dreg:$0x3] =	wrdreg s4  }
0xaa: {  	[dreg:$0x4] =	wrdreg $0xC0  }
0xab: {  	_ =	task [dreg:s6], $0x5FFFF  }
0xac: {  	[dreg:$0x1] =	wrdreg $0xFFFFFFFF  }
0xad: {  	[dreg:$0x0] =	wrdreg $0x60  }
0xae: {  	[dreg:$0x2] =	wrdreg s24  }
0xaf: {  	[dreg:$0x3] =	wrdreg $0x2C800  }
0xb0: {  	[dreg:$0x4] =	wrdreg $0x9  }
0xb1: {  	_ =	task.clear_ibuf [dreg:s6], $0x5FFFF;
	_ =	strace $0x90000046  }
0xb2: {  	s29 =	simm.s32 $0x9;
	_ =	strace $0x80000048  }
0xb3: {  	_ =	swait.ge [sflag:s29], $0x1  }
0xb4: {  	[sflag:s29] =	ssyncadd.s32 $0xFFFFFFFF  }
0xb5: {  	_ =	strace $0x90000048  }
0xb6: {  	_ =	sfence  }
0xb7: {  	s30 =	sld [smem:$0x0];
	_ =	sdelay $0x2  }
0xb8: {  	s31 =	sshll.u32 s1, $0xD;
	s1 =	sshrl.u32 s1, $0x2  }
0xb9: {  	s3 =	sand.u32 $0x4000, s31;
	s1 =	sadd.s32 s1, s30  }
0xba: {  	s0 =	sor.u32 s3, s0;
	s1 =	sshll.u32 s1, $0x11  }
0xbb: {  	s0 =	sor.u32 s1, s0  }
0xbc: {  	s0 =	sadd.s32 $0x8F2B, s0  }
0xbd: {  	[sflag:s0] =	ssyncadd.remote.s32 $0x1  }
0xbe: {  	_ =	sfence.sel $0xFFFF  }
0xbf: {  	[dreg:$0x0] =	wrdreg $0xFFFFFFFF;
	(pc) =	sbr.abs _section_cstart, $3  }
0xc0: {  	[dreg:$0x1] =	wrdreg $0xFFFFFFFF  }
0xc1: {  	_ =	task.clear_ibuf [dreg:s6], $0x2FFFF;
	_ =	strace $0x9FFFFFFF  }
0xc2: {  	(tm) =	ssettm $0x7FFFFFFF  }
0xc3: {  	_ =	shalt  }
tec
execute0_lowered:
.L_overlay_start_1:
0x0: {  	(tag) =	ssettag $0x1  }
0x1: {  	s3 =	rddreg [dreg:$0x0]  }
0x2: {  	s1 =	rddreg [dreg:$0x1]  }
0x3: {  	s0 =	rddreg [dreg:$0x2]  }
0x4: {  	s2 =	simm.s32 $0x0;
	s6 =	srdreg.scid;
	s12 =	simm.s32 $0x1  }
0x5: {  	s13 =	simm.s32 $0x400;
	s14 =	simm.s32 $0x2B80;
	s15 =	simm.s32 $0x2  }
0x6: {  	s4 =	sadd.s32 $0x2200, s3;
	s5 =	sadd.s32 $0xC200, s3;
	s3 =	stileid.u32  }
0x7: {  	s16 =	simm.s32 $0x2C00;
	s17 =	simm.s32 $0x0;
	s8 =	smul.u32 $0x9E00, s3  }
0x8: {  	[smem:$0x7FF] =	sst s2;
	s9 =	sand.u32 $0x1, s6;
	s11 =	smul.u32 $0xA00, s3  }
.Ltmp0:
0x9: {  	s6 =	ssub.s32 $0x2, s9;
	s7 =	sshll.u32 s9, $0x4;
	(pc) =	sbr.rel .LBB2_1-.Ltmp0, $4  }
0xa: {  	s9 =	smul.u32 $0x2780, s9;
	s10 =	sshrl.u32 s6, $0x1;
	s7 =	sor.u32 s3, s7  }
0xb: {  	_ =	strace $0x80000047;
	s10 =	ssub.s32 s6, s10;
	s6 =	smul.u32 $0x2800, s7  }
0xc: {  	s31 =	sshrl.u32 s8, $0x2;
	s8 =	smul.u32 $0x5, s3;
	s11 =	sshrl.u32 s11, $0x2  }
0xd: {  	v0 =	vimm.f32 $0.0e+00;
	v1 =	vimm.f32 $1.000000000e+00;
	s7 =	sadd.s32 s31, s1;
	s10 =	smax.u32 s10, $0x1;
	s11 =	sadd.s32 s11, s1  }
.LBB2_13:
0xe: {  	s17 =	sadd.s32 $0x1, s17  }
0xf: {  	p0 =	sne.s32 s17, s10  }
.Ltmp1:
0x10: {  	_ = 	snop;
	(pc) =	sbr.rel @!p0 .LBB2_14-.Ltmp1, $1  }
0x11: {  	_ =	sdelay $0x3  }
.LBB2_1:
0x12: {  	s18 =	simm.s32 $0x40;
	s19 =	simm.s32 $0x0  }
.LBB2_2:
0x13: {  	p0 =	sne.s32 s18, $0x9DC0;
	[tilespmem:s19+$0x400] =	vst v0;
	s19 =	smov.u32 s18;
	s18 =	sadd.s32 $0x40, s18  }
.Ltmp2:
0x14: {  	(pc) =	sbr.rel @p0 .LBB2_2-.Ltmp2, $2  }
0x15: {  	_ =	sdelay $0x2  }
0x16: {  	s19 =	sshra.s32 s19, $0x2  }
0x17: {  	[tilespmem:s19+$0x400] =	vst v0;
	s18 =	simm.s32 $0x0;
	s19 =	simm.s32 $0x0  }
.LBB2_4:
0x18: {  	s20 =	sshll.u32 s19, $0xA  }
0x19: {  	s20 =	sadd.s32 s6, s20  }
0x1a: {  	s20 =	sshrl.u32 s20, $0x3  }
0x1b: {  	s20 =	sadd.s32 s4, s20  }
0x1c: {  	[tilespmem:s18], [sflag:$0x1] =	stream.linear.gather [hbm4b:s20+s18], $0x400, $0x38;
	[tilespmem:$0x5400] =	vst v63  }
0x1d: {  	_ =	swait.ge [sflag:s12], $0x400  }
0x1e: {  	[sflag:s12] =	ssyncset.done $0x0  }
0x1f: {  	s21 =	simm.s32 $0x0;
	s20 =	simm.s32 $0x40;
	[sflag:s12] =	ssyncadd.s32 $0xFFFFFC00  }
.LBB2_5:
0x20: {  	p0 =	sne.s32 s20, $0xFC0;
	v2 =	vld [tilespmem:s21+$0x0];
	_ =	sdelay $0x3  }
.Ltmp3:
0x21: {  	(pc) =	sbr.rel @p0 .LBB2_5-.Ltmp3, $2  }
0x22: {  	_ =	sdelay $0x2  }
0x23: {  	s21 =	sshra.s32 s20, $0x2;
	s20 =	sadd.s32 $0x40, s20;
	[tilespmem:v2+s13+$0x0] =	vst.idx.add.f32.msk $0xffff, v1  }
0x24: {  	v2 =	vld [tilespmem:s21+$0x0];
	_ =	sdelay $0x1  }
0x25: {  	s19 =	sadd.s32 $0x1, s19  }
0x26: {  	p0 =	sne.s32 s19, $0xA  }
.Ltmp4:
0x27: {  	_ = 	snop;
	(pc) =	sbr.rel @p0 .LBB2_4-.Ltmp4, $2  }
0x28: {  	_ =	sdelay $0x2  }
0x29: {  	[tilespmem:v2+s13+$0x0] =	vst.idx.add.f32.msk $0xffff, v1  }
0x2a: {  	[spmem:s7] =	stream.linear.scatter [tilespmem:s13], [sflag:$0x1], $0x2780, $0x38;
	[tilespmem:$0x5400] =	vst v63  }
.Ltmp5:
0x2b: {  	_ =	swait.ge [sflag:s12], $0x2780;
	(pc) =	sbr.rel .LBB2_8-.Ltmp5, $4  }
0x2c: {  	[sflag:s12] =	ssyncset.done $0x0  }
0x2d: {  	[sflag:s12] =	ssyncadd.s32 $0xFFFFD880  }
0x2e: {  	[bflag:$0x0] =	sbarrier.arrive $0xFFFF  }
0x2f: {  	s18 =	simm.s32 $0x0;
	s19 =	smov.u32 s11  }
.LBB2_12:
0x30: {  	s18 =	sadd.s32 $0x1, s18  }
0x31: {  	p0 =	sne.s32 s18, $0x5  }
.Ltmp6:
0x32: {  	_ = 	snop;
	(pc) =	sbr.rel @!p0 .LBB2_13-.Ltmp6, $2  }
0x33: {  	_ =	sdelay $0x2  }
0x34: {  	s19 =	sadd.s32 $0x80, s19  }
.LBB2_8:
0x35: {  	s20 =	sadd.s32 s8, s18  }
0x36: {  	p0 =	sgt.u32 s20, $0x4E  }
.Ltmp7:
0x37: {  	_ = 	snop;
	(pc) =	sbr.rel @p0 .LBB2_12-.Ltmp7, $1  }
0x38: {  	_ =	sdelay $0x3  }
0x39: {  	s20 =	sshll.u32 s20, $0x7  }
0x3a: {  	s21 =	sand.u32 $0x3FFFFF80, s20  }
0x3b: {  	s21 =	sadd.s32 s21, s1  }
0x3c: {  	[tilespmem:s14], [sflag:$0x2] =	stream.linear.gather [spmem:s21], $0x80, $0x38;
	[tilespmem:$0x5400] =	vst v63  }
0x3d: {  	_ =	swait.ge [sflag:s15], $0x80  }
0x3e: {  	[sflag:s15] =	ssyncset.done $0x0  }
0x3f: {  	s31 =	sadd.s32 $0x2780, s19;
	[sflag:s15] =	ssyncadd.s32 $0xFFFFFF80  }
0x40: {  	[tilespmem:s16], [sflag:$0x2] =	stream.linear.gather [spmem:s31], $0x80, $0x38;
	[tilespmem:$0x5400] =	vst v63  }
0x41: {  	_ =	swait.ge [sflag:s15], $0x80  }
0x42: {  	[sflag:s15] =	ssyncset.done $0x0  }
0x43: {  	[sflag:s15] =	ssyncadd.s32 $0xFFFFFF80  }
0x44: {  	v5 =	vld [tilespmem:$0x2C70]  }
0x45: {  	v4 =	vld [tilespmem:$0x2C60]  }
0x46: {  	v2 =	vld [tilespmem:$0x2C50]  }
0x47: {  	v7 =	vld [tilespmem:$0x2C30]  }
0x48: {  	v6 =	vld [tilespmem:$0x2C20]  }
0x49: {  	s21 =	simm.s32 $0x13C00;
	v3 =	vld [tilespmem:$0x2C40]  }
.LBB2_10:
0x4a: {  	p0 =	sne.s32 s21, $0x94200;
	v8 =	vld [tilespmem:$0x2C10];
	s22 =	smov.u32 s21;
	s21 =	sadd.s32 $0x9E00, s21  }
0x4b: {  	v9 =	vld [tilespmem:$0x2C00]  }
0x4c: {  	v10 =	vld [tilespmem:$0x2BB0]  }
0x4d: {  	v11 =	vld [tilespmem:$0x2BA0]  }
0x4e: {  	v12 =	vld [tilespmem:$0x2BF0]  }
0x4f: {  	v13 =	vld [tilespmem:$0x2B90]  }
0x50: {  	v14 =	vld [tilespmem:$0x2BE0]  }
0x51: {  	v7 =	vadd.f32 v7, v10;
	v10 =	vld [tilespmem:$0x2BD0]  }
0x52: {  	v15 =	vld [tilespmem:$0x2B80];
	v6 =	vadd.f32 v6, v11  }
0x53: {  	[tilespmem:$0x2BB0] =	vst v7;
	v7 =	vld [tilespmem:$0x2BC0];
	v5 =	vadd.f32 v5, v12  }
0x54: {  	v8 =	vadd.f32 v8, v13;
	[tilespmem:$0x2BA0] =	vst v6  }
0x55: {  	v4 =	vadd.f32 v4, v14;
	[tilespmem:$0x2BF0] =	vst v5  }
0x56: {  	[tilespmem:$0x2B90] =	vst v8;
	v2 =	vadd.f32 v2, v10  }
0x57: {  	v5 =	vadd.f32 v9, v15;
	[tilespmem:$0x2BE0] =	vst v4  }
0x58: {  	s22 =	sshra.s32 s22, $0x2;
	v3 =	vadd.f32 v3, v7;
	[tilespmem:$0x2BD0] =	vst v2  }
0x59: {  	s22 =	sadd.s32 s22, s19;
	[tilespmem:$0x2B80] =	vst v5  }
0x5a: {  	[tilespmem:$0x2BC0] =	vst v3  }
0x5b: {  	[tilespmem:s16], [sflag:$0x2] =	stream.linear.gather [spmem:s22], $0x80, $0x38;
	[tilespmem:$0x5400] =	vst v63  }
0x5c: {  	_ =	swait.ge [sflag:s15], $0x80  }
0x5d: {  	[sflag:s15] =	ssyncset.done $0x0  }
0x5e: {  	[sflag:s15] =	ssyncadd.s32 $0xFFFFFF80  }
0x5f: {  	v5 =	vld [tilespmem:$0x2C70]  }
.Ltmp8:
0x60: {  	v4 =	vld [tilespmem:$0x2C60];
	(pc) =	sbr.rel @p0 .LBB2_10-.Ltmp8, $4  }
0x61: {  	v2 =	vld [tilespmem:$0x2C50]  }
0x62: {  	v7 =	vld [tilespmem:$0x2C30]  }
0x63: {  	v6 =	vld [tilespmem:$0x2C20]  }
0x64: {  	v3 =	vld [tilespmem:$0x2C40]  }
0x65: {  	v8 =	vld [tilespmem:$0x2C10]  }
0x66: {  	v9 =	vld [tilespmem:$0x2C00]  }
0x67: {  	v10 =	vld [tilespmem:$0x2BB0]  }
0x68: {  	v11 =	vld [tilespmem:$0x2BA0]  }
0x69: {  	v12 =	vld [tilespmem:$0x2BF0]  }
0x6a: {  	v13 =	vld [tilespmem:$0x2B90]  }
0x6b: {  	v14 =	vld [tilespmem:$0x2BE0]  }
0x6c: {  	v61 =	vld [tilespmem:$0x2BD0];
	v7 =	vadd.f32 v7, v10  }
0x6d: {  	v15 =	vld [tilespmem:$0x2B80];
	v6 =	vadd.f32 v6, v11  }
0x6e: {  	v62 =	vld [tilespmem:$0x2BC0];
	v5 =	vadd.f32 v5, v12;
	[tilespmem:$0x2BB0] =	vst v7  }
0x6f: {  	v8 =	vadd.f32 v8, v13;
	[tilespmem:$0x2BA0] =	vst v6  }
0x70: {  	v4 =	vadd.f32 v4, v14;
	[tilespmem:$0x2BF0] =	vst v5  }
0x71: {  	v2 =	vadd.f32 v2, v61;
	[tilespmem:$0x2B90] =	vst v8  }
0x72: {  	v63 =	vadd.f32 v9, v15;
	[tilespmem:$0x2BE0] =	vst v4  }
0x73: {  	s20 =	sadd.s32 s9, s20;
	v3 =	vadd.f32 v3, v62;
	[tilespmem:$0x2BD0] =	vst v2  }
0x74: {  	s20 =	sshrl.u32 s20, $0x3;
	[tilespmem:$0x2B80] =	vst v63  }
.Ltmp9:
0x75: {  	s20 =	sadd.s32 s5, s20;
	[tilespmem:$0x2BC0] =	vst v3;
	(pc) =	sbr.rel .LBB2_12-.Ltmp9, $4  }
0x76: {  	[hbm4b:s20+s2] =	stream.linear.scatter [tilespmem:s14], [sflag:$0x1], $0x80, $0x38;
	[tilespmem:$0x5400] =	vst v63  }
0x77: {  	_ =	swait.ge [sflag:s12], $0x80  }
0x78: {  	[sflag:s12] =	ssyncset.done $0x0  }
0x79: {  	[sflag:s12] =	ssyncadd.s32 $0xFFFFFF80  }
.LBB2_14:
0x7a: {  	_ =	sfence.sel $0x180000  }
0x7b: {  	[bflag:$0x0] =	sbarrier.arrive $0xFFFF  }
0x7c: {  	p0 =	sne.s32 s3, $0x0;
	_ =	strace $0x90000047  }
0x7d: {  	s0 =	sadd.s32 @!p0 $0x100000, s0;
	[bflag:$0x2] =	sbarrier.arrive $0xFFFF  }
0x7e: {  	[sflag:s0] =	ssyncadd.tile.s32 @!p0 $0x1;
	_ =	shalt  }
.Lfunc_end2:
_tile_overlayer_lowered:
.L_overlay_start_2:
0x7f: {  	(tag) =	ssettag $0x2  }
0x80: {  	s0 =	rddreg [dreg:$0x0];
	s2 =	stileid.u32  }
0x81: {  	s1 =	rddreg [dreg:$0x1];
	p0 =	sne.s32 s2, $0x0  }
0x82: {  	s3 =	rddreg [dreg:$0x2];
	[bflag:$0x3] =	sbarrier.arrive $0xFFFF;
	s2 =	simm.s32 @!p0 $0x1C01  }
0x83: {  	[timem:s3], [sflag:s2] =	dma.local @!p0 [hbm:s0], s1  }
0x84: {  	s0 =	simm.s32 @!p0 $0x1  }
0x85: {  	_ =	swait.ge @!p0 [sflag:s0], s1  }
0x86: {  	s1 =	ssub.s32 @!p0 $0x0, s1;
	[sflag:s0] =	ssyncset.done @!p0 $0x0  }
0x87: {  	[sflag:s0] =	ssyncadd.s32 @!p0 s1  }
0x88: {  	[bflag:$0x3] =	sbarrier.arrive $0xFFFF  }
0x89: {  	_ =	shalt  }

</sc_bundles>
